<compile_context>
chip_gen: v7x
topology: tpu7x:2x2x1
jax: 0.10.2.dev20260603
libtpu: 0.0.44.dev20260713+nightly
codegen_flags: <defaults>
</compile_context>

<pallas_src>
import functools

import jax
import jax.numpy as jnp
from jax import lax
from jax.experimental import pallas as pl
from jax.experimental.pallas import tpu as pltpu
from jax.experimental.pallas import tpu_sc as plsc

NC = 2
NS = 16
NW = NC * NS
IDX_W = 128
FIRE = 5
CB = 16384


def _pre_body(d, tt_ref, w_ref, out_ref):
    cb2 = CB // 2
    pa = lax.dot_general(tt_ref[:, 0:cb2], w_ref[...], (((0,), (1,)), ((), ())),
                         preferred_element_type=jnp.float32)
    pb = lax.dot_general(tt_ref[:, cb2:CB], w_ref[...], (((0,), (1,)), ((), ())),
                         preferred_element_type=jnp.float32)
    out_ref[...] = jnp.concatenate([pa, pb], axis=1)


def _pre_project(tableT, W, nblk, d):
    return pl.pallas_call(
        functools.partial(_pre_body, d),
        grid=(nblk,),
        in_specs=[
            pl.BlockSpec((d, CB), lambda j: (0, j)),
            pl.BlockSpec((d, d), lambda j: (0, 0)),
        ],
        out_specs=pl.BlockSpec((CB // 2, 2 * d), lambda j: (j, 0)),
        out_shape=jax.ShapeDtypeStruct((nblk * CB // 2, 2 * d), jnp.float32),
    )(tableT, W)


def _sc_gather(ids3d, pt, n_rows, row_w):
    rows_per_w = n_rows // NW
    idx_rows = rows_per_w // IDX_W
    n_batches = idx_rows // FIRE
    buf_rows = FIRE * IDX_W

    mesh = plsc.VectorSubcoreMesh(core_axis_name="c", subcore_axis_name="s")

    @functools.partial(
        pl.kernel,
        mesh=mesh,
        compiler_params=pltpu.CompilerParams(use_tc_tiling_on_sc=False),
        out_type=jax.ShapeDtypeStruct((n_rows, 2 * row_w), jnp.float32),
        scratch_types=[
            pltpu.VMEM((idx_rows, IDX_W), jnp.int32),
            pltpu.VMEM((buf_rows, row_w), jnp.float32),
            pltpu.SemaphoreType.DMA,
        ],
    )
    def gather_kernel(ids_hbm, pt_hbm, out_hbm, idx_v, rows_v, sem):
        wid = lax.axis_index("s") * NC + lax.axis_index("c")
        pltpu.sync_copy(ids_hbm.at[wid], idx_v)
        for c in range(n_batches):
            handles = []
            for j in range(FIRE):
                handles.append(pltpu.async_copy(
                    pt_hbm.at[idx_v.at[c * FIRE + j]],
                    rows_v.at[pl.ds(j * IDX_W, IDX_W)],
                    sem,
                ))
            for h in handles:
                h.wait()
            base = wid * rows_per_w + c * buf_rows
            pltpu.sync_copy(
                rows_v, out_hbm.at[pl.ds(base, buf_rows), pl.ds(0, row_w)])

    return gather_kernel(ids3d, pt)


def _tc_body(na, bb, lb, d, xt_ref, alignt_ref, embs_ref, gate_ref, out_ref):
    embs2 = embs_ref[...][:, :, 0:d].reshape(na * bb, d)
    r0 = lax.broadcasted_iota(jnp.int32, (d, d), 0)
    r1 = lax.broadcasted_iota(jnp.int32, (d, d), 1)
    eye = (r0 == r1).astype(jnp.float32)
    proj_all = lax.dot_general(eye, embs2, (((1,), (1,)), ((), ())),
                               preferred_element_type=jnp.float32)
    pi = lax.bitcast_convert_type(proj_all, jnp.int32)
    rnd = jnp.int32(0x8000)
    msk = jnp.int32(-65536)
    packed = []
    for a2 in range(na // 2):
        lo = pi[:, (2 * a2) * bb:(2 * a2 + 1) * bb]
        hi = pi[:, (2 * a2 + 1) * bb:(2 * a2 + 2) * bb]
        packed.append(((hi + rnd) & msk) | lax.shift_right_logical(lo + rnd, 16))
    t = jnp.tanh(gate_ref[0, 0])
    lch = 4
    for lc in range(0, lb, lch):
        al = alignt_ref[pl.ds(lc, lch), :]
        al2 = al >> 1
        shamt = ((al & 1) ^ 1) << 4
        acc = jnp.broadcast_to(packed[0][None, :, :], (lch, d, bb))
        for a2 in range(1, na // 2):
            acc = jnp.where((al2 == a2)[:, None, :], packed[a2][None, :, :], acc)
        tmp = lax.shift_left(acc, jnp.broadcast_to(shamt[:, None, :], acc.shape))
        sel = lax.bitcast_convert_type(tmp & msk, jnp.float32)
        out_ref[pl.ds(lc, lch)] = xt_ref[pl.ds(lc, lch)] + t * sel


def kernel(x, anchor_ids, anchor_alignment, table, W, gate):
    b, ll, d = x.shape
    na = anchor_ids.shape[1]
    v = table.shape[0]
    bb = 128
    lb = 40

    nblk = (v + CB - 1) // CB
    cb2 = CB // 2

    tableT = table.T
    pt = _pre_project(tableT, W, nblk, d)

    pt2 = pt.reshape(nblk * CB, d)
    ids_p = anchor_ids.astype(jnp.int32).T.reshape(-1)
    ib, off = ids_p // CB, ids_p % CB
    ids2 = 2 * (ib * cb2 + off % cb2) + off // cb2
    ids3d = ids2.reshape(NW, b * na // (NW * IDX_W), IDX_W)
    embs = _sc_gather(ids3d, pt2, b * na, d)
    embs3 = embs.reshape(na, b, 2 * d)

    xt = jnp.transpose(x, (1, 2, 0))
    alignt = anchor_alignment.astype(jnp.int32).T
    gate2 = gate.reshape(1, 1)

    outt = pl.pallas_call(
        functools.partial(_tc_body, na, bb, lb, d),
        grid=(b // bb, ll // lb),
        in_specs=[
            pl.BlockSpec((lb, d, bb), lambda i, j: (j, 0, i)),
            pl.BlockSpec((lb, bb), lambda i, j: (j, i)),
            pl.BlockSpec((na, bb, 2 * d), lambda i, j: (0, i, 0)),
            pl.BlockSpec((1, 1), lambda i, j: (0, 0)),
        ],
        out_specs=pl.BlockSpec((lb, d, bb), lambda i, j: (j, 0, i)),
        out_shape=jax.ShapeDtypeStruct((ll, d, b), jnp.float32),
    )(xt, alignt, embs3, gate2)

    return jnp.transpose(outt, (2, 0, 1))

# --- scband reference (transcript-rebuilt; emitter-appended) ---
"""Pipeline reference for scband-embed-anchors-3410204033085 (READ-ONLY COPY).

The authoritative reference and input builder live on the scoring server;
editing this copy changes nothing except your own understanding.
"""

import jax, jax.numpy as jnp
import numpy as np

NUM_EMBEDDINGS = 1000000
EMBED_DIM = 64
OUT_DIM = 64
B = 4096
N_ANCHORS = 20
L = 200


def setup_inputs(seed: int = 0) -> dict:
    key = jax.random.key(seed)
    k1, k2, k3, k4, k5, k6 = jax.random.split(key, 6)
    x = jax.random.normal(k1, (B, L, OUT_DIM), dtype=jnp.float32)
    anchor_ids = jax.random.randint(k2, (B, N_ANCHORS), 0, NUM_EMBEDDINGS, dtype=jnp.int64)
    anchor_alignment = jax.random.randint(k3, (B, L), 0, N_ANCHORS, dtype=jnp.int64)
    # Embedding table with padding row at index NUM_EMBEDDINGS (zeroed)
    table = jax.random.normal(k4, (NUM_EMBEDDINGS + 1, EMBED_DIM), dtype=jnp.float32)
    table = table.at[NUM_EMBEDDINGS].set(0.0)
    # Linear(embedding_dim, out_dim, bias=False): weight shape [out_dim, embed_dim]
    W = jax.random.normal(k5, (OUT_DIM, EMBED_DIM), dtype=jnp.float32) * (1.0 / np.sqrt(EMBED_DIM))
    # gate parameter (torch init is 0.0; use small random for nontrivial output)
    gate = jax.random.normal(k6, (1,), dtype=jnp.float32) * 0.5
    return {"x": x, "anchor_ids": anchor_ids, "anchor_alignment": anchor_alignment, "table": table, "W": W, "gate": gate}


def reference(x, anchor_ids, anchor_alignment, table, W, gate):
    # anchor_ids.gather(1, anchor_alignment)
    gathered_ids = jnp.take_along_axis(anchor_ids, anchor_alignment, axis=1)  # [B, L]
    # embedding lookup
    embs = jnp.take(table, gathered_ids, axis=0)  # [B, L, EMBED_DIM]
    # linear projection (no bias)
    proj = embs @ W.T  # [B, L, OUT_DIM]
    return x + jnp.tanh(gate) * proj

if __name__ == "__main__":
    import jax
    _d = setup_inputs()
    print(jax.jit(kernel)(*tuple(_d.values())))

</pallas_src>

<mosaic_0001>
#map = affine_map<(d0, d1) -> (0, 0, 0)>
#map1 = affine_map<(d0, d1) -> (0, 0)>
module attributes {stable_mosaic.version = 14 : i64} {
  func.func @gather_kernel(%arg0: i32, %arg1: i32, %arg2: memref<32x20x128xi32, #tpu.memory_space<hbm>>, %arg3: memref<1015808x64xf32, #tpu.memory_space<hbm>>, %arg4: memref<81920x128xf32, #tpu.memory_space<hbm>>, %arg5: memref<20x128xi32, #tpu.memory_space<vmem>>, %arg6: memref<640x64xf32, #tpu.memory_space<vmem>>, %arg7: memref<!tpu.dma_semaphore, #tpu.memory_space<semaphore_mem>>) attributes {dimension_semantics = [#tpu.dimension_semantics<core_parallel>, #tpu.dimension_semantics<subcore_parallel>], iteration_bounds = array<i64: 2, 16>, scalar_prefetch = 0 : i64, scratch_operands = 3 : i64, tpu.core_type = #tpu.core_type<sc_vector_subcore>, window_params = [{transform_indices = #map}, {transform_indices = #map1}, {transform_indices = #map1}]} {
    %mul3A = arith.constant 2 : i32
    %mul3A_0 = arith.muli %arg1, %mul3A : i32
    %add3A = arith.addi %mul3A_0, %arg0 : i32
    "tpu.region"() ({
      %run_scoped3A = tpu.sem_alloc : memref<!tpu.dma_semaphore, #tpu.memory_space<semaphore_mem>>
      %dma_start3A_415 = arith.constant 0 : i32
      %dma_start3A_416 = arith.constant 0 : i32
      %dma_start3A_417 = tpu.memref_slice %arg2[%add3A, %dma_start3A_415, %dma_start3A_416] : memref<32x20x128xi32, #tpu.memory_space<hbm>> -> memref<1x20x128xi32, #tpu.memory_space<hbm>>
      %dma_start3A_418 = tpu.memref_squeeze %dma_start3A_417 : memref<1x20x128xi32, #tpu.memory_space<hbm>> -> memref<20x128xi32, #tpu.memory_space<hbm>>
      %dma_start3A_419 = arith.constant 0 : i32
      %dma_start3A_420 = arith.constant 0 : i32
      %dma_start3A_421 = tpu.memref_slice %arg2[%add3A, %dma_start3A_419, %dma_start3A_420] : memref<32x20x128xi32, #tpu.memory_space<hbm>> -> memref<1x20x128xi32, #tpu.memory_space<hbm>>
      %dma_start3A_422 = tpu.memref_squeeze %dma_start3A_421 : memref<1x20x128xi32, #tpu.memory_space<hbm>> -> memref<20x128xi32, #tpu.memory_space<hbm>>
      tpu.enqueue_dma source(%dma_start3A_422 : memref<20x128xi32, #tpu.memory_space<hbm>>) target(%arg5 : memref<20x128xi32, #tpu.memory_space<vmem>>) target_semaphore(%run_scoped3A : memref<!tpu.dma_semaphore, #tpu.memory_space<semaphore_mem>>)
      %dma_wait3A_423 = arith.constant 0 : i32
      %dma_wait3A_424 = arith.constant 0 : i32
      %dma_wait3A_425 = tpu.memref_slice %arg2[%add3A, %dma_wait3A_423, %dma_wait3A_424] : memref<32x20x128xi32, #tpu.memory_space<hbm>> -> memref<1x20x128xi32, #tpu.memory_space<hbm>>
      %dma_wait3A_426 = tpu.memref_squeeze %dma_wait3A_425 : memref<1x20x128xi32, #tpu.memory_space<hbm>> -> memref<20x128xi32, #tpu.memory_space<hbm>>
      %dma_wait3A_427 = arith.constant 0 : i32
      %dma_wait3A_428 = arith.constant 0 : i32
      %dma_wait3A_429 = tpu.memref_slice %arg2[%add3A, %dma_wait3A_427, %dma_wait3A_428] : memref<32x20x128xi32, #tpu.memory_space<hbm>> -> memref<1x20x128xi32, #tpu.memory_space<hbm>>
      %dma_wait3A_430 = tpu.memref_squeeze %dma_wait3A_429 : memref<1x20x128xi32, #tpu.memory_space<hbm>> -> memref<20x128xi32, #tpu.memory_space<hbm>>
      tpu.wait_dma2 semaphore(%run_scoped3A : memref<!tpu.dma_semaphore, #tpu.memory_space<semaphore_mem>>) src(%dma_wait3A_430 : memref<20x128xi32, #tpu.memory_space<hbm>>) dst(%arg5 : memref<20x128xi32, #tpu.memory_space<vmem>>)
      tpu.yield
    }) : () -> ()
    %dma_start3A = arith.constant 0 : i32
    %dma_start3A_1 = arith.constant 0 : i32
    %dma_start3A_2 = arith.constant 0 : i32
    %dma_start3A_3 = tpu.memref_slice %arg6[%dma_start3A_1, %dma_start3A_2] : memref<640x64xf32, #tpu.memory_space<vmem>> -> memref<128x64xf32, #tpu.memory_space<vmem>>
    %dma_start3A_4 = arith.constant 0 : i32
    %dma_start3A_5 = tpu.memref_slice %arg5[%dma_start3A, %dma_start3A_4] : memref<20x128xi32, #tpu.memory_space<vmem>> -> memref<1x128xi32, #tpu.memory_space<vmem>>
    %dma_start3A_6 = tpu.memref_squeeze %dma_start3A_5 : memref<1x128xi32, #tpu.memory_space<vmem>> -> memref<128xi32, #tpu.memory_space<vmem>>
    %dma_start3A_7 = arith.constant 0 : i32
    %dma_start3A_8 = arith.constant 0 : i32
    %dma_start3A_9 = tpu.memref_slice %arg3[%dma_start3A_7, %dma_start3A_8] : memref<1015808x64xf32, #tpu.memory_space<hbm>> -> memref<1015808x64xf32, #tpu.memory_space<hbm>>
    tpu.enqueue_indirect_dma source(%dma_start3A_9 : memref<1015808x64xf32, #tpu.memory_space<hbm>>) target(%dma_start3A_3 : memref<128x64xf32, #tpu.memory_space<vmem>>) offsets(%dma_start3A_6 : memref<128xi32, #tpu.memory_space<vmem>>) semaphore(%arg7 : memref<!tpu.dma_semaphore, #tpu.memory_space<semaphore_mem>>)
    %dma_start3A_10 = arith.constant 1 : i32
    %dma_start3A_11 = arith.constant 128 : i32
    %dma_start3A_12 = arith.constant 0 : i32
    %dma_start3A_13 = tpu.memref_slice %arg6[%dma_start3A_11, %dma_start3A_12] : memref<640x64xf32, #tpu.memory_space<vmem>> -> memref<128x64xf32, #tpu.memory_space<vmem>>
    %dma_start3A_14 = arith.constant 0 : i32
    %dma_start3A_15 = tpu.memref_slice %arg5[%dma_start3A_10, %dma_start3A_14] : memref<20x128xi32, #tpu.memory_space<vmem>> -> memref<1x128xi32, #tpu.memory_space<vmem>>
    %dma_start3A_16 = tpu.memref_squeeze %dma_start3A_15 : memref<1x128xi32, #tpu.memory_space<vmem>> -> memref<128xi32, #tpu.memory_space<vmem>>
    %dma_start3A_17 = arith.constant 0 : i32
    %dma_start3A_18 = arith.constant 0 : i32
    %dma_start3A_19 = tpu.memref_slice %arg3[%dma_start3A_17, %dma_start3A_18] : memref<1015808x64xf32, #tpu.memory_space<hbm>> -> memref<1015808x64xf32, #tpu.memory_space<hbm>>
    tpu.enqueue_indirect_dma source(%dma_start3A_19 : memref<1015808x64xf32, #tpu.memory_space<hbm>>) target(%dma_start3A_13 : memref<128x64xf32, #tpu.memory_space<vmem>>) offsets(%dma_start3A_16 : memref<128xi32, #tpu.memory_space<vmem>>) semaphore(%arg7 : memref<!tpu.dma_semaphore, #tpu.memory_space<semaphore_mem>>)
    %dma_start3A_20 = arith.constant 2 : i32
    %dma_start3A_21 = arith.constant 256 : i32
    %dma_start3A_22 = arith.constant 0 : i32
    %dma_start3A_23 = tpu.memref_slice %arg6[%dma_start3A_21, %dma_start3A_22] : memref<640x64xf32, #tpu.memory_space<vmem>> -> memref<128x64xf32, #tpu.memory_space<vmem>>
    %dma_start3A_24 = arith.constant 0 : i32
    %dma_start3A_25 = tpu.memref_slice %arg5[%dma_start3A_20, %dma_start3A_24] : memref<20x128xi32, #tpu.memory_space<vmem>> -> memref<1x128xi32, #tpu.memory_space<vmem>>
    %dma_start3A_26 = tpu.memref_squeeze %dma_start3A_25 : memref<1x128xi32, #tpu.memory_space<vmem>> -> memref<128xi32, #tpu.memory_space<vmem>>
    %dma_start3A_27 = arith.constant 0 : i32
    %dma_start3A_28 = arith.constant 0 : i32
    %dma_start3A_29 = tpu.memref_slice %arg3[%dma_start3A_27, %dma_start3A_28] : memref<1015808x64xf32, #tpu.memory_space<hbm>> -> memref<1015808x64xf32, #tpu.memory_space<hbm>>
    tpu.enqueue_indirect_dma source(%dma_start3A_29 : memref<1015808x64xf32, #tpu.memory_space<hbm>>) target(%dma_start3A_23 : memref<128x64xf32, #tpu.memory_space<vmem>>) offsets(%dma_start3A_26 : memref<128xi32, #tpu.memory_space<vmem>>) semaphore(%arg7 : memref<!tpu.dma_semaphore, #tpu.memory_space<semaphore_mem>>)
    %dma_start3A_30 = arith.constant 3 : i32
    %dma_start3A_31 = arith.constant 384 : i32
    %dma_start3A_32 = arith.constant 0 : i32
    %dma_start3A_33 = tpu.memref_slice %arg6[%dma_start3A_31, %dma_start3A_32] : memref<640x64xf32, #tpu.memory_space<vmem>> -> memref<128x64xf32, #tpu.memory_space<vmem>>
    %dma_start3A_34 = arith.constant 0 : i32
    %dma_start3A_35 = tpu.memref_slice %arg5[%dma_start3A_30, %dma_start3A_34] : memref<20x128xi32, #tpu.memory_space<vmem>> -> memref<1x128xi32, #tpu.memory_space<vmem>>
    %dma_start3A_36 = tpu.memref_squeeze %dma_start3A_35 : memref<1x128xi32, #tpu.memory_space<vmem>> -> memref<128xi32, #tpu.memory_space<vmem>>
    %dma_start3A_37 = arith.constant 0 : i32
    %dma_start3A_38 = arith.constant 0 : i32
    %dma_start3A_39 = tpu.memref_slice %arg3[%dma_start3A_37, %dma_start3A_38] : memref<1015808x64xf32, #tpu.memory_space<hbm>> -> memref<1015808x64xf32, #tpu.memory_space<hbm>>
    tpu.enqueue_indirect_dma source(%dma_start3A_39 : memref<1015808x64xf32, #tpu.memory_space<hbm>>) target(%dma_start3A_33 : memref<128x64xf32, #tpu.memory_space<vmem>>) offsets(%dma_start3A_36 : memref<128xi32, #tpu.memory_space<vmem>>) semaphore(%arg7 : memref<!tpu.dma_semaphore, #tpu.memory_space<semaphore_mem>>)
    %dma_start3A_40 = arith.constant 4 : i32
    %dma_start3A_41 = arith.constant 512 : i32
    %dma_start3A_42 = arith.constant 0 : i32
    %dma_start3A_43 = tpu.memref_slice %arg6[%dma_start3A_41, %dma_start3A_42] : memref<640x64xf32, #tpu.memory_space<vmem>> -> memref<128x64xf32, #tpu.memory_space<vmem>>
    %dma_start3A_44 = arith.constant 0 : i32
    %dma_start3A_45 = tpu.memref_slice %arg5[%dma_start3A_40, %dma_start3A_44] : memref<20x128xi32, #tpu.memory_space<vmem>> -> memref<1x128xi32, #tpu.memory_space<vmem>>
    %dma_start3A_46 = tpu.memref_squeeze %dma_start3A_45 : memref<1x128xi32, #tpu.memory_space<vmem>> -> memref<128xi32, #tpu.memory_space<vmem>>
    %dma_start3A_47 = arith.constant 0 : i32
    %dma_start3A_48 = arith.constant 0 : i32
    %dma_start3A_49 = tpu.memref_slice %arg3[%dma_start3A_47, %dma_start3A_48] : memref<1015808x64xf32, #tpu.memory_space<hbm>> -> memref<1015808x64xf32, #tpu.memory_space<hbm>>
    tpu.enqueue_indirect_dma source(%dma_start3A_49 : memref<1015808x64xf32, #tpu.memory_space<hbm>>) target(%dma_start3A_43 : memref<128x64xf32, #tpu.memory_space<vmem>>) offsets(%dma_start3A_46 : memref<128xi32, #tpu.memory_space<vmem>>) semaphore(%arg7 : memref<!tpu.dma_semaphore, #tpu.memory_space<semaphore_mem>>)
    %dma_wait3A = arith.constant 0 : i32
    %dma_wait3A_50 = arith.constant 0 : i32
    %dma_wait3A_51 = arith.constant 0 : i32
    %dma_wait3A_52 = tpu.memref_slice %arg6[%dma_wait3A_50, %dma_wait3A_51] : memref<640x64xf32, #tpu.memory_space<vmem>> -> memref<128x64xf32, #tpu.memory_space<vmem>>
    %dma_wait3A_53 = arith.constant 0 : i32
    %dma_wait3A_54 = tpu.memref_slice %arg5[%dma_wait3A, %dma_wait3A_53] : memref<20x128xi32, #tpu.memory_space<vmem>> -> memref<1x128xi32, #tpu.memory_space<vmem>>
    %dma_wait3A_55 = tpu.memref_squeeze %dma_wait3A_54 : memref<1x128xi32, #tpu.memory_space<vmem>> -> memref<128xi32, #tpu.memory_space<vmem>>
    %dma_wait3A_56 = arith.constant 0 : i32
    %dma_wait3A_57 = arith.constant 0 : i32
    %dma_wait3A_58 = tpu.memref_slice %arg3[%dma_wait3A_56, %dma_wait3A_57] : memref<1015808x64xf32, #tpu.memory_space<hbm>> -> memref<1015808x64xf32, #tpu.memory_space<hbm>>
    tpu.wait_indirect_dma semaphore(%arg7 : memref<!tpu.dma_semaphore, #tpu.memory_space<semaphore_mem>>) src(%dma_wait3A_58 : memref<1015808x64xf32, #tpu.memory_space<hbm>>) dst(%dma_wait3A_52 : memref<128x64xf32, #tpu.memory_space<vmem>>)
    %dma_wait3A_59 = arith.constant 1 : i32
    %dma_wait3A_60 = arith.constant 128 : i32
    %dma_wait3A_61 = arith.constant 0 : i32
    %dma_wait3A_62 = tpu.memref_slice %arg6[%dma_wait3A_60, %dma_wait3A_61] : memref<640x64xf32, #tpu.memory_space<vmem>> -> memref<128x64xf32, #tpu.memory_space<vmem>>
    %dma_wait3A_63 = arith.constant 0 : i32
    %dma_wait3A_64 = tpu.memref_slice %arg5[%dma_wait3A_59, %dma_wait3A_63] : memref<20x128xi32, #tpu.memory_space<vmem>> -> memref<1x128xi32, #tpu.memory_space<vmem>>
    %dma_wait3A_65 = tpu.memref_squeeze %dma_wait3A_64 : memref<1x128xi32, #tpu.memory_space<vmem>> -> memref<128xi32, #tpu.memory_space<vmem>>
    %dma_wait3A_66 = arith.constant 0 : i32
    %dma_wait3A_67 = arith.constant 0 : i32
    %dma_wait3A_68 = tpu.memref_slice %arg3[%dma_wait3A_66, %dma_wait3A_67] : memref<1015808x64xf32, #tpu.memory_space<hbm>> -> memref<1015808x64xf32, #tpu.memory_space<hbm>>
    tpu.wait_indirect_dma semaphore(%arg7 : memref<!tpu.dma_semaphore, #tpu.memory_space<semaphore_mem>>) src(%dma_wait3A_68 : memref<1015808x64xf32, #tpu.memory_space<hbm>>) dst(%dma_wait3A_62 : memref<128x64xf32, #tpu.memory_space<vmem>>)
    %dma_wait3A_69 = arith.constant 2 : i32
    %dma_wait3A_70 = arith.constant 256 : i32
    %dma_wait3A_71 = arith.constant 0 : i32
    %dma_wait3A_72 = tpu.memref_slice %arg6[%dma_wait3A_70, %dma_wait3A_71] : memref<640x64xf32, #tpu.memory_space<vmem>> -> memref<128x64xf32, #tpu.memory_space<vmem>>
    %dma_wait3A_73 = arith.constant 0 : i32
    %dma_wait3A_74 = tpu.memref_slice %arg5[%dma_wait3A_69, %dma_wait3A_73] : memref<20x128xi32, #tpu.memory_space<vmem>> -> memref<1x128xi32, #tpu.memory_space<vmem>>
    %dma_wait3A_75 = tpu.memref_squeeze %dma_wait3A_74 : memref<1x128xi32, #tpu.memory_space<vmem>> -> memref<128xi32, #tpu.memory_space<vmem>>
    %dma_wait3A_76 = arith.constant 0 : i32
    %dma_wait3A_77 = arith.constant 0 : i32
    %dma_wait3A_78 = tpu.memref_slice %arg3[%dma_wait3A_76, %dma_wait3A_77] : memref<1015808x64xf32, #tpu.memory_space<hbm>> -> memref<1015808x64xf32, #tpu.memory_space<hbm>>
    tpu.wait_indirect_dma semaphore(%arg7 : memref<!tpu.dma_semaphore, #tpu.memory_space<semaphore_mem>>) src(%dma_wait3A_78 : memref<1015808x64xf32, #tpu.memory_space<hbm>>) dst(%dma_wait3A_72 : memref<128x64xf32, #tpu.memory_space<vmem>>)
    %dma_wait3A_79 = arith.constant 3 : i32
    %dma_wait3A_80 = arith.constant 384 : i32
    %dma_wait3A_81 = arith.constant 0 : i32
    %dma_wait3A_82 = tpu.memref_slice %arg6[%dma_wait3A_80, %dma_wait3A_81] : memref<640x64xf32, #tpu.memory_space<vmem>> -> memref<128x64xf32, #tpu.memory_space<vmem>>
    %dma_wait3A_83 = arith.constant 0 : i32
    %dma_wait3A_84 = tpu.memref_slice %arg5[%dma_wait3A_79, %dma_wait3A_83] : memref<20x128xi32, #tpu.memory_space<vmem>> -> memref<1x128xi32, #tpu.memory_space<vmem>>
    %dma_wait3A_85 = tpu.memref_squeeze %dma_wait3A_84 : memref<1x128xi32, #tpu.memory_space<vmem>> -> memref<128xi32, #tpu.memory_space<vmem>>
    %dma_wait3A_86 = arith.constant 0 : i32
    %dma_wait3A_87 = arith.constant 0 : i32
    %dma_wait3A_88 = tpu.memref_slice %arg3[%dma_wait3A_86, %dma_wait3A_87] : memref<1015808x64xf32, #tpu.memory_space<hbm>> -> memref<1015808x64xf32, #tpu.memory_space<hbm>>
    tpu.wait_indirect_dma semaphore(%arg7 : memref<!tpu.dma_semaphore, #tpu.memory_space<semaphore_mem>>) src(%dma_wait3A_88 : memref<1015808x64xf32, #tpu.memory_space<hbm>>) dst(%dma_wait3A_82 : memref<128x64xf32, #tpu.memory_space<vmem>>)
    %dma_wait3A_89 = arith.constant 4 : i32
    %dma_wait3A_90 = arith.constant 512 : i32
    %dma_wait3A_91 = arith.constant 0 : i32
    %dma_wait3A_92 = tpu.memref_slice %arg6[%dma_wait3A_90, %dma_wait3A_91] : memref<640x64xf32, #tpu.memory_space<vmem>> -> memref<128x64xf32, #tpu.memory_space<vmem>>
    %dma_wait3A_93 = arith.constant 0 : i32
    %dma_wait3A_94 = tpu.memref_slice %arg5[%dma_wait3A_89, %dma_wait3A_93] : memref<20x128xi32, #tpu.memory_space<vmem>> -> memref<1x128xi32, #tpu.memory_space<vmem>>
    %dma_wait3A_95 = tpu.memref_squeeze %dma_wait3A_94 : memref<1x128xi32, #tpu.memory_space<vmem>> -> memref<128xi32, #tpu.memory_space<vmem>>
    %dma_wait3A_96 = arith.constant 0 : i32
    %dma_wait3A_97 = arith.constant 0 : i32
    %dma_wait3A_98 = tpu.memref_slice %arg3[%dma_wait3A_96, %dma_wait3A_97] : memref<1015808x64xf32, #tpu.memory_space<hbm>> -> memref<1015808x64xf32, #tpu.memory_space<hbm>>
    tpu.wait_indirect_dma semaphore(%arg7 : memref<!tpu.dma_semaphore, #tpu.memory_space<semaphore_mem>>) src(%dma_wait3A_98 : memref<1015808x64xf32, #tpu.memory_space<hbm>>) dst(%dma_wait3A_92 : memref<128x64xf32, #tpu.memory_space<vmem>>)
    %mul3A_99 = arith.constant 2560 : i32
    %mul3A_100 = arith.muli %add3A, %mul3A_99 : i32
    %add3A_101 = arith.constant 0 : i32
    %add3A_102 = arith.addi %mul3A_100, %add3A_101 : i32
    "tpu.region"() ({
      %run_scoped3A = tpu.sem_alloc : memref<!tpu.dma_semaphore, #tpu.memory_space<semaphore_mem>>
      %dma_start3A_415 = arith.constant 0 : i32
      %dma_start3A_416 = tpu.memref_slice %arg4[%add3A_102, %dma_start3A_415] : memref<81920x128xf32, #tpu.memory_space<hbm>> -> memref<640x64xf32, #tpu.memory_space<hbm>>
      %dma_start3A_417 = arith.constant 0 : i32
      %dma_start3A_418 = tpu.memref_slice %arg4[%add3A_102, %dma_start3A_417] : memref<81920x128xf32, #tpu.memory_space<hbm>> -> memref<640x64xf32, #tpu.memory_space<hbm>>
      tpu.enqueue_dma source(%arg6 : memref<640x64xf32, #tpu.memory_space<vmem>>) target(%dma_start3A_418 : memref<640x64xf32, #tpu.memory_space<hbm>>) target_semaphore(%run_scoped3A : memref<!tpu.dma_semaphore, #tpu.memory_space<semaphore_mem>>)
      %dma_wait3A_419 = arith.constant 0 : i32
      %dma_wait3A_420 = tpu.memref_slice %arg4[%add3A_102, %dma_wait3A_419] : memref<81920x128xf32, #tpu.memory_space<hbm>> -> memref<640x64xf32, #tpu.memory_space<hbm>>
      %dma_wait3A_421 = arith.constant 0 : i32
      %dma_wait3A_422 = tpu.memref_slice %arg4[%add3A_102, %dma_wait3A_421] : memref<81920x128xf32, #tpu.memory_space<hbm>> -> memref<640x64xf32, #tpu.memory_space<hbm>>
      tpu.wait_dma2 semaphore(%run_scoped3A : memref<!tpu.dma_semaphore, #tpu.memory_space<semaphore_mem>>) src(%arg6 : memref<640x64xf32, #tpu.memory_space<vmem>>) dst(%dma_wait3A_422 : memref<640x64xf32, #tpu.memory_space<hbm>>)
      tpu.yield
    }) : () -> ()
    %dma_start3A_103 = arith.constant 5 : i32
    %dma_start3A_104 = arith.constant 0 : i32
    %dma_start3A_105 = arith.constant 0 : i32
    %dma_start3A_106 = tpu.memref_slice %arg6[%dma_start3A_104, %dma_start3A_105] : memref<640x64xf32, #tpu.memory_space<vmem>> -> memref<128x64xf32, #tpu.memory_space<vmem>>
    %dma_start3A_107 = arith.constant 0 : i32
    %dma_start3A_108 = tpu.memref_slice %arg5[%dma_start3A_103, %dma_start3A_107] : memref<20x128xi32, #tpu.memory_space<vmem>> -> memref<1x128xi32, #tpu.memory_space<vmem>>
    %dma_start3A_109 = tpu.memref_squeeze %dma_start3A_108 : memref<1x128xi32, #tpu.memory_space<vmem>> -> memref<128xi32, #tpu.memory_space<vmem>>
    %dma_start3A_110 = arith.constant 0 : i32
    %dma_start3A_111 = arith.constant 0 : i32
    %dma_start3A_112 = tpu.memref_slice %arg3[%dma_start3A_110, %dma_start3A_111] : memref<1015808x64xf32, #tpu.memory_space<hbm>> -> memref<1015808x64xf32, #tpu.memory_space<hbm>>
    tpu.enqueue_indirect_dma source(%dma_start3A_112 : memref<1015808x64xf32, #tpu.memory_space<hbm>>) target(%dma_start3A_106 : memref<128x64xf32, #tpu.memory_space<vmem>>) offsets(%dma_start3A_109 : memref<128xi32, #tpu.memory_space<vmem>>) semaphore(%arg7 : memref<!tpu.dma_semaphore, #tpu.memory_space<semaphore_mem>>)
    %dma_start3A_113 = arith.constant 6 : i32
    %dma_start3A_114 = arith.constant 128 : i32
    %dma_start3A_115 = arith.constant 0 : i32
    %dma_start3A_116 = tpu.memref_slice %arg6[%dma_start3A_114, %dma_start3A_115] : memref<640x64xf32, #tpu.memory_space<vmem>> -> memref<128x64xf32, #tpu.memory_space<vmem>>
    %dma_start3A_117 = arith.constant 0 : i32
    %dma_start3A_118 = tpu.memref_slice %arg5[%dma_start3A_113, %dma_start3A_117] : memref<20x128xi32, #tpu.memory_space<vmem>> -> memref<1x128xi32, #tpu.memory_space<vmem>>
    %dma_start3A_119 = tpu.memref_squeeze %dma_start3A_118 : memref<1x128xi32, #tpu.memory_space<vmem>> -> memref<128xi32, #tpu.memory_space<vmem>>
    %dma_start3A_120 = arith.constant 0 : i32
    %dma_start3A_121 = arith.constant 0 : i32
    %dma_start3A_122 = tpu.memref_slice %arg3[%dma_start3A_120, %dma_start3A_121] : memref<1015808x64xf32, #tpu.memory_space<hbm>> -> memref<1015808x64xf32, #tpu.memory_space<hbm>>
    tpu.enqueue_indirect_dma source(%dma_start3A_122 : memref<1015808x64xf32, #tpu.memory_space<hbm>>) target(%dma_start3A_116 : memref<128x64xf32, #tpu.memory_space<vmem>>) offsets(%dma_start3A_119 : memref<128xi32, #tpu.memory_space<vmem>>) semaphore(%arg7 : memref<!tpu.dma_semaphore, #tpu.memory_space<semaphore_mem>>)
    %dma_start3A_123 = arith.constant 7 : i32
    %dma_start3A_124 = arith.constant 256 : i32
    %dma_start3A_125 = arith.constant 0 : i32
    %dma_start3A_126 = tpu.memref_slice %arg6[%dma_start3A_124, %dma_start3A_125] : memref<640x64xf32, #tpu.memory_space<vmem>> -> memref<128x64xf32, #tpu.memory_space<vmem>>
    %dma_start3A_127 = arith.constant 0 : i32
    %dma_start3A_128 = tpu.memref_slice %arg5[%dma_start3A_123, %dma_start3A_127] : memref<20x128xi32, #tpu.memory_space<vmem>> -> memref<1x128xi32, #tpu.memory_space<vmem>>
    %dma_start3A_129 = tpu.memref_squeeze %dma_start3A_128 : memref<1x128xi32, #tpu.memory_space<vmem>> -> memref<128xi32, #tpu.memory_space<vmem>>
    %dma_start3A_130 = arith.constant 0 : i32
    %dma_start3A_131 = arith.constant 0 : i32
    %dma_start3A_132 = tpu.memref_slice %arg3[%dma_start3A_130, %dma_start3A_131] : memref<1015808x64xf32, #tpu.memory_space<hbm>> -> memref<1015808x64xf32, #tpu.memory_space<hbm>>
    tpu.enqueue_indirect_dma source(%dma_start3A_132 : memref<1015808x64xf32, #tpu.memory_space<hbm>>) target(%dma_start3A_126 : memref<128x64xf32, #tpu.memory_space<vmem>>) offsets(%dma_start3A_129 : memref<128xi32, #tpu.memory_space<vmem>>) semaphore(%arg7 : memref<!tpu.dma_semaphore, #tpu.memory_space<semaphore_mem>>)
    %dma_start3A_133 = arith.constant 8 : i32
    %dma_start3A_134 = arith.constant 384 : i32
    %dma_start3A_135 = arith.constant 0 : i32
    %dma_start3A_136 = tpu.memref_slice %arg6[%dma_start3A_134, %dma_start3A_135] : memref<640x64xf32, #tpu.memory_space<vmem>> -> memref<128x64xf32, #tpu.memory_space<vmem>>
    %dma_start3A_137 = arith.constant 0 : i32
    %dma_start3A_138 = tpu.memref_slice %arg5[%dma_start3A_133, %dma_start3A_137] : memref<20x128xi32, #tpu.memory_space<vmem>> -> memref<1x128xi32, #tpu.memory_space<vmem>>
    %dma_start3A_139 = tpu.memref_squeeze %dma_start3A_138 : memref<1x128xi32, #tpu.memory_space<vmem>> -> memref<128xi32, #tpu.memory_space<vmem>>
    %dma_start3A_140 = arith.constant 0 : i32
    %dma_start3A_141 = arith.constant 0 : i32
    %dma_start3A_142 = tpu.memref_slice %arg3[%dma_start3A_140, %dma_start3A_141] : memref<1015808x64xf32, #tpu.memory_space<hbm>> -> memref<1015808x64xf32, #tpu.memory_space<hbm>>
    tpu.enqueue_indirect_dma source(%dma_start3A_142 : memref<1015808x64xf32, #tpu.memory_space<hbm>>) target(%dma_start3A_136 : memref<128x64xf32, #tpu.memory_space<vmem>>) offsets(%dma_start3A_139 : memref<128xi32, #tpu.memory_space<vmem>>) semaphore(%arg7 : memref<!tpu.dma_semaphore, #tpu.memory_space<semaphore_mem>>)
    %dma_start3A_143 = arith.constant 9 : i32
    %dma_start3A_144 = arith.constant 512 : i32
    %dma_start3A_145 = arith.constant 0 : i32
    %dma_start3A_146 = tpu.memref_slice %arg6[%dma_start3A_144, %dma_start3A_145] : memref<640x64xf32, #tpu.memory_space<vmem>> -> memref<128x64xf32, #tpu.memory_space<vmem>>
    %dma_start3A_147 = arith.constant 0 : i32
    %dma_start3A_148 = tpu.memref_slice %arg5[%dma_start3A_143, %dma_start3A_147] : memref<20x128xi32, #tpu.memory_space<vmem>> -> memref<1x128xi32, #tpu.memory_space<vmem>>
    %dma_start3A_149 = tpu.memref_squeeze %dma_start3A_148 : memref<1x128xi32, #tpu.memory_space<vmem>> -> memref<128xi32, #tpu.memory_space<vmem>>
    %dma_start3A_150 = arith.constant 0 : i32
    %dma_start3A_151 = arith.constant 0 : i32
    %dma_start3A_152 = tpu.memref_slice %arg3[%dma_start3A_150, %dma_start3A_151] : memref<1015808x64xf32, #tpu.memory_space<hbm>> -> memref<1015808x64xf32, #tpu.memory_space<hbm>>
    tpu.enqueue_indirect_dma source(%dma_start3A_152 : memref<1015808x64xf32, #tpu.memory_space<hbm>>) target(%dma_start3A_146 : memref<128x64xf32, #tpu.memory_space<vmem>>) offsets(%dma_start3A_149 : memref<128xi32, #tpu.memory_space<vmem>>) semaphore(%arg7 : memref<!tpu.dma_semaphore, #tpu.memory_space<semaphore_mem>>)
    %dma_wait3A_153 = arith.constant 5 : i32
    %dma_wait3A_154 = arith.constant 0 : i32
    %dma_wait3A_155 = arith.constant 0 : i32
    %dma_wait3A_156 = tpu.memref_slice %arg6[%dma_wait3A_154, %dma_wait3A_155] : memref<640x64xf32, #tpu.memory_space<vmem>> -> memref<128x64xf32, #tpu.memory_space<vmem>>
    %dma_wait3A_157 = arith.constant 0 : i32
    %dma_wait3A_158 = tpu.memref_slice %arg5[%dma_wait3A_153, %dma_wait3A_157] : memref<20x128xi32, #tpu.memory_space<vmem>> -> memref<1x128xi32, #tpu.memory_space<vmem>>
    %dma_wait3A_159 = tpu.memref_squeeze %dma_wait3A_158 : memref<1x128xi32, #tpu.memory_space<vmem>> -> memref<128xi32, #tpu.memory_space<vmem>>
    %dma_wait3A_160 = arith.constant 0 : i32
    %dma_wait3A_161 = arith.constant 0 : i32
    %dma_wait3A_162 = tpu.memref_slice %arg3[%dma_wait3A_160, %dma_wait3A_161] : memref<1015808x64xf32, #tpu.memory_space<hbm>> -> memref<1015808x64xf32, #tpu.memory_space<hbm>>
    tpu.wait_indirect_dma semaphore(%arg7 : memref<!tpu.dma_semaphore, #tpu.memory_space<semaphore_mem>>) src(%dma_wait3A_162 : memref<1015808x64xf32, #tpu.memory_space<hbm>>) dst(%dma_wait3A_156 : memref<128x64xf32, #tpu.memory_space<vmem>>)
    %dma_wait3A_163 = arith.constant 6 : i32
    %dma_wait3A_164 = arith.constant 128 : i32
    %dma_wait3A_165 = arith.constant 0 : i32
    %dma_wait3A_166 = tpu.memref_slice %arg6[%dma_wait3A_164, %dma_wait3A_165] : memref<640x64xf32, #tpu.memory_space<vmem>> -> memref<128x64xf32, #tpu.memory_space<vmem>>
    %dma_wait3A_167 = arith.constant 0 : i32
    %dma_wait3A_168 = tpu.memref_slice %arg5[%dma_wait3A_163, %dma_wait3A_167] : memref<20x128xi32, #tpu.memory_space<vmem>> -> memref<1x128xi32, #tpu.memory_space<vmem>>
    %dma_wait3A_169 = tpu.memref_squeeze %dma_wait3A_168 : memref<1x128xi32, #tpu.memory_space<vmem>> -> memref<128xi32, #tpu.memory_space<vmem>>
    %dma_wait3A_170 = arith.constant 0 : i32
    %dma_wait3A_171 = arith.constant 0 : i32
    %dma_wait3A_172 = tpu.memref_slice %arg3[%dma_wait3A_170, %dma_wait3A_171] : memref<1015808x64xf32, #tpu.memory_space<hbm>> -> memref<1015808x64xf32, #tpu.memory_space<hbm>>
    tpu.wait_indirect_dma semaphore(%arg7 : memref<!tpu.dma_semaphore, #tpu.memory_space<semaphore_mem>>) src(%dma_wait3A_172 : memref<1015808x64xf32, #tpu.memory_space<hbm>>) dst(%dma_wait3A_166 : memref<128x64xf32, #tpu.memory_space<vmem>>)
    %dma_wait3A_173 = arith.constant 7 : i32
    %dma_wait3A_174 = arith.constant 256 : i32
    %dma_wait3A_175 = arith.constant 0 : i32
    %dma_wait3A_176 = tpu.memref_slice %arg6[%dma_wait3A_174, %dma_wait3A_175] : memref<640x64xf32, #tpu.memory_space<vmem>> -> memref<128x64xf32, #tpu.memory_space<vmem>>
    %dma_wait3A_177 = arith.constant 0 : i32
    %dma_wait3A_178 = tpu.memref_slice %arg5[%dma_wait3A_173, %dma_wait3A_177] : memref<20x128xi32, #tpu.memory_space<vmem>> -> memref<1x128xi32, #tpu.memory_space<vmem>>
    %dma_wait3A_179 = tpu.memref_squeeze %dma_wait3A_178 : memref<1x128xi32, #tpu.memory_space<vmem>> -> memref<128xi32, #tpu.memory_space<vmem>>
    %dma_wait3A_180 = arith.constant 0 : i32
    %dma_wait3A_181 = arith.constant 0 : i32
    %dma_wait3A_182 = tpu.memref_slice %arg3[%dma_wait3A_180, %dma_wait3A_181] : memref<1015808x64xf32, #tpu.memory_space<hbm>> -> memref<1015808x64xf32, #tpu.memory_space<hbm>>
    tpu.wait_indirect_dma semaphore(%arg7 : memref<!tpu.dma_semaphore, #tpu.memory_space<semaphore_mem>>) src(%dma_wait3A_182 : memref<1015808x64xf32, #tpu.memory_space<hbm>>) dst(%dma_wait3A_176 : memref<128x64xf32, #tpu.memory_space<vmem>>)
    %dma_wait3A_183 = arith.constant 8 : i32
    %dma_wait3A_184 = arith.constant 384 : i32
    %dma_wait3A_185 = arith.constant 0 : i32
    %dma_wait3A_186 = tpu.memref_slice %arg6[%dma_wait3A_184, %dma_wait3A_185] : memref<640x64xf32, #tpu.memory_space<vmem>> -> memref<128x64xf32, #tpu.memory_space<vmem>>
    %dma_wait3A_187 = arith.constant 0 : i32
    %dma_wait3A_188 = tpu.memref_slice %arg5[%dma_wait3A_183, %dma_wait3A_187] : memref<20x128xi32, #tpu.memory_space<vmem>> -> memref<1x128xi32, #tpu.memory_space<vmem>>
    %dma_wait3A_189 = tpu.memref_squeeze %dma_wait3A_188 : memref<1x128xi32, #tpu.memory_space<vmem>> -> memref<128xi32, #tpu.memory_space<vmem>>
    %dma_wait3A_190 = arith.constant 0 : i32
    %dma_wait3A_191 = arith.constant 0 : i32
    %dma_wait3A_192 = tpu.memref_slice %arg3[%dma_wait3A_190, %dma_wait3A_191] : memref<1015808x64xf32, #tpu.memory_space<hbm>> -> memref<1015808x64xf32, #tpu.memory_space<hbm>>
    tpu.wait_indirect_dma semaphore(%arg7 : memref<!tpu.dma_semaphore, #tpu.memory_space<semaphore_mem>>) src(%dma_wait3A_192 : memref<1015808x64xf32, #tpu.memory_space<hbm>>) dst(%dma_wait3A_186 : memref<128x64xf32, #tpu.memory_space<vmem>>)
    %dma_wait3A_193 = arith.constant 9 : i32
    %dma_wait3A_194 = arith.constant 512 : i32
    %dma_wait3A_195 = arith.constant 0 : i32
    %dma_wait3A_196 = tpu.memref_slice %arg6[%dma_wait3A_194, %dma_wait3A_195] : memref<640x64xf32, #tpu.memory_space<vmem>> -> memref<128x64xf32, #tpu.memory_space<vmem>>
    %dma_wait3A_197 = arith.constant 0 : i32
    %dma_wait3A_198 = tpu.memref_slice %arg5[%dma_wait3A_193, %dma_wait3A_197] : memref<20x128xi32, #tpu.memory_space<vmem>> -> memref<1x128xi32, #tpu.memory_space<vmem>>
    %dma_wait3A_199 = tpu.memref_squeeze %dma_wait3A_198 : memref<1x128xi32, #tpu.memory_space<vmem>> -> memref<128xi32, #tpu.memory_space<vmem>>
    %dma_wait3A_200 = arith.constant 0 : i32
    %dma_wait3A_201 = arith.constant 0 : i32
    %dma_wait3A_202 = tpu.memref_slice %arg3[%dma_wait3A_200, %dma_wait3A_201] : memref<1015808x64xf32, #tpu.memory_space<hbm>> -> memref<1015808x64xf32, #tpu.memory_space<hbm>>
    tpu.wait_indirect_dma semaphore(%arg7 : memref<!tpu.dma_semaphore, #tpu.memory_space<semaphore_mem>>) src(%dma_wait3A_202 : memref<1015808x64xf32, #tpu.memory_space<hbm>>) dst(%dma_wait3A_196 : memref<128x64xf32, #tpu.memory_space<vmem>>)
    %mul3A_203 = arith.constant 2560 : i32
    %mul3A_204 = arith.muli %add3A, %mul3A_203 : i32
    %add3A_205 = arith.constant 640 : i32
    %add3A_206 = arith.addi %mul3A_204, %add3A_205 : i32
    "tpu.region"() ({
      %run_scoped3A = tpu.sem_alloc : memref<!tpu.dma_semaphore, #tpu.memory_space<semaphore_mem>>
      %dma_start3A_415 = arith.constant 0 : i32
      %dma_start3A_416 = tpu.memref_slice %arg4[%add3A_206, %dma_start3A_415] : memref<81920x128xf32, #tpu.memory_space<hbm>> -> memref<640x64xf32, #tpu.memory_space<hbm>>
      %dma_start3A_417 = arith.constant 0 : i32
      %dma_start3A_418 = tpu.memref_slice %arg4[%add3A_206, %dma_start3A_417] : memref<81920x128xf32, #tpu.memory_space<hbm>> -> memref<640x64xf32, #tpu.memory_space<hbm>>
      tpu.enqueue_dma source(%arg6 : memref<640x64xf32, #tpu.memory_space<vmem>>) target(%dma_start3A_418 : memref<640x64xf32, #tpu.memory_space<hbm>>) target_semaphore(%run_scoped3A : memref<!tpu.dma_semaphore, #tpu.memory_space<semaphore_mem>>)
      %dma_wait3A_419 = arith.constant 0 : i32
      %dma_wait3A_420 = tpu.memref_slice %arg4[%add3A_206, %dma_wait3A_419] : memref<81920x128xf32, #tpu.memory_space<hbm>> -> memref<640x64xf32, #tpu.memory_space<hbm>>
      %dma_wait3A_421 = arith.constant 0 : i32
      %dma_wait3A_422 = tpu.memref_slice %arg4[%add3A_206, %dma_wait3A_421] : memref<81920x128xf32, #tpu.memory_space<hbm>> -> memref<640x64xf32, #tpu.memory_space<hbm>>
      tpu.wait_dma2 semaphore(%run_scoped3A : memref<!tpu.dma_semaphore, #tpu.memory_space<semaphore_mem>>) src(%arg6 : memref<640x64xf32, #tpu.memory_space<vmem>>) dst(%dma_wait3A_422 : memref<640x64xf32, #tpu.memory_space<hbm>>)
      tpu.yield
    }) : () -> ()
    %dma_start3A_207 = arith.constant 10 : i32
    %dma_start3A_208 = arith.constant 0 : i32
    %dma_start3A_209 = arith.constant 0 : i32
    %dma_start3A_210 = tpu.memref_slice %arg6[%dma_start3A_208, %dma_start3A_209] : memref<640x64xf32, #tpu.memory_space<vmem>> -> memref<128x64xf32, #tpu.memory_space<vmem>>
    %dma_start3A_211 = arith.constant 0 : i32
    %dma_start3A_212 = tpu.memref_slice %arg5[%dma_start3A_207, %dma_start3A_211] : memref<20x128xi32, #tpu.memory_space<vmem>> -> memref<1x128xi32, #tpu.memory_space<vmem>>
    %dma_start3A_213 = tpu.memref_squeeze %dma_start3A_212 : memref<1x128xi32, #tpu.memory_space<vmem>> -> memref<128xi32, #tpu.memory_space<vmem>>
    %dma_start3A_214 = arith.constant 0 : i32
    %dma_start3A_215 = arith.constant 0 : i32
    %dma_start3A_216 = tpu.memref_slice %arg3[%dma_start3A_214, %dma_start3A_215] : memref<1015808x64xf32, #tpu.memory_space<hbm>> -> memref<1015808x64xf32, #tpu.memory_space<hbm>>
    tpu.enqueue_indirect_dma source(%dma_start3A_216 : memref<1015808x64xf32, #tpu.memory_space<hbm>>) target(%dma_start3A_210 : memref<128x64xf32, #tpu.memory_space<vmem>>) offsets(%dma_start3A_213 : memref<128xi32, #tpu.memory_space<vmem>>) semaphore(%arg7 : memref<!tpu.dma_semaphore, #tpu.memory_space<semaphore_mem>>)
    %dma_start3A_217 = arith.constant 11 : i32
    %dma_start3A_218 = arith.constant 128 : i32
    %dma_start3A_219 = arith.constant 0 : i32
    %dma_start3A_220 = tpu.memref_slice %arg6[%dma_start3A_218, %dma_start3A_219] : memref<640x64xf32, #tpu.memory_space<vmem>> -> memref<128x64xf32, #tpu.memory_space<vmem>>
    %dma_start3A_221 = arith.constant 0 : i32
    %dma_start3A_222 = tpu.memref_slice %arg5[%dma_start3A_217, %dma_start3A_221] : memref<20x128xi32, #tpu.memory_space<vmem>> -> memref<1x128xi32, #tpu.memory_space<vmem>>
    %dma_start3A_223 = tpu.memref_squeeze %dma_start3A_222 : memref<1x128xi32, #tpu.memory_space<vmem>> -> memref<128xi32, #tpu.memory_space<vmem>>
    %dma_start3A_224 = arith.constant 0 : i32
    %dma_start3A_225 = arith.constant 0 : i32
    %dma_start3A_226 = tpu.memref_slice %arg3[%dma_start3A_224, %dma_start3A_225] : memref<1015808x64xf32, #tpu.memory_space<hbm>> -> memref<1015808x64xf32, #tpu.memory_space<hbm>>
    tpu.enqueue_indirect_dma source(%dma_start3A_226 : memref<1015808x64xf32, #tpu.memory_space<hbm>>) target(%dma_start3A_220 : memref<128x64xf32, #tpu.memory_space<vmem>>) offsets(%dma_start3A_223 : memref<128xi32, #tpu.memory_space<vmem>>) semaphore(%arg7 : memref<!tpu.dma_semaphore, #tpu.memory_space<semaphore_mem>>)
    %dma_start3A_227 = arith.constant 12 : i32
    %dma_start3A_228 = arith.constant 256 : i32
    %dma_start3A_229 = arith.constant 0 : i32
    %dma_start3A_230 = tpu.memref_slice %arg6[%dma_start3A_228, %dma_start3A_229] : memref<640x64xf32, #tpu.memory_space<vmem>> -> memref<128x64xf32, #tpu.memory_space<vmem>>
    %dma_start3A_231 = arith.constant 0 : i32
    %dma_start3A_232 = tpu.memref_slice %arg5[%dma_start3A_227, %dma_start3A_231] : memref<20x128xi32, #tpu.memory_space<vmem>> -> memref<1x128xi32, #tpu.memory_space<vmem>>
    %dma_start3A_233 = tpu.memref_squeeze %dma_start3A_232 : memref<1x128xi32, #tpu.memory_space<vmem>> -> memref<128xi32, #tpu.memory_space<vmem>>
    %dma_start3A_234 = arith.constant 0 : i32
    %dma_start3A_235 = arith.constant 0 : i32
    %dma_start3A_236 = tpu.memref_slice %arg3[%dma_start3A_234, %dma_start3A_235] : memref<1015808x64xf32, #tpu.memory_space<hbm>> -> memref<1015808x64xf32, #tpu.memory_space<hbm>>
    tpu.enqueue_indirect_dma source(%dma_start3A_236 : memref<1015808x64xf32, #tpu.memory_space<hbm>>) target(%dma_start3A_230 : memref<128x64xf32, #tpu.memory_space<vmem>>) offsets(%dma_start3A_233 : memref<128xi32, #tpu.memory_space<vmem>>) semaphore(%arg7 : memref<!tpu.dma_semaphore, #tpu.memory_space<semaphore_mem>>)
    %dma_start3A_237 = arith.constant 13 : i32
    %dma_start3A_238 = arith.constant 384 : i32
    %dma_start3A_239 = arith.constant 0 : i32
    %dma_start3A_240 = tpu.memref_slice %arg6[%dma_start3A_238, %dma_start3A_239] : memref<640x64xf32, #tpu.memory_space<vmem>> -> memref<128x64xf32, #tpu.memory_space<vmem>>
    %dma_start3A_241 = arith.constant 0 : i32
    %dma_start3A_242 = tpu.memref_slice %arg5[%dma_start3A_237, %dma_start3A_241] : memref<20x128xi32, #tpu.memory_space<vmem>> -> memref<1x128xi32, #tpu.memory_space<vmem>>
    %dma_start3A_243 = tpu.memref_squeeze %dma_start3A_242 : memref<1x128xi32, #tpu.memory_space<vmem>> -> memref<128xi32, #tpu.memory_space<vmem>>
    %dma_start3A_244 = arith.constant 0 : i32
    %dma_start3A_245 = arith.constant 0 : i32
    %dma_start3A_246 = tpu.memref_slice %arg3[%dma_start3A_244, %dma_start3A_245] : memref<1015808x64xf32, #tpu.memory_space<hbm>> -> memref<1015808x64xf32, #tpu.memory_space<hbm>>
    tpu.enqueue_indirect_dma source(%dma_start3A_246 : memref<1015808x64xf32, #tpu.memory_space<hbm>>) target(%dma_start3A_240 : memref<128x64xf32, #tpu.memory_space<vmem>>) offsets(%dma_start3A_243 : memref<128xi32, #tpu.memory_space<vmem>>) semaphore(%arg7 : memref<!tpu.dma_semaphore, #tpu.memory_space<semaphore_mem>>)
    %dma_start3A_247 = arith.constant 14 : i32
    %dma_start3A_248 = arith.constant 512 : i32
    %dma_start3A_249 = arith.constant 0 : i32
    %dma_start3A_250 = tpu.memref_slice %arg6[%dma_start3A_248, %dma_start3A_249] : memref<640x64xf32, #tpu.memory_space<vmem>> -> memref<128x64xf32, #tpu.memory_space<vmem>>
    %dma_start3A_251 = arith.constant 0 : i32
    %dma_start3A_252 = tpu.memref_slice %arg5[%dma_start3A_247, %dma_start3A_251] : memref<20x128xi32, #tpu.memory_space<vmem>> -> memref<1x128xi32, #tpu.memory_space<vmem>>
    %dma_start3A_253 = tpu.memref_squeeze %dma_start3A_252 : memref<1x128xi32, #tpu.memory_space<vmem>> -> memref<128xi32, #tpu.memory_space<vmem>>
    %dma_start3A_254 = arith.constant 0 : i32
    %dma_start3A_255 = arith.constant 0 : i32
    %dma_start3A_256 = tpu.memref_slice %arg3[%dma_start3A_254, %dma_start3A_255] : memref<1015808x64xf32, #tpu.memory_space<hbm>> -> memref<1015808x64xf32, #tpu.memory_space<hbm>>
    tpu.enqueue_indirect_dma source(%dma_start3A_256 : memref<1015808x64xf32, #tpu.memory_space<hbm>>) target(%dma_start3A_250 : memref<128x64xf32, #tpu.memory_space<vmem>>) offsets(%dma_start3A_253 : memref<128xi32, #tpu.memory_space<vmem>>) semaphore(%arg7 : memref<!tpu.dma_semaphore, #tpu.memory_space<semaphore_mem>>)
    %dma_wait3A_257 = arith.constant 10 : i32
    %dma_wait3A_258 = arith.constant 0 : i32
    %dma_wait3A_259 = arith.constant 0 : i32
    %dma_wait3A_260 = tpu.memref_slice %arg6[%dma_wait3A_258, %dma_wait3A_259] : memref<640x64xf32, #tpu.memory_space<vmem>> -> memref<128x64xf32, #tpu.memory_space<vmem>>
    %dma_wait3A_261 = arith.constant 0 : i32
    %dma_wait3A_262 = tpu.memref_slice %arg5[%dma_wait3A_257, %dma_wait3A_261] : memref<20x128xi32, #tpu.memory_space<vmem>> -> memref<1x128xi32, #tpu.memory_space<vmem>>
    %dma_wait3A_263 = tpu.memref_squeeze %dma_wait3A_262 : memref<1x128xi32, #tpu.memory_space<vmem>> -> memref<128xi32, #tpu.memory_space<vmem>>
    %dma_wait3A_264 = arith.constant 0 : i32
    %dma_wait3A_265 = arith.constant 0 : i32
    %dma_wait3A_266 = tpu.memref_slice %arg3[%dma_wait3A_264, %dma_wait3A_265] : memref<1015808x64xf32, #tpu.memory_space<hbm>> -> memref<1015808x64xf32, #tpu.memory_space<hbm>>
    tpu.wait_indirect_dma semaphore(%arg7 : memref<!tpu.dma_semaphore, #tpu.memory_space<semaphore_mem>>) src(%dma_wait3A_266 : memref<1015808x64xf32, #tpu.memory_space<hbm>>) dst(%dma_wait3A_260 : memref<128x64xf32, #tpu.memory_space<vmem>>)
    %dma_wait3A_267 = arith.constant 11 : i32
    %dma_wait3A_268 = arith.constant 128 : i32
    %dma_wait3A_269 = arith.constant 0 : i32
    %dma_wait3A_270 = tpu.memref_slice %arg6[%dma_wait3A_268, %dma_wait3A_269] : memref<640x64xf32, #tpu.memory_space<vmem>> -> memref<128x64xf32, #tpu.memory_space<vmem>>
    %dma_wait3A_271 = arith.constant 0 : i32
    %dma_wait3A_272 = tpu.memref_slice %arg5[%dma_wait3A_267, %dma_wait3A_271] : memref<20x128xi32, #tpu.memory_space<vmem>> -> memref<1x128xi32, #tpu.memory_space<vmem>>
    %dma_wait3A_273 = tpu.memref_squeeze %dma_wait3A_272 : memref<1x128xi32, #tpu.memory_space<vmem>> -> memref<128xi32, #tpu.memory_space<vmem>>
    %dma_wait3A_274 = arith.constant 0 : i32
    %dma_wait3A_275 = arith.constant 0 : i32
    %dma_wait3A_276 = tpu.memref_slice %arg3[%dma_wait3A_274, %dma_wait3A_275] : memref<1015808x64xf32, #tpu.memory_space<hbm>> -> memref<1015808x64xf32, #tpu.memory_space<hbm>>
    tpu.wait_indirect_dma semaphore(%arg7 : memref<!tpu.dma_semaphore, #tpu.memory_space<semaphore_mem>>) src(%dma_wait3A_276 : memref<1015808x64xf32, #tpu.memory_space<hbm>>) dst(%dma_wait3A_270 : memref<128x64xf32, #tpu.memory_space<vmem>>)
    %dma_wait3A_277 = arith.constant 12 : i32
    %dma_wait3A_278 = arith.constant 256 : i32
    %dma_wait3A_279 = arith.constant 0 : i32
    %dma_wait3A_280 = tpu.memref_slice %arg6[%dma_wait3A_278, %dma_wait3A_279] : memref<640x64xf32, #tpu.memory_space<vmem>> -> memref<128x64xf32, #tpu.memory_space<vmem>>
    %dma_wait3A_281 = arith.constant 0 : i32
    %dma_wait3A_282 = tpu.memref_slice %arg5[%dma_wait3A_277, %dma_wait3A_281] : memref<20x128xi32, #tpu.memory_space<vmem>> -> memref<1x128xi32, #tpu.memory_space<vmem>>
    %dma_wait3A_283 = tpu.memref_squeeze %dma_wait3A_282 : memref<1x128xi32, #tpu.memory_space<vmem>> -> memref<128xi32, #tpu.memory_space<vmem>>
    %dma_wait3A_284 = arith.constant 0 : i32
    %dma_wait3A_285 = arith.constant 0 : i32
    %dma_wait3A_286 = tpu.memref_slice %arg3[%dma_wait3A_284, %dma_wait3A_285] : memref<1015808x64xf32, #tpu.memory_space<hbm>> -> memref<1015808x64xf32, #tpu.memory_space<hbm>>
    tpu.wait_indirect_dma semaphore(%arg7 : memref<!tpu.dma_semaphore, #tpu.memory_space<semaphore_mem>>) src(%dma_wait3A_286 : memref<1015808x64xf32, #tpu.memory_space<hbm>>) dst(%dma_wait3A_280 : memref<128x64xf32, #tpu.memory_space<vmem>>)
    %dma_wait3A_287 = arith.constant 13 : i32
    %dma_wait3A_288 = arith.constant 384 : i32
    %dma_wait3A_289 = arith.constant 0 : i32
    %dma_wait3A_290 = tpu.memref_slice %arg6[%dma_wait3A_288, %dma_wait3A_289] : memref<640x64xf32, #tpu.memory_space<vmem>> -> memref<128x64xf32, #tpu.memory_space<vmem>>
    %dma_wait3A_291 = arith.constant 0 : i32
    %dma_wait3A_292 = tpu.memref_slice %arg5[%dma_wait3A_287, %dma_wait3A_291] : memref<20x128xi32, #tpu.memory_space<vmem>> -> memref<1x128xi32, #tpu.memory_space<vmem>>
    %dma_wait3A_293 = tpu.memref_squeeze %dma_wait3A_292 : memref<1x128xi32, #tpu.memory_space<vmem>> -> memref<128xi32, #tpu.memory_space<vmem>>
    %dma_wait3A_294 = arith.constant 0 : i32
    %dma_wait3A_295 = arith.constant 0 : i32
    %dma_wait3A_296 = tpu.memref_slice %arg3[%dma_wait3A_294, %dma_wait3A_295] : memref<1015808x64xf32, #tpu.memory_space<hbm>> -> memref<1015808x64xf32, #tpu.memory_space<hbm>>
    tpu.wait_indirect_dma semaphore(%arg7 : memref<!tpu.dma_semaphore, #tpu.memory_space<semaphore_mem>>) src(%dma_wait3A_296 : memref<1015808x64xf32, #tpu.memory_space<hbm>>) dst(%dma_wait3A_290 : memref<128x64xf32, #tpu.memory_space<vmem>>)
    %dma_wait3A_297 = arith.constant 14 : i32
    %dma_wait3A_298 = arith.constant 512 : i32
    %dma_wait3A_299 = arith.constant 0 : i32
    %dma_wait3A_300 = tpu.memref_slice %arg6[%dma_wait3A_298, %dma_wait3A_299] : memref<640x64xf32, #tpu.memory_space<vmem>> -> memref<128x64xf32, #tpu.memory_space<vmem>>
    %dma_wait3A_301 = arith.constant 0 : i32
    %dma_wait3A_302 = tpu.memref_slice %arg5[%dma_wait3A_297, %dma_wait3A_301] : memref<20x128xi32, #tpu.memory_space<vmem>> -> memref<1x128xi32, #tpu.memory_space<vmem>>
    %dma_wait3A_303 = tpu.memref_squeeze %dma_wait3A_302 : memref<1x128xi32, #tpu.memory_space<vmem>> -> memref<128xi32, #tpu.memory_space<vmem>>
    %dma_wait3A_304 = arith.constant 0 : i32
    %dma_wait3A_305 = arith.constant 0 : i32
    %dma_wait3A_306 = tpu.memref_slice %arg3[%dma_wait3A_304, %dma_wait3A_305] : memref<1015808x64xf32, #tpu.memory_space<hbm>> -> memref<1015808x64xf32, #tpu.memory_space<hbm>>
    tpu.wait_indirect_dma semaphore(%arg7 : memref<!tpu.dma_semaphore, #tpu.memory_space<semaphore_mem>>) src(%dma_wait3A_306 : memref<1015808x64xf32, #tpu.memory_space<hbm>>) dst(%dma_wait3A_300 : memref<128x64xf32, #tpu.memory_space<vmem>>)
    %mul3A_307 = arith.constant 2560 : i32
    %mul3A_308 = arith.muli %add3A, %mul3A_307 : i32
    %add3A_309 = arith.constant 1280 : i32
    %add3A_310 = arith.addi %mul3A_308, %add3A_309 : i32
    "tpu.region"() ({
      %run_scoped3A = tpu.sem_alloc : memref<!tpu.dma_semaphore, #tpu.memory_space<semaphore_mem>>
      %dma_start3A_415 = arith.constant 0 : i32
      %dma_start3A_416 = tpu.memref_slice %arg4[%add3A_310, %dma_start3A_415] : memref<81920x128xf32, #tpu.memory_space<hbm>> -> memref<640x64xf32, #tpu.memory_space<hbm>>
      %dma_start3A_417 = arith.constant 0 : i32
      %dma_start3A_418 = tpu.memref_slice %arg4[%add3A_310, %dma_start3A_417] : memref<81920x128xf32, #tpu.memory_space<hbm>> -> memref<640x64xf32, #tpu.memory_space<hbm>>
      tpu.enqueue_dma source(%arg6 : memref<640x64xf32, #tpu.memory_space<vmem>>) target(%dma_start3A_418 : memref<640x64xf32, #tpu.memory_space<hbm>>) target_semaphore(%run_scoped3A : memref<!tpu.dma_semaphore, #tpu.memory_space<semaphore_mem>>)
      %dma_wait3A_419 = arith.constant 0 : i32
      %dma_wait3A_420 = tpu.memref_slice %arg4[%add3A_310, %dma_wait3A_419] : memref<81920x128xf32, #tpu.memory_space<hbm>> -> memref<640x64xf32, #tpu.memory_space<hbm>>
      %dma_wait3A_421 = arith.constant 0 : i32
      %dma_wait3A_422 = tpu.memref_slice %arg4[%add3A_310, %dma_wait3A_421] : memref<81920x128xf32, #tpu.memory_space<hbm>> -> memref<640x64xf32, #tpu.memory_space<hbm>>
      tpu.wait_dma2 semaphore(%run_scoped3A : memref<!tpu.dma_semaphore, #tpu.memory_space<semaphore_mem>>) src(%arg6 : memref<640x64xf32, #tpu.memory_space<vmem>>) dst(%dma_wait3A_422 : memref<640x64xf32, #tpu.memory_space<hbm>>)
      tpu.yield
    }) : () -> ()
    %dma_start3A_311 = arith.constant 15 : i32
    %dma_start3A_312 = arith.constant 0 : i32
    %dma_start3A_313 = arith.constant 0 : i32
    %dma_start3A_314 = tpu.memref_slice %arg6[%dma_start3A_312, %dma_start3A_313] : memref<640x64xf32, #tpu.memory_space<vmem>> -> memref<128x64xf32, #tpu.memory_space<vmem>>
    %dma_start3A_315 = arith.constant 0 : i32
    %dma_start3A_316 = tpu.memref_slice %arg5[%dma_start3A_311, %dma_start3A_315] : memref<20x128xi32, #tpu.memory_space<vmem>> -> memref<1x128xi32, #tpu.memory_space<vmem>>
    %dma_start3A_317 = tpu.memref_squeeze %dma_start3A_316 : memref<1x128xi32, #tpu.memory_space<vmem>> -> memref<128xi32, #tpu.memory_space<vmem>>
    %dma_start3A_318 = arith.constant 0 : i32
    %dma_start3A_319 = arith.constant 0 : i32
    %dma_start3A_320 = tpu.memref_slice %arg3[%dma_start3A_318, %dma_start3A_319] : memref<1015808x64xf32, #tpu.memory_space<hbm>> -> memref<1015808x64xf32, #tpu.memory_space<hbm>>
    tpu.enqueue_indirect_dma source(%dma_start3A_320 : memref<1015808x64xf32, #tpu.memory_space<hbm>>) target(%dma_start3A_314 : memref<128x64xf32, #tpu.memory_space<vmem>>) offsets(%dma_start3A_317 : memref<128xi32, #tpu.memory_space<vmem>>) semaphore(%arg7 : memref<!tpu.dma_semaphore, #tpu.memory_space<semaphore_mem>>)
    %dma_start3A_321 = arith.constant 16 : i32
    %dma_start3A_322 = arith.constant 128 : i32
    %dma_start3A_323 = arith.constant 0 : i32
    %dma_start3A_324 = tpu.memref_slice %arg6[%dma_start3A_322, %dma_start3A_323] : memref<640x64xf32, #tpu.memory_space<vmem>> -> memref<128x64xf32, #tpu.memory_space<vmem>>
    %dma_start3A_325 = arith.constant 0 : i32
    %dma_start3A_326 = tpu.memref_slice %arg5[%dma_start3A_321, %dma_start3A_325] : memref<20x128xi32, #tpu.memory_space<vmem>> -> memref<1x128xi32, #tpu.memory_space<vmem>>
    %dma_start3A_327 = tpu.memref_squeeze %dma_start3A_326 : memref<1x128xi32, #tpu.memory_space<vmem>> -> memref<128xi32, #tpu.memory_space<vmem>>
    %dma_start3A_328 = arith.constant 0 : i32
    %dma_start3A_329 = arith.constant 0 : i32
    %dma_start3A_330 = tpu.memref_slice %arg3[%dma_start3A_328, %dma_start3A_329] : memref<1015808x64xf32, #tpu.memory_space<hbm>> -> memref<1015808x64xf32, #tpu.memory_space<hbm>>
    tpu.enqueue_indirect_dma source(%dma_start3A_330 : memref<1015808x64xf32, #tpu.memory_space<hbm>>) target(%dma_start3A_324 : memref<128x64xf32, #tpu.memory_space<vmem>>) offsets(%dma_start3A_327 : memref<128xi32, #tpu.memory_space<vmem>>) semaphore(%arg7 : memref<!tpu.dma_semaphore, #tpu.memory_space<semaphore_mem>>)
    %dma_start3A_331 = arith.constant 17 : i32
    %dma_start3A_332 = arith.constant 256 : i32
    %dma_start3A_333 = arith.constant 0 : i32
    %dma_start3A_334 = tpu.memref_slice %arg6[%dma_start3A_332, %dma_start3A_333] : memref<640x64xf32, #tpu.memory_space<vmem>> -> memref<128x64xf32, #tpu.memory_space<vmem>>
    %dma_start3A_335 = arith.constant 0 : i32
    %dma_start3A_336 = tpu.memref_slice %arg5[%dma_start3A_331, %dma_start3A_335] : memref<20x128xi32, #tpu.memory_space<vmem>> -> memref<1x128xi32, #tpu.memory_space<vmem>>
    %dma_start3A_337 = tpu.memref_squeeze %dma_start3A_336 : memref<1x128xi32, #tpu.memory_space<vmem>> -> memref<128xi32, #tpu.memory_space<vmem>>
    %dma_start3A_338 = arith.constant 0 : i32
    %dma_start3A_339 = arith.constant 0 : i32
    %dma_start3A_340 = tpu.memref_slice %arg3[%dma_start3A_338, %dma_start3A_339] : memref<1015808x64xf32, #tpu.memory_space<hbm>> -> memref<1015808x64xf32, #tpu.memory_space<hbm>>
    tpu.enqueue_indirect_dma source(%dma_start3A_340 : memref<1015808x64xf32, #tpu.memory_space<hbm>>) target(%dma_start3A_334 : memref<128x64xf32, #tpu.memory_space<vmem>>) offsets(%dma_start3A_337 : memref<128xi32, #tpu.memory_space<vmem>>) semaphore(%arg7 : memref<!tpu.dma_semaphore, #tpu.memory_space<semaphore_mem>>)
    %dma_start3A_341 = arith.constant 18 : i32
    %dma_start3A_342 = arith.constant 384 : i32
    %dma_start3A_343 = arith.constant 0 : i32
    %dma_start3A_344 = tpu.memref_slice %arg6[%dma_start3A_342, %dma_start3A_343] : memref<640x64xf32, #tpu.memory_space<vmem>> -> memref<128x64xf32, #tpu.memory_space<vmem>>
    %dma_start3A_345 = arith.constant 0 : i32
    %dma_start3A_346 = tpu.memref_slice %arg5[%dma_start3A_341, %dma_start3A_345] : memref<20x128xi32, #tpu.memory_space<vmem>> -> memref<1x128xi32, #tpu.memory_space<vmem>>
    %dma_start3A_347 = tpu.memref_squeeze %dma_start3A_346 : memref<1x128xi32, #tpu.memory_space<vmem>> -> memref<128xi32, #tpu.memory_space<vmem>>
    %dma_start3A_348 = arith.constant 0 : i32
    %dma_start3A_349 = arith.constant 0 : i32
    %dma_start3A_350 = tpu.memref_slice %arg3[%dma_start3A_348, %dma_start3A_349] : memref<1015808x64xf32, #tpu.memory_space<hbm>> -> memref<1015808x64xf32, #tpu.memory_space<hbm>>
    tpu.enqueue_indirect_dma source(%dma_start3A_350 : memref<1015808x64xf32, #tpu.memory_space<hbm>>) target(%dma_start3A_344 : memref<128x64xf32, #tpu.memory_space<vmem>>) offsets(%dma_start3A_347 : memref<128xi32, #tpu.memory_space<vmem>>) semaphore(%arg7 : memref<!tpu.dma_semaphore, #tpu.memory_space<semaphore_mem>>)
    %dma_start3A_351 = arith.constant 19 : i32
    %dma_start3A_352 = arith.constant 512 : i32
    %dma_start3A_353 = arith.constant 0 : i32
    %dma_start3A_354 = tpu.memref_slice %arg6[%dma_start3A_352, %dma_start3A_353] : memref<640x64xf32, #tpu.memory_space<vmem>> -> memref<128x64xf32, #tpu.memory_space<vmem>>
    %dma_start3A_355 = arith.constant 0 : i32
    %dma_start3A_356 = tpu.memref_slice %arg5[%dma_start3A_351, %dma_start3A_355] : memref<20x128xi32, #tpu.memory_space<vmem>> -> memref<1x128xi32, #tpu.memory_space<vmem>>
    %dma_start3A_357 = tpu.memref_squeeze %dma_start3A_356 : memref<1x128xi32, #tpu.memory_space<vmem>> -> memref<128xi32, #tpu.memory_space<vmem>>
    %dma_start3A_358 = arith.constant 0 : i32
    %dma_start3A_359 = arith.constant 0 : i32
    %dma_start3A_360 = tpu.memref_slice %arg3[%dma_start3A_358, %dma_start3A_359] : memref<1015808x64xf32, #tpu.memory_space<hbm>> -> memref<1015808x64xf32, #tpu.memory_space<hbm>>
    tpu.enqueue_indirect_dma source(%dma_start3A_360 : memref<1015808x64xf32, #tpu.memory_space<hbm>>) target(%dma_start3A_354 : memref<128x64xf32, #tpu.memory_space<vmem>>) offsets(%dma_start3A_357 : memref<128xi32, #tpu.memory_space<vmem>>) semaphore(%arg7 : memref<!tpu.dma_semaphore, #tpu.memory_space<semaphore_mem>>)
    %dma_wait3A_361 = arith.constant 15 : i32
    %dma_wait3A_362 = arith.constant 0 : i32
    %dma_wait3A_363 = arith.constant 0 : i32
    %dma_wait3A_364 = tpu.memref_slice %arg6[%dma_wait3A_362, %dma_wait3A_363] : memref<640x64xf32, #tpu.memory_space<vmem>> -> memref<128x64xf32, #tpu.memory_space<vmem>>
    %dma_wait3A_365 = arith.constant 0 : i32
    %dma_wait3A_366 = tpu.memref_slice %arg5[%dma_wait3A_361, %dma_wait3A_365] : memref<20x128xi32, #tpu.memory_space<vmem>> -> memref<1x128xi32, #tpu.memory_space<vmem>>
    %dma_wait3A_367 = tpu.memref_squeeze %dma_wait3A_366 : memref<1x128xi32, #tpu.memory_space<vmem>> -> memref<128xi32, #tpu.memory_space<vmem>>
    %dma_wait3A_368 = arith.constant 0 : i32
    %dma_wait3A_369 = arith.constant 0 : i32
    %dma_wait3A_370 = tpu.memref_slice %arg3[%dma_wait3A_368, %dma_wait3A_369] : memref<1015808x64xf32, #tpu.memory_space<hbm>> -> memref<1015808x64xf32, #tpu.memory_space<hbm>>
    tpu.wait_indirect_dma semaphore(%arg7 : memref<!tpu.dma_semaphore, #tpu.memory_space<semaphore_mem>>) src(%dma_wait3A_370 : memref<1015808x64xf32, #tpu.memory_space<hbm>>) dst(%dma_wait3A_364 : memref<128x64xf32, #tpu.memory_space<vmem>>)
    %dma_wait3A_371 = arith.constant 16 : i32
    %dma_wait3A_372 = arith.constant 128 : i32
    %dma_wait3A_373 = arith.constant 0 : i32
    %dma_wait3A_374 = tpu.memref_slice %arg6[%dma_wait3A_372, %dma_wait3A_373] : memref<640x64xf32, #tpu.memory_space<vmem>> -> memref<128x64xf32, #tpu.memory_space<vmem>>
    %dma_wait3A_375 = arith.constant 0 : i32
    %dma_wait3A_376 = tpu.memref_slice %arg5[%dma_wait3A_371, %dma_wait3A_375] : memref<20x128xi32, #tpu.memory_space<vmem>> -> memref<1x128xi32, #tpu.memory_space<vmem>>
    %dma_wait3A_377 = tpu.memref_squeeze %dma_wait3A_376 : memref<1x128xi32, #tpu.memory_space<vmem>> -> memref<128xi32, #tpu.memory_space<vmem>>
    %dma_wait3A_378 = arith.constant 0 : i32
    %dma_wait3A_379 = arith.constant 0 : i32
    %dma_wait3A_380 = tpu.memref_slice %arg3[%dma_wait3A_378, %dma_wait3A_379] : memref<1015808x64xf32, #tpu.memory_space<hbm>> -> memref<1015808x64xf32, #tpu.memory_space<hbm>>
    tpu.wait_indirect_dma semaphore(%arg7 : memref<!tpu.dma_semaphore, #tpu.memory_space<semaphore_mem>>) src(%dma_wait3A_380 : memref<1015808x64xf32, #tpu.memory_space<hbm>>) dst(%dma_wait3A_374 : memref<128x64xf32, #tpu.memory_space<vmem>>)
    %dma_wait3A_381 = arith.constant 17 : i32
    %dma_wait3A_382 = arith.constant 256 : i32
    %dma_wait3A_383 = arith.constant 0 : i32
    %dma_wait3A_384 = tpu.memref_slice %arg6[%dma_wait3A_382, %dma_wait3A_383] : memref<640x64xf32, #tpu.memory_space<vmem>> -> memref<128x64xf32, #tpu.memory_space<vmem>>
    %dma_wait3A_385 = arith.constant 0 : i32
    %dma_wait3A_386 = tpu.memref_slice %arg5[%dma_wait3A_381, %dma_wait3A_385] : memref<20x128xi32, #tpu.memory_space<vmem>> -> memref<1x128xi32, #tpu.memory_space<vmem>>
    %dma_wait3A_387 = tpu.memref_squeeze %dma_wait3A_386 : memref<1x128xi32, #tpu.memory_space<vmem>> -> memref<128xi32, #tpu.memory_space<vmem>>
    %dma_wait3A_388 = arith.constant 0 : i32
    %dma_wait3A_389 = arith.constant 0 : i32
    %dma_wait3A_390 = tpu.memref_slice %arg3[%dma_wait3A_388, %dma_wait3A_389] : memref<1015808x64xf32, #tpu.memory_space<hbm>> -> memref<1015808x64xf32, #tpu.memory_space<hbm>>
    tpu.wait_indirect_dma semaphore(%arg7 : memref<!tpu.dma_semaphore, #tpu.memory_space<semaphore_mem>>) src(%dma_wait3A_390 : memref<1015808x64xf32, #tpu.memory_space<hbm>>) dst(%dma_wait3A_384 : memref<128x64xf32, #tpu.memory_space<vmem>>)
    %dma_wait3A_391 = arith.constant 18 : i32
    %dma_wait3A_392 = arith.constant 384 : i32
    %dma_wait3A_393 = arith.constant 0 : i32
    %dma_wait3A_394 = tpu.memref_slice %arg6[%dma_wait3A_392, %dma_wait3A_393] : memref<640x64xf32, #tpu.memory_space<vmem>> -> memref<128x64xf32, #tpu.memory_space<vmem>>
    %dma_wait3A_395 = arith.constant 0 : i32
    %dma_wait3A_396 = tpu.memref_slice %arg5[%dma_wait3A_391, %dma_wait3A_395] : memref<20x128xi32, #tpu.memory_space<vmem>> -> memref<1x128xi32, #tpu.memory_space<vmem>>
    %dma_wait3A_397 = tpu.memref_squeeze %dma_wait3A_396 : memref<1x128xi32, #tpu.memory_space<vmem>> -> memref<128xi32, #tpu.memory_space<vmem>>
    %dma_wait3A_398 = arith.constant 0 : i32
    %dma_wait3A_399 = arith.constant 0 : i32
    %dma_wait3A_400 = tpu.memref_slice %arg3[%dma_wait3A_398, %dma_wait3A_399] : memref<1015808x64xf32, #tpu.memory_space<hbm>> -> memref<1015808x64xf32, #tpu.memory_space<hbm>>
    tpu.wait_indirect_dma semaphore(%arg7 : memref<!tpu.dma_semaphore, #tpu.memory_space<semaphore_mem>>) src(%dma_wait3A_400 : memref<1015808x64xf32, #tpu.memory_space<hbm>>) dst(%dma_wait3A_394 : memref<128x64xf32, #tpu.memory_space<vmem>>)
    %dma_wait3A_401 = arith.constant 19 : i32
    %dma_wait3A_402 = arith.constant 512 : i32
    %dma_wait3A_403 = arith.constant 0 : i32
    %dma_wait3A_404 = tpu.memref_slice %arg6[%dma_wait3A_402, %dma_wait3A_403] : memref<640x64xf32, #tpu.memory_space<vmem>> -> memref<128x64xf32, #tpu.memory_space<vmem>>
    %dma_wait3A_405 = arith.constant 0 : i32
    %dma_wait3A_406 = tpu.memref_slice %arg5[%dma_wait3A_401, %dma_wait3A_405] : memref<20x128xi32, #tpu.memory_space<vmem>> -> memref<1x128xi32, #tpu.memory_space<vmem>>
    %dma_wait3A_407 = tpu.memref_squeeze %dma_wait3A_406 : memref<1x128xi32, #tpu.memory_space<vmem>> -> memref<128xi32, #tpu.memory_space<vmem>>
    %dma_wait3A_408 = arith.constant 0 : i32
    %dma_wait3A_409 = arith.constant 0 : i32
    %dma_wait3A_410 = tpu.memref_slice %arg3[%dma_wait3A_408, %dma_wait3A_409] : memref<1015808x64xf32, #tpu.memory_space<hbm>> -> memref<1015808x64xf32, #tpu.memory_space<hbm>>
    tpu.wait_indirect_dma semaphore(%arg7 : memref<!tpu.dma_semaphore, #tpu.memory_space<semaphore_mem>>) src(%dma_wait3A_410 : memref<1015808x64xf32, #tpu.memory_space<hbm>>) dst(%dma_wait3A_404 : memref<128x64xf32, #tpu.memory_space<vmem>>)
    %mul3A_411 = arith.constant 2560 : i32
    %mul3A_412 = arith.muli %add3A, %mul3A_411 : i32
    %add3A_413 = arith.constant 1920 : i32
    %add3A_414 = arith.addi %mul3A_412, %add3A_413 : i32
    "tpu.region"() ({
      %run_scoped3A = tpu.sem_alloc : memref<!tpu.dma_semaphore, #tpu.memory_space<semaphore_mem>>
      %dma_start3A_415 = arith.constant 0 : i32
      %dma_start3A_416 = tpu.memref_slice %arg4[%add3A_414, %dma_start3A_415] : memref<81920x128xf32, #tpu.memory_space<hbm>> -> memref<640x64xf32, #tpu.memory_space<hbm>>
      %dma_start3A_417 = arith.constant 0 : i32
      %dma_start3A_418 = tpu.memref_slice %arg4[%add3A_414, %dma_start3A_417] : memref<81920x128xf32, #tpu.memory_space<hbm>> -> memref<640x64xf32, #tpu.memory_space<hbm>>
      tpu.enqueue_dma source(%arg6 : memref<640x64xf32, #tpu.memory_space<vmem>>) target(%dma_start3A_418 : memref<640x64xf32, #tpu.memory_space<hbm>>) target_semaphore(%run_scoped3A : memref<!tpu.dma_semaphore, #tpu.memory_space<semaphore_mem>>)
      %dma_wait3A_419 = arith.constant 0 : i32
      %dma_wait3A_420 = tpu.memref_slice %arg4[%add3A_414, %dma_wait3A_419] : memref<81920x128xf32, #tpu.memory_space<hbm>> -> memref<640x64xf32, #tpu.memory_space<hbm>>
      %dma_wait3A_421 = arith.constant 0 : i32
      %dma_wait3A_422 = tpu.memref_slice %arg4[%add3A_414, %dma_wait3A_421] : memref<81920x128xf32, #tpu.memory_space<hbm>> -> memref<640x64xf32, #tpu.memory_space<hbm>>
      tpu.wait_dma2 semaphore(%run_scoped3A : memref<!tpu.dma_semaphore, #tpu.memory_space<semaphore_mem>>) src(%arg6 : memref<640x64xf32, #tpu.memory_space<vmem>>) dst(%dma_wait3A_422 : memref<640x64xf32, #tpu.memory_space<hbm>>)
      tpu.yield
    }) : () -> ()
    return
  }
}

module attributes {stable_mosaic.version = 14 : i64} {
  func.func @_pre_body(%arg0: i32, %arg1: memref<64x16384xf32, #tpu.memory_space<vmem>>, %arg2: memref<64x64xf32, #tpu.memory_space<vmem>>, %arg3: memref<8192x128xf32, #tpu.memory_space<vmem>>) attributes {dimension_semantics = [#tpu.dimension_semantics<arbitrary>], iteration_bounds = array<i64: 62>, scalar_prefetch = 0 : i64, scratch_operands = 0 : i64, tpu.core_type = #tpu.core_type<tc>, window_params = [{transform_indices = @transform_0, window_bounds = array<i64: 64, 16384>}, {pipeline_mode = #tpu.pipeline_mode<synchronous>, transform_indices = @transform_1, window_bounds = array<i64: 64, 64>}, {transform_indices = @transform_2, window_bounds = array<i64: 8192, 128>}]} {
    %get3A = arith.constant 0 : index
    %get3A_0 = arith.constant 0 : index
    %get3A_1 = vector.load %arg1[%get3A, %get3A_0] : memref<64x16384xf32, #tpu.memory_space<vmem>>, vector<64x8192xf32>
    %get3A_2 = arith.constant 0 : index
    %get3A_3 = arith.constant 0 : index
    %get3A_4 = vector.load %arg2[%get3A_2, %get3A_3] : memref<64x64xf32, #tpu.memory_space<vmem>>, vector<64x64xf32>
    %dot_general3A = arith.constant dense<0.000000e+00> : vector<8192x64xf32>
    %dot_general3A_5 = tpu.matmul %get3A_1, %get3A_4, %dot_general3A {dimension_numbers = #tpu.dot_dimension_numbers<[0], [1], [1], [0], [0, 1, 1, 0], [], []>, transpose_lhs_hint = false} : vector<64x8192xf32>, vector<64x64xf32>, vector<8192x64xf32> -> vector<8192x64xf32>
    %get3A_6 = arith.constant 0 : index
    %get3A_7 = arith.constant 8192 : index
    %get3A_8 = vector.load %arg1[%get3A_6, %get3A_7] : memref<64x16384xf32, #tpu.memory_space<vmem>>, vector<64x8192xf32>
    %get3A_9 = arith.constant 0 : index
    %get3A_10 = arith.constant 0 : index
    %get3A_11 = vector.load %arg2[%get3A_9, %get3A_10] : memref<64x64xf32, #tpu.memory_space<vmem>>, vector<64x64xf32>
    %dot_general3A_12 = arith.constant dense<0.000000e+00> : vector<8192x64xf32>
    %dot_general3A_13 = tpu.matmul %get3A_8, %get3A_11, %dot_general3A_12 {dimension_numbers = #tpu.dot_dimension_numbers<[0], [1], [1], [0], [0, 1, 1, 0], [], []>, transpose_lhs_hint = false} : vector<64x8192xf32>, vector<64x64xf32>, vector<8192x64xf32> -> vector<8192x64xf32>
    %concatenate3A = tpu.concatenate %dot_general3A_5, %dot_general3A_13 in 1 : vector<8192x64xf32>, vector<8192x64xf32> -> vector<8192x128xf32>
    %swap3A = arith.constant 0 : index
    %swap3A_14 = arith.constant 0 : index
    %swap3A_15 = vector.load %arg3[%swap3A, %swap3A_14] : memref<8192x128xf32, #tpu.memory_space<vmem>>, vector<8192x128xf32>
    tpu.vector_store %arg3[%swap3A, %swap3A_14], %concatenate3A {strides = array<i32>} : memref<8192x128xf32, #tpu.memory_space<vmem>>, vector<8192x128xf32>,
    return
  }
  func.func @transform_0(%arg0: i32) -> (i32, i32) {
    %c0_i32 = arith.constant 0 : i32
    %c0_i32_0 = arith.constant 0 : i32
    return %c0_i32, %arg0 : i32, i32
  }
  func.func @transform_1(%arg0: i32) -> (i32, i32) {
    %c0_i32 = arith.constant 0 : i32
    %c0_i32_0 = arith.constant 0 : i32
    %c0_i32_1 = arith.constant 0 : i32
    return %c0_i32, %c0_i32_0 : i32, i32
  }
  func.func @transform_2(%arg0: i32) -> (i32, i32) {
    %c0_i32 = arith.constant 0 : i32
    %c0_i32_0 = arith.constant 0 : i32
    return %arg0, %c0_i32 : i32, i32
  }
}

module attributes {stable_mosaic.version = 14 : i64} {
  func.func @_tc_body(%arg0: i32, %arg1: i32, %arg2: memref<40x64x128xf32, #tpu.memory_space<vmem>>, %arg3: memref<40x128xi32, #tpu.memory_space<vmem>>, %arg4: memref<20x128x128xf32, #tpu.memory_space<vmem>>, %arg5: memref<1x1xf32, #tpu.memory_space<vmem>>, %arg6: memref<40x64x128xf32, #tpu.memory_space<vmem>>) attributes {dimension_semantics = [#tpu.dimension_semantics<arbitrary>, #tpu.dimension_semantics<arbitrary>], iteration_bounds = array<i64: 32, 5>, scalar_prefetch = 0 : i64, scratch_operands = 0 : i64, tpu.core_type = #tpu.core_type<tc>, window_params = [{transform_indices = @transform_0, window_bounds = array<i64: 40, 64, 128>}, {transform_indices = @transform_1, window_bounds = array<i64: 40, 128>}, {transform_indices = @transform_2, window_bounds = array<i64: 20, 128, 128>}, {pipeline_mode = #tpu.pipeline_mode<synchronous>, transform_indices = @transform_3, window_bounds = array<i64: 1, 1>}, {transform_indices = @transform_4, window_bounds = array<i64: 40, 64, 128>}]} {
    %get3A = arith.constant 0 : index
    %get3A_0 = arith.constant 0 : index
    %get3A_1 = arith.constant 0 : index
    %get3A_2 = vector.load %arg4[%get3A, %get3A_0, %get3A_1] : memref<20x128x128xf32, #tpu.memory_space<vmem>>, vector<20x128x128xf32>
    %slice3A = vector.extract_strided_slice %get3A_2 {offsets = [0, 0, 0], sizes = [20, 128, 64], strides = [1, 1, 1]} : vector<20x128x128xf32> to vector<20x128x64xf32>
    %reshape3A = vector.shape_cast %slice3A : vector<20x128x64xf32> to vector<2560x64xf32>
    %iota3A = tpu.iota {dimensions = array<i32: 0>} : vector<64x64xi32>
    %iota3A_3 = tpu.iota {dimensions = array<i32: 1>} : vector<64x64xi32>
    %eq3A = arith.cmpi eq, %iota3A, %iota3A_3 : vector<64x64xi32>
    %convert_element_type3A = arith.extui %eq3A : vector<64x64xi1> to vector<64x64xi32>
    %convert_element_type3A_4 = arith.sitofp %convert_element_type3A : vector<64x64xi32> to vector<64x64xf32>
    %dot_general3A = arith.constant dense<0.000000e+00> : vector<64x2560xf32>
    %dot_general3A_5 = tpu.matmul %convert_element_type3A_4, %reshape3A, %dot_general3A {dimension_numbers = #tpu.dot_dimension_numbers<[1], [1], [0], [0], [0, 0, 1, 0], [], []>, transpose_lhs_hint = false} : vector<64x64xf32>, vector<2560x64xf32>, vector<64x2560xf32> -> vector<64x2560xf32>
    %bitcast_convert_type3A = tpu.bitcast %dot_general3A_5 : vector<64x2560xf32> -> vector<64x2560xi32>
    %slice3A_6 = vector.extract_strided_slice %bitcast_convert_type3A {offsets = [0, 0], sizes = [64, 128], strides = [1, 1]} : vector<64x2560xi32> to vector<64x128xi32>
    %slice3A_7 = vector.extract_strided_slice %bitcast_convert_type3A {offsets = [0, 128], sizes = [64, 128], strides = [1, 1]} : vector<64x2560xi32> to vector<64x128xi32>
    %add3A = arith.constant 32768 : i32
    %add3A_8 = vector.broadcast %add3A : i32 to vector<64x128xi32>
    %add3A_9 = arith.addi %slice3A_7, %add3A_8 : vector<64x128xi32>
    %and3A = arith.constant -65536 : i32
    %and3A_10 = vector.broadcast %and3A : i32 to vector<64x128xi32>
    %and3A_11 = arith.andi %add3A_9, %and3A_10 : vector<64x128xi32>
    %add3A_12 = arith.constant 32768 : i32
    %add3A_13 = vector.broadcast %add3A_12 : i32 to vector<64x128xi32>
    %add3A_14 = arith.addi %slice3A_6, %add3A_13 : vector<64x128xi32>
    %shift_right_logical3A = arith.constant 16 : i32
    %shift_right_logical3A_15 = vector.broadcast %shift_right_logical3A : i32 to vector<64x128xi32>
    %shift_right_logical3A_16 = arith.shrui %add3A_14, %shift_right_logical3A_15 : vector<64x128xi32>
    %or3A = arith.ori %and3A_11, %shift_right_logical3A_16 : vector<64x128xi32>
    %slice3A_17 = vector.extract_strided_slice %bitcast_convert_type3A {offsets = [0, 256], sizes = [64, 128], strides = [1, 1]} : vector<64x2560xi32> to vector<64x128xi32>
    %slice3A_18 = vector.extract_strided_slice %bitcast_convert_type3A {offsets = [0, 384], sizes = [64, 128], strides = [1, 1]} : vector<64x2560xi32> to vector<64x128xi32>
    %add3A_19 = arith.constant 32768 : i32
    %add3A_20 = vector.broadcast %add3A_19 : i32 to vector<64x128xi32>
    %add3A_21 = arith.addi %slice3A_18, %add3A_20 : vector<64x128xi32>
    %and3A_22 = arith.constant -65536 : i32
    %and3A_23 = vector.broadcast %and3A_22 : i32 to vector<64x128xi32>
    %and3A_24 = arith.andi %add3A_21, %and3A_23 : vector<64x128xi32>
    %add3A_25 = arith.constant 32768 : i32
    %add3A_26 = vector.broadcast %add3A_25 : i32 to vector<64x128xi32>
    %add3A_27 = arith.addi %slice3A_17, %add3A_26 : vector<64x128xi32>
    %shift_right_logical3A_28 = arith.constant 16 : i32
    %shift_right_logical3A_29 = vector.broadcast %shift_right_logical3A_28 : i32 to vector<64x128xi32>
    %shift_right_logical3A_30 = arith.shrui %add3A_27, %shift_right_logical3A_29 : vector<64x128xi32>
    %or3A_31 = arith.ori %and3A_24, %shift_right_logical3A_30 : vector<64x128xi32>
    %slice3A_32 = vector.extract_strided_slice %bitcast_convert_type3A {offsets = [0, 512], sizes = [64, 128], strides = [1, 1]} : vector<64x2560xi32> to vector<64x128xi32>
    %slice3A_33 = vector.extract_strided_slice %bitcast_convert_type3A {offsets = [0, 640], sizes = [64, 128], strides = [1, 1]} : vector<64x2560xi32> to vector<64x128xi32>
    %add3A_34 = arith.constant 32768 : i32
    %add3A_35 = vector.broadcast %add3A_34 : i32 to vector<64x128xi32>
    %add3A_36 = arith.addi %slice3A_33, %add3A_35 : vector<64x128xi32>
    %and3A_37 = arith.constant -65536 : i32
    %and3A_38 = vector.broadcast %and3A_37 : i32 to vector<64x128xi32>
    %and3A_39 = arith.andi %add3A_36, %and3A_38 : vector<64x128xi32>
    %add3A_40 = arith.constant 32768 : i32
    %add3A_41 = vector.broadcast %add3A_40 : i32 to vector<64x128xi32>
    %add3A_42 = arith.addi %slice3A_32, %add3A_41 : vector<64x128xi32>
    %shift_right_logical3A_43 = arith.constant 16 : i32
    %shift_right_logical3A_44 = vector.broadcast %shift_right_logical3A_43 : i32 to vector<64x128xi32>
    %shift_right_logical3A_45 = arith.shrui %add3A_42, %shift_right_logical3A_44 : vector<64x128xi32>
    %or3A_46 = arith.ori %and3A_39, %shift_right_logical3A_45 : vector<64x128xi32>
    %slice3A_47 = vector.extract_strided_slice %bitcast_convert_type3A {offsets = [0, 768], sizes = [64, 128], strides = [1, 1]} : vector<64x2560xi32> to vector<64x128xi32>
    %slice3A_48 = vector.extract_strided_slice %bitcast_convert_type3A {offsets = [0, 896], sizes = [64, 128], strides = [1, 1]} : vector<64x2560xi32> to vector<64x128xi32>
    %add3A_49 = arith.constant 32768 : i32
    %add3A_50 = vector.broadcast %add3A_49 : i32 to vector<64x128xi32>
    %add3A_51 = arith.addi %slice3A_48, %add3A_50 : vector<64x128xi32>
    %and3A_52 = arith.constant -65536 : i32
    %and3A_53 = vector.broadcast %and3A_52 : i32 to vector<64x128xi32>
    %and3A_54 = arith.andi %add3A_51, %and3A_53 : vector<64x128xi32>
    %add3A_55 = arith.constant 32768 : i32
    %add3A_56 = vector.broadcast %add3A_55 : i32 to vector<64x128xi32>
    %add3A_57 = arith.addi %slice3A_47, %add3A_56 : vector<64x128xi32>
    %shift_right_logical3A_58 = arith.constant 16 : i32
    %shift_right_logical3A_59 = vector.broadcast %shift_right_logical3A_58 : i32 to vector<64x128xi32>
    %shift_right_logical3A_60 = arith.shrui %add3A_57, %shift_right_logical3A_59 : vector<64x128xi32>
    %or3A_61 = arith.ori %and3A_54, %shift_right_logical3A_60 : vector<64x128xi32>
    %slice3A_62 = vector.extract_strided_slice %bitcast_convert_type3A {offsets = [0, 1024], sizes = [64, 128], strides = [1, 1]} : vector<64x2560xi32> to vector<64x128xi32>
    %slice3A_63 = vector.extract_strided_slice %bitcast_convert_type3A {offsets = [0, 1152], sizes = [64, 128], strides = [1, 1]} : vector<64x2560xi32> to vector<64x128xi32>
    %add3A_64 = arith.constant 32768 : i32
    %add3A_65 = vector.broadcast %add3A_64 : i32 to vector<64x128xi32>
    %add3A_66 = arith.addi %slice3A_63, %add3A_65 : vector<64x128xi32>
    %and3A_67 = arith.constant -65536 : i32
    %and3A_68 = vector.broadcast %and3A_67 : i32 to vector<64x128xi32>
    %and3A_69 = arith.andi %add3A_66, %and3A_68 : vector<64x128xi32>
    %add3A_70 = arith.constant 32768 : i32
    %add3A_71 = vector.broadcast %add3A_70 : i32 to vector<64x128xi32>
    %add3A_72 = arith.addi %slice3A_62, %add3A_71 : vector<64x128xi32>
    %shift_right_logical3A_73 = arith.constant 16 : i32
    %shift_right_logical3A_74 = vector.broadcast %shift_right_logical3A_73 : i32 to vector<64x128xi32>
    %shift_right_logical3A_75 = arith.shrui %add3A_72, %shift_right_logical3A_74 : vector<64x128xi32>
    %or3A_76 = arith.ori %and3A_69, %shift_right_logical3A_75 : vector<64x128xi32>
    %slice3A_77 = vector.extract_strided_slice %bitcast_convert_type3A {offsets = [0, 1280], sizes = [64, 128], strides = [1, 1]} : vector<64x2560xi32> to vector<64x128xi32>
    %slice3A_78 = vector.extract_strided_slice %bitcast_convert_type3A {offsets = [0, 1408], sizes = [64, 128], strides = [1, 1]} : vector<64x2560xi32> to vector<64x128xi32>
    %add3A_79 = arith.constant 32768 : i32
    %add3A_80 = vector.broadcast %add3A_79 : i32 to vector<64x128xi32>
    %add3A_81 = arith.addi %slice3A_78, %add3A_80 : vector<64x128xi32>
    %and3A_82 = arith.constant -65536 : i32
    %and3A_83 = vector.broadcast %and3A_82 : i32 to vector<64x128xi32>
    %and3A_84 = arith.andi %add3A_81, %and3A_83 : vector<64x128xi32>
    %add3A_85 = arith.constant 32768 : i32
    %add3A_86 = vector.broadcast %add3A_85 : i32 to vector<64x128xi32>
    %add3A_87 = arith.addi %slice3A_77, %add3A_86 : vector<64x128xi32>
    %shift_right_logical3A_88 = arith.constant 16 : i32
    %shift_right_logical3A_89 = vector.broadcast %shift_right_logical3A_88 : i32 to vector<64x128xi32>
    %shift_right_logical3A_90 = arith.shrui %add3A_87, %shift_right_logical3A_89 : vector<64x128xi32>
    %or3A_91 = arith.ori %and3A_84, %shift_right_logical3A_90 : vector<64x128xi32>
    %slice3A_92 = vector.extract_strided_slice %bitcast_convert_type3A {offsets = [0, 1536], sizes = [64, 128], strides = [1, 1]} : vector<64x2560xi32> to vector<64x128xi32>
    %slice3A_93 = vector.extract_strided_slice %bitcast_convert_type3A {offsets = [0, 1664], sizes = [64, 128], strides = [1, 1]} : vector<64x2560xi32> to vector<64x128xi32>
    %add3A_94 = arith.constant 32768 : i32
    %add3A_95 = vector.broadcast %add3A_94 : i32 to vector<64x128xi32>
    %add3A_96 = arith.addi %slice3A_93, %add3A_95 : vector<64x128xi32>
    %and3A_97 = arith.constant -65536 : i32
    %and3A_98 = vector.broadcast %and3A_97 : i32 to vector<64x128xi32>
    %and3A_99 = arith.andi %add3A_96, %and3A_98 : vector<64x128xi32>
    %add3A_100 = arith.constant 32768 : i32
    %add3A_101 = vector.broadcast %add3A_100 : i32 to vector<64x128xi32>
    %add3A_102 = arith.addi %slice3A_92, %add3A_101 : vector<64x128xi32>
    %shift_right_logical3A_103 = arith.constant 16 : i32
    %shift_right_logical3A_104 = vector.broadcast %shift_right_logical3A_103 : i32 to vector<64x128xi32>
    %shift_right_logical3A_105 = arith.shrui %add3A_102, %shift_right_logical3A_104 : vector<64x128xi32>
    %or3A_106 = arith.ori %and3A_99, %shift_right_logical3A_105 : vector<64x128xi32>
    %slice3A_107 = vector.extract_strided_slice %bitcast_convert_type3A {offsets = [0, 1792], sizes = [64, 128], strides = [1, 1]} : vector<64x2560xi32> to vector<64x128xi32>
    %slice3A_108 = vector.extract_strided_slice %bitcast_convert_type3A {offsets = [0, 1920], sizes = [64, 128], strides = [1, 1]} : vector<64x2560xi32> to vector<64x128xi32>
    %add3A_109 = arith.constant 32768 : i32
    %add3A_110 = vector.broadcast %add3A_109 : i32 to vector<64x128xi32>
    %add3A_111 = arith.addi %slice3A_108, %add3A_110 : vector<64x128xi32>
    %and3A_112 = arith.constant -65536 : i32
    %and3A_113 = vector.broadcast %and3A_112 : i32 to vector<64x128xi32>
    %and3A_114 = arith.andi %add3A_111, %and3A_113 : vector<64x128xi32>
    %add3A_115 = arith.constant 32768 : i32
    %add3A_116 = vector.broadcast %add3A_115 : i32 to vector<64x128xi32>
    %add3A_117 = arith.addi %slice3A_107, %add3A_116 : vector<64x128xi32>
    %shift_right_logical3A_118 = arith.constant 16 : i32
    %shift_right_logical3A_119 = vector.broadcast %shift_right_logical3A_118 : i32 to vector<64x128xi32>
    %shift_right_logical3A_120 = arith.shrui %add3A_117, %shift_right_logical3A_119 : vector<64x128xi32>
    %or3A_121 = arith.ori %and3A_114, %shift_right_logical3A_120 : vector<64x128xi32>
    %slice3A_122 = vector.extract_strided_slice %bitcast_convert_type3A {offsets = [0, 2048], sizes = [64, 128], strides = [1, 1]} : vector<64x2560xi32> to vector<64x128xi32>
    %slice3A_123 = vector.extract_strided_slice %bitcast_convert_type3A {offsets = [0, 2176], sizes = [64, 128], strides = [1, 1]} : vector<64x2560xi32> to vector<64x128xi32>
    %add3A_124 = arith.constant 32768 : i32
    %add3A_125 = vector.broadcast %add3A_124 : i32 to vector<64x128xi32>
    %add3A_126 = arith.addi %slice3A_123, %add3A_125 : vector<64x128xi32>
    %and3A_127 = arith.constant -65536 : i32
    %and3A_128 = vector.broadcast %and3A_127 : i32 to vector<64x128xi32>
    %and3A_129 = arith.andi %add3A_126, %and3A_128 : vector<64x128xi32>
    %add3A_130 = arith.constant 32768 : i32
    %add3A_131 = vector.broadcast %add3A_130 : i32 to vector<64x128xi32>
    %add3A_132 = arith.addi %slice3A_122, %add3A_131 : vector<64x128xi32>
    %shift_right_logical3A_133 = arith.constant 16 : i32
    %shift_right_logical3A_134 = vector.broadcast %shift_right_logical3A_133 : i32 to vector<64x128xi32>
    %shift_right_logical3A_135 = arith.shrui %add3A_132, %shift_right_logical3A_134 : vector<64x128xi32>
    %or3A_136 = arith.ori %and3A_129, %shift_right_logical3A_135 : vector<64x128xi32>
    %slice3A_137 = vector.extract_strided_slice %bitcast_convert_type3A {offsets = [0, 2304], sizes = [64, 128], strides = [1, 1]} : vector<64x2560xi32> to vector<64x128xi32>
    %slice3A_138 = vector.extract_strided_slice %bitcast_convert_type3A {offsets = [0, 2432], sizes = [64, 128], strides = [1, 1]} : vector<64x2560xi32> to vector<64x128xi32>
    %add3A_139 = arith.constant 32768 : i32
    %add3A_140 = vector.broadcast %add3A_139 : i32 to vector<64x128xi32>
    %add3A_141 = arith.addi %slice3A_138, %add3A_140 : vector<64x128xi32>
    %and3A_142 = arith.constant -65536 : i32
    %and3A_143 = vector.broadcast %and3A_142 : i32 to vector<64x128xi32>
    %and3A_144 = arith.andi %add3A_141, %and3A_143 : vector<64x128xi32>
    %add3A_145 = arith.constant 32768 : i32
    %add3A_146 = vector.broadcast %add3A_145 : i32 to vector<64x128xi32>
    %add3A_147 = arith.addi %slice3A_137, %add3A_146 : vector<64x128xi32>
    %shift_right_logical3A_148 = arith.constant 16 : i32
    %shift_right_logical3A_149 = vector.broadcast %shift_right_logical3A_148 : i32 to vector<64x128xi32>
    %shift_right_logical3A_150 = arith.shrui %add3A_147, %shift_right_logical3A_149 : vector<64x128xi32>
    %or3A_151 = arith.ori %and3A_144, %shift_right_logical3A_150 : vector<64x128xi32>
    %get3A_152 = arith.constant 0 : index
    %get3A_153 = arith.constant 0 : index
    %get3A_154 = vector.load %arg5[%get3A_152, %get3A_153] : memref<1x1xf32, #tpu.memory_space<vmem>>, vector<1x1xf32>
    %get3A_155 = vector.extract %get3A_154[0, 0] : f32 from vector<1x1xf32>
    %tanh3A = math.tanh %get3A_155 : f32
    %get3A_156 = arith.constant 0 : index
    %get3A_157 = arith.constant 0 : index
    %get3A_158 = vector.load %arg3[%get3A_156, %get3A_157] : memref<40x128xi32, #tpu.memory_space<vmem>>, vector<4x128xi32>
    %shift_right_arithmetic3A = arith.constant 1 : i32
    %shift_right_arithmetic3A_159 = vector.broadcast %shift_right_arithmetic3A : i32 to vector<4x128xi32>
    %shift_right_arithmetic3A_160 = arith.shrsi %get3A_158, %shift_right_arithmetic3A_159 : vector<4x128xi32>
    %and3A_161 = arith.constant 1 : i32
    %and3A_162 = vector.broadcast %and3A_161 : i32 to vector<4x128xi32>
    %and3A_163 = arith.andi %get3A_158, %and3A_162 : vector<4x128xi32>
    %xor3A = arith.constant 1 : i32
    %xor3A_164 = vector.broadcast %xor3A : i32 to vector<4x128xi32>
    %xor3A_165 = arith.xori %and3A_163, %xor3A_164 : vector<4x128xi32>
    %shift_left3A = arith.constant 4 : i32
    %shift_left3A_166 = vector.broadcast %shift_left3A : i32 to vector<4x128xi32>
    %shift_left3A_167 = arith.shli %xor3A_165, %shift_left3A_166 : vector<4x128xi32>
    %broadcast_in_dim3A = vector.shape_cast %or3A : vector<64x128xi32> to vector<1x64x128xi32>
    %broadcast_in_dim3A_168 = vector.shape_cast %broadcast_in_dim3A : vector<1x64x128xi32> to vector<1x64x128xi32>
    %broadcast_in_dim3A_169 = vector.broadcast %broadcast_in_dim3A_168 : vector<1x64x128xi32> to vector<4x64x128xi32>
    %eq3A_170 = arith.constant 1 : i32
    %eq3A_171 = vector.broadcast %eq3A_170 : i32 to vector<4x128xi32>
    %eq3A_172 = arith.cmpi eq, %shift_right_arithmetic3A_160, %eq3A_171 : vector<4x128xi32>
    %broadcast_in_dim3A_173 = vector.shape_cast %eq3A_172 : vector<4x128xi1> to vector<4x1x128xi1>
    %broadcast_in_dim3A_174 = vector.shape_cast %or3A_31 : vector<64x128xi32> to vector<1x64x128xi32>
    %broadcast_in_dim3A_175 = vector.shape_cast %broadcast_in_dim3A_173 : vector<4x1x128xi1> to vector<4x1x128xi1>
    %broadcast_in_dim3A_176 = vector.broadcast %broadcast_in_dim3A_175 : vector<4x1x128xi1> to vector<4x64x128xi1>
    %broadcast_in_dim3A_177 = vector.shape_cast %broadcast_in_dim3A_174 : vector<1x64x128xi32> to vector<1x64x128xi32>
    %broadcast_in_dim3A_178 = vector.broadcast %broadcast_in_dim3A_177 : vector<1x64x128xi32> to vector<4x64x128xi32>
    %select_n3A = arith.select %broadcast_in_dim3A_176, %broadcast_in_dim3A_178, %broadcast_in_dim3A_169 : vector<4x64x128xi1>, vector<4x64x128xi32>
    %eq3A_179 = arith.constant 2 : i32
    %eq3A_180 = vector.broadcast %eq3A_179 : i32 to vector<4x128xi32>
    %eq3A_181 = arith.cmpi eq, %shift_right_arithmetic3A_160, %eq3A_180 : vector<4x128xi32>
    %broadcast_in_dim3A_182 = vector.shape_cast %eq3A_181 : vector<4x128xi1> to vector<4x1x128xi1>
    %broadcast_in_dim3A_183 = vector.shape_cast %or3A_46 : vector<64x128xi32> to vector<1x64x128xi32>
    %broadcast_in_dim3A_184 = vector.shape_cast %broadcast_in_dim3A_182 : vector<4x1x128xi1> to vector<4x1x128xi1>
    %broadcast_in_dim3A_185 = vector.broadcast %broadcast_in_dim3A_184 : vector<4x1x128xi1> to vector<4x64x128xi1>
    %broadcast_in_dim3A_186 = vector.shape_cast %broadcast_in_dim3A_183 : vector<1x64x128xi32> to vector<1x64x128xi32>
    %broadcast_in_dim3A_187 = vector.broadcast %broadcast_in_dim3A_186 : vector<1x64x128xi32> to vector<4x64x128xi32>
    %select_n3A_188 = arith.select %broadcast_in_dim3A_185, %broadcast_in_dim3A_187, %select_n3A : vector<4x64x128xi1>, vector<4x64x128xi32>
    %eq3A_189 = arith.constant 3 : i32
    %eq3A_190 = vector.broadcast %eq3A_189 : i32 to vector<4x128xi32>
    %eq3A_191 = arith.cmpi eq, %shift_right_arithmetic3A_160, %eq3A_190 : vector<4x128xi32>
    %broadcast_in_dim3A_192 = vector.shape_cast %eq3A_191 : vector<4x128xi1> to vector<4x1x128xi1>
    %broadcast_in_dim3A_193 = vector.shape_cast %or3A_61 : vector<64x128xi32> to vector<1x64x128xi32>
    %broadcast_in_dim3A_194 = vector.shape_cast %broadcast_in_dim3A_192 : vector<4x1x128xi1> to vector<4x1x128xi1>
    %broadcast_in_dim3A_195 = vector.broadcast %broadcast_in_dim3A_194 : vector<4x1x128xi1> to vector<4x64x128xi1>
    %broadcast_in_dim3A_196 = vector.shape_cast %broadcast_in_dim3A_193 : vector<1x64x128xi32> to vector<1x64x128xi32>
    %broadcast_in_dim3A_197 = vector.broadcast %broadcast_in_dim3A_196 : vector<1x64x128xi32> to vector<4x64x128xi32>
    %select_n3A_198 = arith.select %broadcast_in_dim3A_195, %broadcast_in_dim3A_197, %select_n3A_188 : vector<4x64x128xi1>, vector<4x64x128xi32>
    %eq3A_199 = arith.constant 4 : i32
    %eq3A_200 = vector.broadcast %eq3A_199 : i32 to vector<4x128xi32>
    %eq3A_201 = arith.cmpi eq, %shift_right_arithmetic3A_160, %eq3A_200 : vector<4x128xi32>
    %broadcast_in_dim3A_202 = vector.shape_cast %eq3A_201 : vector<4x128xi1> to vector<4x1x128xi1>
    %broadcast_in_dim3A_203 = vector.shape_cast %or3A_76 : vector<64x128xi32> to vector<1x64x128xi32>
    %broadcast_in_dim3A_204 = vector.shape_cast %broadcast_in_dim3A_202 : vector<4x1x128xi1> to vector<4x1x128xi1>
    %broadcast_in_dim3A_205 = vector.broadcast %broadcast_in_dim3A_204 : vector<4x1x128xi1> to vector<4x64x128xi1>
    %broadcast_in_dim3A_206 = vector.shape_cast %broadcast_in_dim3A_203 : vector<1x64x128xi32> to vector<1x64x128xi32>
    %broadcast_in_dim3A_207 = vector.broadcast %broadcast_in_dim3A_206 : vector<1x64x128xi32> to vector<4x64x128xi32>
    %select_n3A_208 = arith.select %broadcast_in_dim3A_205, %broadcast_in_dim3A_207, %select_n3A_198 : vector<4x64x128xi1>, vector<4x64x128xi32>
    %eq3A_209 = arith.constant 5 : i32
    %eq3A_210 = vector.broadcast %eq3A_209 : i32 to vector<4x128xi32>
    %eq3A_211 = arith.cmpi eq, %shift_right_arithmetic3A_160, %eq3A_210 : vector<4x128xi32>
    %broadcast_in_dim3A_212 = vector.shape_cast %eq3A_211 : vector<4x128xi1> to vector<4x1x128xi1>
    %broadcast_in_dim3A_213 = vector.shape_cast %or3A_91 : vector<64x128xi32> to vector<1x64x128xi32>
    %broadcast_in_dim3A_214 = vector.shape_cast %broadcast_in_dim3A_212 : vector<4x1x128xi1> to vector<4x1x128xi1>
    %broadcast_in_dim3A_215 = vector.broadcast %broadcast_in_dim3A_214 : vector<4x1x128xi1> to vector<4x64x128xi1>
    %broadcast_in_dim3A_216 = vector.shape_cast %broadcast_in_dim3A_213 : vector<1x64x128xi32> to vector<1x64x128xi32>
    %broadcast_in_dim3A_217 = vector.broadcast %broadcast_in_dim3A_216 : vector<1x64x128xi32> to vector<4x64x128xi32>
    %select_n3A_218 = arith.select %broadcast_in_dim3A_215, %broadcast_in_dim3A_217, %select_n3A_208 : vector<4x64x128xi1>, vector<4x64x128xi32>
    %eq3A_219 = arith.constant 6 : i32
    %eq3A_220 = vector.broadcast %eq3A_219 : i32 to vector<4x128xi32>
    %eq3A_221 = arith.cmpi eq, %shift_right_arithmetic3A_160, %eq3A_220 : vector<4x128xi32>
    %broadcast_in_dim3A_222 = vector.shape_cast %eq3A_221 : vector<4x128xi1> to vector<4x1x128xi1>
    %broadcast_in_dim3A_223 = vector.shape_cast %or3A_106 : vector<64x128xi32> to vector<1x64x128xi32>
    %broadcast_in_dim3A_224 = vector.shape_cast %broadcast_in_dim3A_222 : vector<4x1x128xi1> to vector<4x1x128xi1>
    %broadcast_in_dim3A_225 = vector.broadcast %broadcast_in_dim3A_224 : vector<4x1x128xi1> to vector<4x64x128xi1>
    %broadcast_in_dim3A_226 = vector.shape_cast %broadcast_in_dim3A_223 : vector<1x64x128xi32> to vector<1x64x128xi32>
    %broadcast_in_dim3A_227 = vector.broadcast %broadcast_in_dim3A_226 : vector<1x64x128xi32> to vector<4x64x128xi32>
    %select_n3A_228 = arith.select %broadcast_in_dim3A_225, %broadcast_in_dim3A_227, %select_n3A_218 : vector<4x64x128xi1>, vector<4x64x128xi32>
    %eq3A_229 = arith.constant 7 : i32
    %eq3A_230 = vector.broadcast %eq3A_229 : i32 to vector<4x128xi32>
    %eq3A_231 = arith.cmpi eq, %shift_right_arithmetic3A_160, %eq3A_230 : vector<4x128xi32>
    %broadcast_in_dim3A_232 = vector.shape_cast %eq3A_231 : vector<4x128xi1> to vector<4x1x128xi1>
    %broadcast_in_dim3A_233 = vector.shape_cast %or3A_121 : vector<64x128xi32> to vector<1x64x128xi32>
    %broadcast_in_dim3A_234 = vector.shape_cast %broadcast_in_dim3A_232 : vector<4x1x128xi1> to vector<4x1x128xi1>
    %broadcast_in_dim3A_235 = vector.broadcast %broadcast_in_dim3A_234 : vector<4x1x128xi1> to vector<4x64x128xi1>
    %broadcast_in_dim3A_236 = vector.shape_cast %broadcast_in_dim3A_233 : vector<1x64x128xi32> to vector<1x64x128xi32>
    %broadcast_in_dim3A_237 = vector.broadcast %broadcast_in_dim3A_236 : vector<1x64x128xi32> to vector<4x64x128xi32>
    %select_n3A_238 = arith.select %broadcast_in_dim3A_235, %broadcast_in_dim3A_237, %select_n3A_228 : vector<4x64x128xi1>, vector<4x64x128xi32>
    %eq3A_239 = arith.constant 8 : i32
    %eq3A_240 = vector.broadcast %eq3A_239 : i32 to vector<4x128xi32>
    %eq3A_241 = arith.cmpi eq, %shift_right_arithmetic3A_160, %eq3A_240 : vector<4x128xi32>
    %broadcast_in_dim3A_242 = vector.shape_cast %eq3A_241 : vector<4x128xi1> to vector<4x1x128xi1>
    %broadcast_in_dim3A_243 = vector.shape_cast %or3A_136 : vector<64x128xi32> to vector<1x64x128xi32>
    %broadcast_in_dim3A_244 = vector.shape_cast %broadcast_in_dim3A_242 : vector<4x1x128xi1> to vector<4x1x128xi1>
    %broadcast_in_dim3A_245 = vector.broadcast %broadcast_in_dim3A_244 : vector<4x1x128xi1> to vector<4x64x128xi1>
    %broadcast_in_dim3A_246 = vector.shape_cast %broadcast_in_dim3A_243 : vector<1x64x128xi32> to vector<1x64x128xi32>
    %broadcast_in_dim3A_247 = vector.broadcast %broadcast_in_dim3A_246 : vector<1x64x128xi32> to vector<4x64x128xi32>
    %select_n3A_248 = arith.select %broadcast_in_dim3A_245, %broadcast_in_dim3A_247, %select_n3A_238 : vector<4x64x128xi1>, vector<4x64x128xi32>
    %eq3A_249 = arith.constant 9 : i32
    %eq3A_250 = vector.broadcast %eq3A_249 : i32 to vector<4x128xi32>
    %eq3A_251 = arith.cmpi eq, %shift_right_arithmetic3A_160, %eq3A_250 : vector<4x128xi32>
    %broadcast_in_dim3A_252 = vector.shape_cast %eq3A_251 : vector<4x128xi1> to vector<4x1x128xi1>
    %broadcast_in_dim3A_253 = vector.shape_cast %or3A_151 : vector<64x128xi32> to vector<1x64x128xi32>
    %broadcast_in_dim3A_254 = vector.shape_cast %broadcast_in_dim3A_252 : vector<4x1x128xi1> to vector<4x1x128xi1>
    %broadcast_in_dim3A_255 = vector.broadcast %broadcast_in_dim3A_254 : vector<4x1x128xi1> to vector<4x64x128xi1>
    %broadcast_in_dim3A_256 = vector.shape_cast %broadcast_in_dim3A_253 : vector<1x64x128xi32> to vector<1x64x128xi32>
    %broadcast_in_dim3A_257 = vector.broadcast %broadcast_in_dim3A_256 : vector<1x64x128xi32> to vector<4x64x128xi32>
    %select_n3A_258 = arith.select %broadcast_in_dim3A_255, %broadcast_in_dim3A_257, %select_n3A_248 : vector<4x64x128xi1>, vector<4x64x128xi32>
    %broadcast_in_dim3A_259 = vector.shape_cast %shift_left3A_167 : vector<4x128xi32> to vector<4x1x128xi32>
    %broadcast_in_dim3A_260 = vector.shape_cast %broadcast_in_dim3A_259 : vector<4x1x128xi32> to vector<4x1x128xi32>
    %broadcast_in_dim3A_261 = vector.broadcast %broadcast_in_dim3A_260 : vector<4x1x128xi32> to vector<4x64x128xi32>
    %shift_left3A_262 = arith.shli %select_n3A_258, %broadcast_in_dim3A_261 : vector<4x64x128xi32>
    %and3A_263 = arith.constant -65536 : i32
    %and3A_264 = vector.broadcast %and3A_263 : i32 to vector<4x64x128xi32>
    %and3A_265 = arith.andi %shift_left3A_262, %and3A_264 : vector<4x64x128xi32>
    %bitcast_convert_type3A_266 = tpu.bitcast %and3A_265 : vector<4x64x128xi32> -> vector<4x64x128xf32>
    %get3A_267 = arith.constant 0 : index
    %get3A_268 = arith.constant 0 : index
    %get3A_269 = arith.constant 0 : index
    %get3A_270 = vector.load %arg2[%get3A_267, %get3A_268, %get3A_269] : memref<40x64x128xf32, #tpu.memory_space<vmem>>, vector<4x64x128xf32>
    %mul3A = vector.broadcast %tanh3A : f32 to vector<4x64x128xf32>
    %mul3A_271 = arith.mulf %mul3A, %bitcast_convert_type3A_266 : vector<4x64x128xf32>
    %add3A_272 = arith.addf %get3A_270, %mul3A_271 : vector<4x64x128xf32>
    %swap3A = arith.constant 0 : index
    %swap3A_273 = arith.constant 0 : index
    %swap3A_274 = arith.constant 0 : index
    %swap3A_275 = vector.load %arg6[%swap3A, %swap3A_273, %swap3A_274] : memref<40x64x128xf32, #tpu.memory_space<vmem>>, vector<4x64x128xf32>
    tpu.vector_store %arg6[%swap3A, %swap3A_273, %swap3A_274], %add3A_272 {strides = array<i32>} : memref<40x64x128xf32, #tpu.memory_space<vmem>>, vector<4x64x128xf32>,
    %get3A_276 = arith.constant 4 : index
    %get3A_277 = arith.constant 0 : index
    %get3A_278 = vector.load %arg3[%get3A_276, %get3A_277] : memref<40x128xi32, #tpu.memory_space<vmem>>, vector<4x128xi32>
    %shift_right_arithmetic3A_279 = arith.constant 1 : i32
    %shift_right_arithmetic3A_280 = vector.broadcast %shift_right_arithmetic3A_279 : i32 to vector<4x128xi32>
    %shift_right_arithmetic3A_281 = arith.shrsi %get3A_278, %shift_right_arithmetic3A_280 : vector<4x128xi32>
    %and3A_282 = arith.constant 1 : i32
    %and3A_283 = vector.broadcast %and3A_282 : i32 to vector<4x128xi32>
    %and3A_284 = arith.andi %get3A_278, %and3A_283 : vector<4x128xi32>
    %xor3A_285 = arith.constant 1 : i32
    %xor3A_286 = vector.broadcast %xor3A_285 : i32 to vector<4x128xi32>
    %xor3A_287 = arith.xori %and3A_284, %xor3A_286 : vector<4x128xi32>
    %shift_left3A_288 = arith.constant 4 : i32
    %shift_left3A_289 = vector.broadcast %shift_left3A_288 : i32 to vector<4x128xi32>
    %shift_left3A_290 = arith.shli %xor3A_287, %shift_left3A_289 : vector<4x128xi32>
    %broadcast_in_dim3A_291 = vector.shape_cast %or3A : vector<64x128xi32> to vector<1x64x128xi32>
    %broadcast_in_dim3A_292 = vector.shape_cast %broadcast_in_dim3A_291 : vector<1x64x128xi32> to vector<1x64x128xi32>
    %broadcast_in_dim3A_293 = vector.broadcast %broadcast_in_dim3A_292 : vector<1x64x128xi32> to vector<4x64x128xi32>
    %eq3A_294 = arith.constant 1 : i32
    %eq3A_295 = vector.broadcast %eq3A_294 : i32 to vector<4x128xi32>
    %eq3A_296 = arith.cmpi eq, %shift_right_arithmetic3A_281, %eq3A_295 : vector<4x128xi32>
    %broadcast_in_dim3A_297 = vector.shape_cast %eq3A_296 : vector<4x128xi1> to vector<4x1x128xi1>
    %broadcast_in_dim3A_298 = vector.shape_cast %or3A_31 : vector<64x128xi32> to vector<1x64x128xi32>
    %broadcast_in_dim3A_299 = vector.shape_cast %broadcast_in_dim3A_297 : vector<4x1x128xi1> to vector<4x1x128xi1>
    %broadcast_in_dim3A_300 = vector.broadcast %broadcast_in_dim3A_299 : vector<4x1x128xi1> to vector<4x64x128xi1>
    %broadcast_in_dim3A_301 = vector.shape_cast %broadcast_in_dim3A_298 : vector<1x64x128xi32> to vector<1x64x128xi32>
    %broadcast_in_dim3A_302 = vector.broadcast %broadcast_in_dim3A_301 : vector<1x64x128xi32> to vector<4x64x128xi32>
    %select_n3A_303 = arith.select %broadcast_in_dim3A_300, %broadcast_in_dim3A_302, %broadcast_in_dim3A_293 : vector<4x64x128xi1>, vector<4x64x128xi32>
    %eq3A_304 = arith.constant 2 : i32
    %eq3A_305 = vector.broadcast %eq3A_304 : i32 to vector<4x128xi32>
    %eq3A_306 = arith.cmpi eq, %shift_right_arithmetic3A_281, %eq3A_305 : vector<4x128xi32>
    %broadcast_in_dim3A_307 = vector.shape_cast %eq3A_306 : vector<4x128xi1> to vector<4x1x128xi1>
    %broadcast_in_dim3A_308 = vector.shape_cast %or3A_46 : vector<64x128xi32> to vector<1x64x128xi32>
    %broadcast_in_dim3A_309 = vector.shape_cast %broadcast_in_dim3A_307 : vector<4x1x128xi1> to vector<4x1x128xi1>
    %broadcast_in_dim3A_310 = vector.broadcast %broadcast_in_dim3A_309 : vector<4x1x128xi1> to vector<4x64x128xi1>
    %broadcast_in_dim3A_311 = vector.shape_cast %broadcast_in_dim3A_308 : vector<1x64x128xi32> to vector<1x64x128xi32>
    %broadcast_in_dim3A_312 = vector.broadcast %broadcast_in_dim3A_311 : vector<1x64x128xi32> to vector<4x64x128xi32>
    %select_n3A_313 = arith.select %broadcast_in_dim3A_310, %broadcast_in_dim3A_312, %select_n3A_303 : vector<4x64x128xi1>, vector<4x64x128xi32>
    %eq3A_314 = arith.constant 3 : i32
    %eq3A_315 = vector.broadcast %eq3A_314 : i32 to vector<4x128xi32>
    %eq3A_316 = arith.cmpi eq, %shift_right_arithmetic3A_281, %eq3A_315 : vector<4x128xi32>
    %broadcast_in_dim3A_317 = vector.shape_cast %eq3A_316 : vector<4x128xi1> to vector<4x1x128xi1>
    %broadcast_in_dim3A_318 = vector.shape_cast %or3A_61 : vector<64x128xi32> to vector<1x64x128xi32>
    %broadcast_in_dim3A_319 = vector.shape_cast %broadcast_in_dim3A_317 : vector<4x1x128xi1> to vector<4x1x128xi1>
    %broadcast_in_dim3A_320 = vector.broadcast %broadcast_in_dim3A_319 : vector<4x1x128xi1> to vector<4x64x128xi1>
    %broadcast_in_dim3A_321 = vector.shape_cast %broadcast_in_dim3A_318 : vector<1x64x128xi32> to vector<1x64x128xi32>
    %broadcast_in_dim3A_322 = vector.broadcast %broadcast_in_dim3A_321 : vector<1x64x128xi32> to vector<4x64x128xi32>
    %select_n3A_323 = arith.select %broadcast_in_dim3A_320, %broadcast_in_dim3A_322, %select_n3A_313 : vector<4x64x128xi1>, vector<4x64x128xi32>
    %eq3A_324 = arith.constant 4 : i32
    %eq3A_325 = vector.broadcast %eq3A_324 : i32 to vector<4x128xi32>
    %eq3A_326 = arith.cmpi eq, %shift_right_arithmetic3A_281, %eq3A_325 : vector<4x128xi32>
    %broadcast_in_dim3A_327 = vector.shape_cast %eq3A_326 : vector<4x128xi1> to vector<4x1x128xi1>
    %broadcast_in_dim3A_328 = vector.shape_cast %or3A_76 : vector<64x128xi32> to vector<1x64x128xi32>
    %broadcast_in_dim3A_329 = vector.shape_cast %broadcast_in_dim3A_327 : vector<4x1x128xi1> to vector<4x1x128xi1>
    %broadcast_in_dim3A_330 = vector.broadcast %broadcast_in_dim3A_329 : vector<4x1x128xi1> to vector<4x64x128xi1>
    %broadcast_in_dim3A_331 = vector.shape_cast %broadcast_in_dim3A_328 : vector<1x64x128xi32> to vector<1x64x128xi32>
    %broadcast_in_dim3A_332 = vector.broadcast %broadcast_in_dim3A_331 : vector<1x64x128xi32> to vector<4x64x128xi32>
    %select_n3A_333 = arith.select %broadcast_in_dim3A_330, %broadcast_in_dim3A_332, %select_n3A_323 : vector<4x64x128xi1>, vector<4x64x128xi32>
    %eq3A_334 = arith.constant 5 : i32
    %eq3A_335 = vector.broadcast %eq3A_334 : i32 to vector<4x128xi32>
    %eq3A_336 = arith.cmpi eq, %shift_right_arithmetic3A_281, %eq3A_335 : vector<4x128xi32>
    %broadcast_in_dim3A_337 = vector.shape_cast %eq3A_336 : vector<4x128xi1> to vector<4x1x128xi1>
    %broadcast_in_dim3A_338 = vector.shape_cast %or3A_91 : vector<64x128xi32> to vector<1x64x128xi32>
    %broadcast_in_dim3A_339 = vector.shape_cast %broadcast_in_dim3A_337 : vector<4x1x128xi1> to vector<4x1x128xi1>
    %broadcast_in_dim3A_340 = vector.broadcast %broadcast_in_dim3A_339 : vector<4x1x128xi1> to vector<4x64x128xi1>
    %broadcast_in_dim3A_341 = vector.shape_cast %broadcast_in_dim3A_338 : vector<1x64x128xi32> to vector<1x64x128xi32>
    %broadcast_in_dim3A_342 = vector.broadcast %broadcast_in_dim3A_341 : vector<1x64x128xi32> to vector<4x64x128xi32>
    %select_n3A_343 = arith.select %broadcast_in_dim3A_340, %broadcast_in_dim3A_342, %select_n3A_333 : vector<4x64x128xi1>, vector<4x64x128xi32>
    %eq3A_344 = arith.constant 6 : i32
    %eq3A_345 = vector.broadcast %eq3A_344 : i32 to vector<4x128xi32>
    %eq3A_346 = arith.cmpi eq, %shift_right_arithmetic3A_281, %eq3A_345 : vector<4x128xi32>
    %broadcast_in_dim3A_347 = vector.shape_cast %eq3A_346 : vector<4x128xi1> to vector<4x1x128xi1>
    %broadcast_in_dim3A_348 = vector.shape_cast %or3A_106 : vector<64x128xi32> to vector<1x64x128xi32>
    %broadcast_in_dim3A_349 = vector.shape_cast %broadcast_in_dim3A_347 : vector<4x1x128xi1> to vector<4x1x128xi1>
    %broadcast_in_dim3A_350 = vector.broadcast %broadcast_in_dim3A_349 : vector<4x1x128xi1> to vector<4x64x128xi1>
    %broadcast_in_dim3A_351 = vector.shape_cast %broadcast_in_dim3A_348 : vector<1x64x128xi32> to vector<1x64x128xi32>
    %broadcast_in_dim3A_352 = vector.broadcast %broadcast_in_dim3A_351 : vector<1x64x128xi32> to vector<4x64x128xi32>
    %select_n3A_353 = arith.select %broadcast_in_dim3A_350, %broadcast_in_dim3A_352, %select_n3A_343 : vector<4x64x128xi1>, vector<4x64x128xi32>
    %eq3A_354 = arith.constant 7 : i32
    %eq3A_355 = vector.broadcast %eq3A_354 : i32 to vector<4x128xi32>
    %eq3A_356 = arith.cmpi eq, %shift_right_arithmetic3A_281, %eq3A_355 : vector<4x128xi32>
    %broadcast_in_dim3A_357 = vector.shape_cast %eq3A_356 : vector<4x128xi1> to vector<4x1x128xi1>
    %broadcast_in_dim3A_358 = vector.shape_cast %or3A_121 : vector<64x128xi32> to vector<1x64x128xi32>
    %broadcast_in_dim3A_359 = vector.shape_cast %broadcast_in_dim3A_357 : vector<4x1x128xi1> to vector<4x1x128xi1>
    %broadcast_in_dim3A_360 = vector.broadcast %broadcast_in_dim3A_359 : vector<4x1x128xi1> to vector<4x64x128xi1>
    %broadcast_in_dim3A_361 = vector.shape_cast %broadcast_in_dim3A_358 : vector<1x64x128xi32> to vector<1x64x128xi32>
    %broadcast_in_dim3A_362 = vector.broadcast %broadcast_in_dim3A_361 : vector<1x64x128xi32> to vector<4x64x128xi32>
    %select_n3A_363 = arith.select %broadcast_in_dim3A_360, %broadcast_in_dim3A_362, %select_n3A_353 : vector<4x64x128xi1>, vector<4x64x128xi32>
    %eq3A_364 = arith.constant 8 : i32
    %eq3A_365 = vector.broadcast %eq3A_364 : i32 to vector<4x128xi32>
    %eq3A_366 = arith.cmpi eq, %shift_right_arithmetic3A_281, %eq3A_365 : vector<4x128xi32>
    %broadcast_in_dim3A_367 = vector.shape_cast %eq3A_366 : vector<4x128xi1> to vector<4x1x128xi1>
    %broadcast_in_dim3A_368 = vector.shape_cast %or3A_136 : vector<64x128xi32> to vector<1x64x128xi32>
    %broadcast_in_dim3A_369 = vector.shape_cast %broadcast_in_dim3A_367 : vector<4x1x128xi1> to vector<4x1x128xi1>
    %broadcast_in_dim3A_370 = vector.broadcast %broadcast_in_dim3A_369 : vector<4x1x128xi1> to vector<4x64x128xi1>
    %broadcast_in_dim3A_371 = vector.shape_cast %broadcast_in_dim3A_368 : vector<1x64x128xi32> to vector<1x64x128xi32>
    %broadcast_in_dim3A_372 = vector.broadcast %broadcast_in_dim3A_371 : vector<1x64x128xi32> to vector<4x64x128xi32>
    %select_n3A_373 = arith.select %broadcast_in_dim3A_370, %broadcast_in_dim3A_372, %select_n3A_363 : vector<4x64x128xi1>, vector<4x64x128xi32>
    %eq3A_374 = arith.constant 9 : i32
    %eq3A_375 = vector.broadcast %eq3A_374 : i32 to vector<4x128xi32>
    %eq3A_376 = arith.cmpi eq, %shift_right_arithmetic3A_281, %eq3A_375 : vector<4x128xi32>
    %broadcast_in_dim3A_377 = vector.shape_cast %eq3A_376 : vector<4x128xi1> to vector<4x1x128xi1>
    %broadcast_in_dim3A_378 = vector.shape_cast %or3A_151 : vector<64x128xi32> to vector<1x64x128xi32>
    %broadcast_in_dim3A_379 = vector.shape_cast %broadcast_in_dim3A_377 : vector<4x1x128xi1> to vector<4x1x128xi1>
    %broadcast_in_dim3A_380 = vector.broadcast %broadcast_in_dim3A_379 : vector<4x1x128xi1> to vector<4x64x128xi1>
    %broadcast_in_dim3A_381 = vector.shape_cast %broadcast_in_dim3A_378 : vector<1x64x128xi32> to vector<1x64x128xi32>
    %broadcast_in_dim3A_382 = vector.broadcast %broadcast_in_dim3A_381 : vector<1x64x128xi32> to vector<4x64x128xi32>
    %select_n3A_383 = arith.select %broadcast_in_dim3A_380, %broadcast_in_dim3A_382, %select_n3A_373 : vector<4x64x128xi1>, vector<4x64x128xi32>
    %broadcast_in_dim3A_384 = vector.shape_cast %shift_left3A_290 : vector<4x128xi32> to vector<4x1x128xi32>
    %broadcast_in_dim3A_385 = vector.shape_cast %broadcast_in_dim3A_384 : vector<4x1x128xi32> to vector<4x1x128xi32>
    %broadcast_in_dim3A_386 = vector.broadcast %broadcast_in_dim3A_385 : vector<4x1x128xi32> to vector<4x64x128xi32>
    %shift_left3A_387 = arith.shli %select_n3A_383, %broadcast_in_dim3A_386 : vector<4x64x128xi32>
    %and3A_388 = arith.constant -65536 : i32
    %and3A_389 = vector.broadcast %and3A_388 : i32 to vector<4x64x128xi32>
    %and3A_390 = arith.andi %shift_left3A_387, %and3A_389 : vector<4x64x128xi32>
    %bitcast_convert_type3A_391 = tpu.bitcast %and3A_390 : vector<4x64x128xi32> -> vector<4x64x128xf32>
    %get3A_392 = arith.constant 4 : index
    %get3A_393 = arith.constant 0 : index
    %get3A_394 = arith.constant 0 : index
    %get3A_395 = vector.load %arg2[%get3A_392, %get3A_393, %get3A_394] : memref<40x64x128xf32, #tpu.memory_space<vmem>>, vector<4x64x128xf32>
    %mul3A_396 = vector.broadcast %tanh3A : f32 to vector<4x64x128xf32>
    %mul3A_397 = arith.mulf %mul3A_396, %bitcast_convert_type3A_391 : vector<4x64x128xf32>
    %add3A_398 = arith.addf %get3A_395, %mul3A_397 : vector<4x64x128xf32>
    %swap3A_399 = arith.constant 4 : index
    %swap3A_400 = arith.constant 0 : index
    %swap3A_401 = arith.constant 0 : index
    %swap3A_402 = vector.load %arg6[%swap3A_399, %swap3A_400, %swap3A_401] : memref<40x64x128xf32, #tpu.memory_space<vmem>>, vector<4x64x128xf32>
    tpu.vector_store %arg6[%swap3A_399, %swap3A_400, %swap3A_401], %add3A_398 {strides = array<i32>} : memref<40x64x128xf32, #tpu.memory_space<vmem>>, vector<4x64x128xf32>,
    %get3A_403 = arith.constant 8 : index
    %get3A_404 = arith.constant 0 : index
    %get3A_405 = vector.load %arg3[%get3A_403, %get3A_404] : memref<40x128xi32, #tpu.memory_space<vmem>>, vector<4x128xi32>
    %shift_right_arithmetic3A_406 = arith.constant 1 : i32
    %shift_right_arithmetic3A_407 = vector.broadcast %shift_right_arithmetic3A_406 : i32 to vector<4x128xi32>
    %shift_right_arithmetic3A_408 = arith.shrsi %get3A_405, %shift_right_arithmetic3A_407 : vector<4x128xi32>
    %and3A_409 = arith.constant 1 : i32
    %and3A_410 = vector.broadcast %and3A_409 : i32 to vector<4x128xi32>
    %and3A_411 = arith.andi %get3A_405, %and3A_410 : vector<4x128xi32>
    %xor3A_412 = arith.constant 1 : i32
    %xor3A_413 = vector.broadcast %xor3A_412 : i32 to vector<4x128xi32>
    %xor3A_414 = arith.xori %and3A_411, %xor3A_413 : vector<4x128xi32>
    %shift_left3A_415 = arith.constant 4 : i32
    %shift_left3A_416 = vector.broadcast %shift_left3A_415 : i32 to vector<4x128xi32>
    %shift_left3A_417 = arith.shli %xor3A_414, %shift_left3A_416 : vector<4x128xi32>
    %broadcast_in_dim3A_418 = vector.shape_cast %or3A : vector<64x128xi32> to vector<1x64x128xi32>
    %broadcast_in_dim3A_419 = vector.shape_cast %broadcast_in_dim3A_418 : vector<1x64x128xi32> to vector<1x64x128xi32>
    %broadcast_in_dim3A_420 = vector.broadcast %broadcast_in_dim3A_419 : vector<1x64x128xi32> to vector<4x64x128xi32>
    %eq3A_421 = arith.constant 1 : i32
    %eq3A_422 = vector.broadcast %eq3A_421 : i32 to vector<4x128xi32>
    %eq3A_423 = arith.cmpi eq, %shift_right_arithmetic3A_408, %eq3A_422 : vector<4x128xi32>
    %broadcast_in_dim3A_424 = vector.shape_cast %eq3A_423 : vector<4x128xi1> to vector<4x1x128xi1>
    %broadcast_in_dim3A_425 = vector.shape_cast %or3A_31 : vector<64x128xi32> to vector<1x64x128xi32>
    %broadcast_in_dim3A_426 = vector.shape_cast %broadcast_in_dim3A_424 : vector<4x1x128xi1> to vector<4x1x128xi1>
    %broadcast_in_dim3A_427 = vector.broadcast %broadcast_in_dim3A_426 : vector<4x1x128xi1> to vector<4x64x128xi1>
    %broadcast_in_dim3A_428 = vector.shape_cast %broadcast_in_dim3A_425 : vector<1x64x128xi32> to vector<1x64x128xi32>
    %broadcast_in_dim3A_429 = vector.broadcast %broadcast_in_dim3A_428 : vector<1x64x128xi32> to vector<4x64x128xi32>
    %select_n3A_430 = arith.select %broadcast_in_dim3A_427, %broadcast_in_dim3A_429, %broadcast_in_dim3A_420 : vector<4x64x128xi1>, vector<4x64x128xi32>
    %eq3A_431 = arith.constant 2 : i32
    %eq3A_432 = vector.broadcast %eq3A_431 : i32 to vector<4x128xi32>
    %eq3A_433 = arith.cmpi eq, %shift_right_arithmetic3A_408, %eq3A_432 : vector<4x128xi32>
    %broadcast_in_dim3A_434 = vector.shape_cast %eq3A_433 : vector<4x128xi1> to vector<4x1x128xi1>
    %broadcast_in_dim3A_435 = vector.shape_cast %or3A_46 : vector<64x128xi32> to vector<1x64x128xi32>
    %broadcast_in_dim3A_436 = vector.shape_cast %broadcast_in_dim3A_434 : vector<4x1x128xi1> to vector<4x1x128xi1>
    %broadcast_in_dim3A_437 = vector.broadcast %broadcast_in_dim3A_436 : vector<4x1x128xi1> to vector<4x64x128xi1>
    %broadcast_in_dim3A_438 = vector.shape_cast %broadcast_in_dim3A_435 : vector<1x64x128xi32> to vector<1x64x128xi32>
    %broadcast_in_dim3A_439 = vector.broadcast %broadcast_in_dim3A_438 : vector<1x64x128xi32> to vector<4x64x128xi32>
    %select_n3A_440 = arith.select %broadcast_in_dim3A_437, %broadcast_in_dim3A_439, %select_n3A_430 : vector<4x64x128xi1>, vector<4x64x128xi32>
    %eq3A_441 = arith.constant 3 : i32
    %eq3A_442 = vector.broadcast %eq3A_441 : i32 to vector<4x128xi32>
    %eq3A_443 = arith.cmpi eq, %shift_right_arithmetic3A_408, %eq3A_442 : vector<4x128xi32>
    %broadcast_in_dim3A_444 = vector.shape_cast %eq3A_443 : vector<4x128xi1> to vector<4x1x128xi1>
    %broadcast_in_dim3A_445 = vector.shape_cast %or3A_61 : vector<64x128xi32> to vector<1x64x128xi32>
    %broadcast_in_dim3A_446 = vector.shape_cast %broadcast_in_dim3A_444 : vector<4x1x128xi1> to vector<4x1x128xi1>
    %broadcast_in_dim3A_447 = vector.broadcast %broadcast_in_dim3A_446 : vector<4x1x128xi1> to vector<4x64x128xi1>
    %broadcast_in_dim3A_448 = vector.shape_cast %broadcast_in_dim3A_445 : vector<1x64x128xi32> to vector<1x64x128xi32>
    %broadcast_in_dim3A_449 = vector.broadcast %broadcast_in_dim3A_448 : vector<1x64x128xi32> to vector<4x64x128xi32>
    %select_n3A_450 = arith.select %broadcast_in_dim3A_447, %broadcast_in_dim3A_449, %select_n3A_440 : vector<4x64x128xi1>, vector<4x64x128xi32>
    %eq3A_451 = arith.constant 4 : i32
    %eq3A_452 = vector.broadcast %eq3A_451 : i32 to vector<4x128xi32>
    %eq3A_453 = arith.cmpi eq, %shift_right_arithmetic3A_408, %eq3A_452 : vector<4x128xi32>
    %broadcast_in_dim3A_454 = vector.shape_cast %eq3A_453 : vector<4x128xi1> to vector<4x1x128xi1>
    %broadcast_in_dim3A_455 = vector.shape_cast %or3A_76 : vector<64x128xi32> to vector<1x64x128xi32>
    %broadcast_in_dim3A_456 = vector.shape_cast %broadcast_in_dim3A_454 : vector<4x1x128xi1> to vector<4x1x128xi1>
    %broadcast_in_dim3A_457 = vector.broadcast %broadcast_in_dim3A_456 : vector<4x1x128xi1> to vector<4x64x128xi1>
    %broadcast_in_dim3A_458 = vector.shape_cast %broadcast_in_dim3A_455 : vector<1x64x128xi32> to vector<1x64x128xi32>
    %broadcast_in_dim3A_459 = vector.broadcast %broadcast_in_dim3A_458 : vector<1x64x128xi32> to vector<4x64x128xi32>
    %select_n3A_460 = arith.select %broadcast_in_dim3A_457, %broadcast_in_dim3A_459, %select_n3A_450 : vector<4x64x128xi1>, vector<4x64x128xi32>
    %eq3A_461 = arith.constant 5 : i32
    %eq3A_462 = vector.broadcast %eq3A_461 : i32 to vector<4x128xi32>
    %eq3A_463 = arith.cmpi eq, %shift_right_arithmetic3A_408, %eq3A_462 : vector<4x128xi32>
    %broadcast_in_dim3A_464 = vector.shape_cast %eq3A_463 : vector<4x128xi1> to vector<4x1x128xi1>
    %broadcast_in_dim3A_465 = vector.shape_cast %or3A_91 : vector<64x128xi32> to vector<1x64x128xi32>
    %broadcast_in_dim3A_466 = vector.shape_cast %broadcast_in_dim3A_464 : vector<4x1x128xi1> to vector<4x1x128xi1>
    %broadcast_in_dim3A_467 = vector.broadcast %broadcast_in_dim3A_466 : vector<4x1x128xi1> to vector<4x64x128xi1>
    %broadcast_in_dim3A_468 = vector.shape_cast %broadcast_in_dim3A_465 : vector<1x64x128xi32> to vector<1x64x128xi32>
    %broadcast_in_dim3A_469 = vector.broadcast %broadcast_in_dim3A_468 : vector<1x64x128xi32> to vector<4x64x128xi32>
    %select_n3A_470 = arith.select %broadcast_in_dim3A_467, %broadcast_in_dim3A_469, %select_n3A_460 : vector<4x64x128xi1>, vector<4x64x128xi32>
    %eq3A_471 = arith.constant 6 : i32
    %eq3A_472 = vector.broadcast %eq3A_471 : i32 to vector<4x128xi32>
    %eq3A_473 = arith.cmpi eq, %shift_right_arithmetic3A_408, %eq3A_472 : vector<4x128xi32>
    %broadcast_in_dim3A_474 = vector.shape_cast %eq3A_473 : vector<4x128xi1> to vector<4x1x128xi1>
    %broadcast_in_dim3A_475 = vector.shape_cast %or3A_106 : vector<64x128xi32> to vector<1x64x128xi32>
    %broadcast_in_dim3A_476 = vector.shape_cast %broadcast_in_dim3A_474 : vector<4x1x128xi1> to vector<4x1x128xi1>
    %broadcast_in_dim3A_477 = vector.broadcast %broadcast_in_dim3A_476 : vector<4x1x128xi1> to vector<4x64x128xi1>
    %broadcast_in_dim3A_478 = vector.shape_cast %broadcast_in_dim3A_475 : vector<1x64x128xi32> to vector<1x64x128xi32>
    %broadcast_in_dim3A_479 = vector.broadcast %broadcast_in_dim3A_478 : vector<1x64x128xi32> to vector<4x64x128xi32>
    %select_n3A_480 = arith.select %broadcast_in_dim3A_477, %broadcast_in_dim3A_479, %select_n3A_470 : vector<4x64x128xi1>, vector<4x64x128xi32>
    %eq3A_481 = arith.constant 7 : i32
    %eq3A_482 = vector.broadcast %eq3A_481 : i32 to vector<4x128xi32>
    %eq3A_483 = arith.cmpi eq, %shift_right_arithmetic3A_408, %eq3A_482 : vector<4x128xi32>
    %broadcast_in_dim3A_484 = vector.shape_cast %eq3A_483 : vector<4x128xi1> to vector<4x1x128xi1>
    %broadcast_in_dim3A_485 = vector.shape_cast %or3A_121 : vector<64x128xi32> to vector<1x64x128xi32>
    %broadcast_in_dim3A_486 = vector.shape_cast %broadcast_in_dim3A_484 : vector<4x1x128xi1> to vector<4x1x128xi1>
    %broadcast_in_dim3A_487 = vector.broadcast %broadcast_in_dim3A_486 : vector<4x1x128xi1> to vector<4x64x128xi1>
    %broadcast_in_dim3A_488 = vector.shape_cast %broadcast_in_dim3A_485 : vector<1x64x128xi32> to vector<1x64x128xi32>
    %broadcast_in_dim3A_489 = vector.broadcast %broadcast_in_dim3A_488 : vector<1x64x128xi32> to vector<4x64x128xi32>
    %select_n3A_490 = arith.select %broadcast_in_dim3A_487, %broadcast_in_dim3A_489, %select_n3A_480 : vector<4x64x128xi1>, vector<4x64x128xi32>
    %eq3A_491 = arith.constant 8 : i32
    %eq3A_492 = vector.broadcast %eq3A_491 : i32 to vector<4x128xi32>
    %eq3A_493 = arith.cmpi eq, %shift_right_arithmetic3A_408, %eq3A_492 : vector<4x128xi32>
    %broadcast_in_dim3A_494 = vector.shape_cast %eq3A_493 : vector<4x128xi1> to vector<4x1x128xi1>
    %broadcast_in_dim3A_495 = vector.shape_cast %or3A_136 : vector<64x128xi32> to vector<1x64x128xi32>
    %broadcast_in_dim3A_496 = vector.shape_cast %broadcast_in_dim3A_494 : vector<4x1x128xi1> to vector<4x1x128xi1>
    %broadcast_in_dim3A_497 = vector.broadcast %broadcast_in_dim3A_496 : vector<4x1x128xi1> to vector<4x64x128xi1>
    %broadcast_in_dim3A_498 = vector.shape_cast %broadcast_in_dim3A_495 : vector<1x64x128xi32> to vector<1x64x128xi32>
    %broadcast_in_dim3A_499 = vector.broadcast %broadcast_in_dim3A_498 : vector<1x64x128xi32> to vector<4x64x128xi32>
    %select_n3A_500 = arith.select %broadcast_in_dim3A_497, %broadcast_in_dim3A_499, %select_n3A_490 : vector<4x64x128xi1>, vector<4x64x128xi32>
    %eq3A_501 = arith.constant 9 : i32
    %eq3A_502 = vector.broadcast %eq3A_501 : i32 to vector<4x128xi32>
    %eq3A_503 = arith.cmpi eq, %shift_right_arithmetic3A_408, %eq3A_502 : vector<4x128xi32>
    %broadcast_in_dim3A_504 = vector.shape_cast %eq3A_503 : vector<4x128xi1> to vector<4x1x128xi1>
    %broadcast_in_dim3A_505 = vector.shape_cast %or3A_151 : vector<64x128xi32> to vector<1x64x128xi32>
    %broadcast_in_dim3A_506 = vector.shape_cast %broadcast_in_dim3A_504 : vector<4x1x128xi1> to vector<4x1x128xi1>
    %broadcast_in_dim3A_507 = vector.broadcast %broadcast_in_dim3A_506 : vector<4x1x128xi1> to vector<4x64x128xi1>
    %broadcast_in_dim3A_508 = vector.shape_cast %broadcast_in_dim3A_505 : vector<1x64x128xi32> to vector<1x64x128xi32>
    %broadcast_in_dim3A_509 = vector.broadcast %broadcast_in_dim3A_508 : vector<1x64x128xi32> to vector<4x64x128xi32>
    %select_n3A_510 = arith.select %broadcast_in_dim3A_507, %broadcast_in_dim3A_509, %select_n3A_500 : vector<4x64x128xi1>, vector<4x64x128xi32>
    %broadcast_in_dim3A_511 = vector.shape_cast %shift_left3A_417 : vector<4x128xi32> to vector<4x1x128xi32>
    %broadcast_in_dim3A_512 = vector.shape_cast %broadcast_in_dim3A_511 : vector<4x1x128xi32> to vector<4x1x128xi32>
    %broadcast_in_dim3A_513 = vector.broadcast %broadcast_in_dim3A_512 : vector<4x1x128xi32> to vector<4x64x128xi32>
    %shift_left3A_514 = arith.shli %select_n3A_510, %broadcast_in_dim3A_513 : vector<4x64x128xi32>
    %and3A_515 = arith.constant -65536 : i32
    %and3A_516 = vector.broadcast %and3A_515 : i32 to vector<4x64x128xi32>
    %and3A_517 = arith.andi %shift_left3A_514, %and3A_516 : vector<4x64x128xi32>
    %bitcast_convert_type3A_518 = tpu.bitcast %and3A_517 : vector<4x64x128xi32> -> vector<4x64x128xf32>
    %get3A_519 = arith.constant 8 : index
    %get3A_520 = arith.constant 0 : index
    %get3A_521 = arith.constant 0 : index
    %get3A_522 = vector.load %arg2[%get3A_519, %get3A_520, %get3A_521] : memref<40x64x128xf32, #tpu.memory_space<vmem>>, vector<4x64x128xf32>
    %mul3A_523 = vector.broadcast %tanh3A : f32 to vector<4x64x128xf32>
    %mul3A_524 = arith.mulf %mul3A_523, %bitcast_convert_type3A_518 : vector<4x64x128xf32>
    %add3A_525 = arith.addf %get3A_522, %mul3A_524 : vector<4x64x128xf32>
    %swap3A_526 = arith.constant 8 : index
    %swap3A_527 = arith.constant 0 : index
    %swap3A_528 = arith.constant 0 : index
    %swap3A_529 = vector.load %arg6[%swap3A_526, %swap3A_527, %swap3A_528] : memref<40x64x128xf32, #tpu.memory_space<vmem>>, vector<4x64x128xf32>
    tpu.vector_store %arg6[%swap3A_526, %swap3A_527, %swap3A_528], %add3A_525 {strides = array<i32>} : memref<40x64x128xf32, #tpu.memory_space<vmem>>, vector<4x64x128xf32>,
    %get3A_530 = arith.constant 12 : index
    %get3A_531 = arith.constant 0 : index
    %get3A_532 = vector.load %arg3[%get3A_530, %get3A_531] : memref<40x128xi32, #tpu.memory_space<vmem>>, vector<4x128xi32>
    %shift_right_arithmetic3A_533 = arith.constant 1 : i32
    %shift_right_arithmetic3A_534 = vector.broadcast %shift_right_arithmetic3A_533 : i32 to vector<4x128xi32>
    %shift_right_arithmetic3A_535 = arith.shrsi %get3A_532, %shift_right_arithmetic3A_534 : vector<4x128xi32>
    %and3A_536 = arith.constant 1 : i32
    %and3A_537 = vector.broadcast %and3A_536 : i32 to vector<4x128xi32>
    %and3A_538 = arith.andi %get3A_532, %and3A_537 : vector<4x128xi32>
    %xor3A_539 = arith.constant 1 : i32
    %xor3A_540 = vector.broadcast %xor3A_539 : i32 to vector<4x128xi32>
    %xor3A_541 = arith.xori %and3A_538, %xor3A_540 : vector<4x128xi32>
    %shift_left3A_542 = arith.constant 4 : i32
    %shift_left3A_543 = vector.broadcast %shift_left3A_542 : i32 to vector<4x128xi32>
    %shift_left3A_544 = arith.shli %xor3A_541, %shift_left3A_543 : vector<4x128xi32>
    %broadcast_in_dim3A_545 = vector.shape_cast %or3A : vector<64x128xi32> to vector<1x64x128xi32>
    %broadcast_in_dim3A_546 = vector.shape_cast %broadcast_in_dim3A_545 : vector<1x64x128xi32> to vector<1x64x128xi32>
    %broadcast_in_dim3A_547 = vector.broadcast %broadcast_in_dim3A_546 : vector<1x64x128xi32> to vector<4x64x128xi32>
    %eq3A_548 = arith.constant 1 : i32
    %eq3A_549 = vector.broadcast %eq3A_548 : i32 to vector<4x128xi32>
    %eq3A_550 = arith.cmpi eq, %shift_right_arithmetic3A_535, %eq3A_549 : vector<4x128xi32>
    %broadcast_in_dim3A_551 = vector.shape_cast %eq3A_550 : vector<4x128xi1> to vector<4x1x128xi1>
    %broadcast_in_dim3A_552 = vector.shape_cast %or3A_31 : vector<64x128xi32> to vector<1x64x128xi32>
    %broadcast_in_dim3A_553 = vector.shape_cast %broadcast_in_dim3A_551 : vector<4x1x128xi1> to vector<4x1x128xi1>
    %broadcast_in_dim3A_554 = vector.broadcast %broadcast_in_dim3A_553 : vector<4x1x128xi1> to vector<4x64x128xi1>
    %broadcast_in_dim3A_555 = vector.shape_cast %broadcast_in_dim3A_552 : vector<1x64x128xi32> to vector<1x64x128xi32>
    %broadcast_in_dim3A_556 = vector.broadcast %broadcast_in_dim3A_555 : vector<1x64x128xi32> to vector<4x64x128xi32>
    %select_n3A_557 = arith.select %broadcast_in_dim3A_554, %broadcast_in_dim3A_556, %broadcast_in_dim3A_547 : vector<4x64x128xi1>, vector<4x64x128xi32>
    %eq3A_558 = arith.constant 2 : i32
    %eq3A_559 = vector.broadcast %eq3A_558 : i32 to vector<4x128xi32>
    %eq3A_560 = arith.cmpi eq, %shift_right_arithmetic3A_535, %eq3A_559 : vector<4x128xi32>
    %broadcast_in_dim3A_561 = vector.shape_cast %eq3A_560 : vector<4x128xi1> to vector<4x1x128xi1>
    %broadcast_in_dim3A_562 = vector.shape_cast %or3A_46 : vector<64x128xi32> to vector<1x64x128xi32>
    %broadcast_in_dim3A_563 = vector.shape_cast %broadcast_in_dim3A_561 : vector<4x1x128xi1> to vector<4x1x128xi1>
    %broadcast_in_dim3A_564 = vector.broadcast %broadcast_in_dim3A_563 : vector<4x1x128xi1> to vector<4x64x128xi1>
    %broadcast_in_dim3A_565 = vector.shape_cast %broadcast_in_dim3A_562 : vector<1x64x128xi32> to vector<1x64x128xi32>
    %broadcast_in_dim3A_566 = vector.broadcast %broadcast_in_dim3A_565 : vector<1x64x128xi32> to vector<4x64x128xi32>
    %select_n3A_567 = arith.select %broadcast_in_dim3A_564, %broadcast_in_dim3A_566, %select_n3A_557 : vector<4x64x128xi1>, vector<4x64x128xi32>
    %eq3A_568 = arith.constant 3 : i32
    %eq3A_569 = vector.broadcast %eq3A_568 : i32 to vector<4x128xi32>
    %eq3A_570 = arith.cmpi eq, %shift_right_arithmetic3A_535, %eq3A_569 : vector<4x128xi32>
    %broadcast_in_dim3A_571 = vector.shape_cast %eq3A_570 : vector<4x128xi1> to vector<4x1x128xi1>
    %broadcast_in_dim3A_572 = vector.shape_cast %or3A_61 : vector<64x128xi32> to vector<1x64x128xi32>
    %broadcast_in_dim3A_573 = vector.shape_cast %broadcast_in_dim3A_571 : vector<4x1x128xi1> to vector<4x1x128xi1>
    %broadcast_in_dim3A_574 = vector.broadcast %broadcast_in_dim3A_573 : vector<4x1x128xi1> to vector<4x64x128xi1>
    %broadcast_in_dim3A_575 = vector.shape_cast %broadcast_in_dim3A_572 : vector<1x64x128xi32> to vector<1x64x128xi32>
    %broadcast_in_dim3A_576 = vector.broadcast %broadcast_in_dim3A_575 : vector<1x64x128xi32> to vector<4x64x128xi32>
    %select_n3A_577 = arith.select %broadcast_in_dim3A_574, %broadcast_in_dim3A_576, %select_n3A_567 : vector<4x64x128xi1>, vector<4x64x128xi32>
    %eq3A_578 = arith.constant 4 : i32
    %eq3A_579 = vector.broadcast %eq3A_578 : i32 to vector<4x128xi32>
    %eq3A_580 = arith.cmpi eq, %shift_right_arithmetic3A_535, %eq3A_579 : vector<4x128xi32>
    %broadcast_in_dim3A_581 = vector.shape_cast %eq3A_580 : vector<4x128xi1> to vector<4x1x128xi1>
    %broadcast_in_dim3A_582 = vector.shape_cast %or3A_76 : vector<64x128xi32> to vector<1x64x128xi32>
    %broadcast_in_dim3A_583 = vector.shape_cast %broadcast_in_dim3A_581 : vector<4x1x128xi1> to vector<4x1x128xi1>
    %broadcast_in_dim3A_584 = vector.broadcast %broadcast_in_dim3A_583 : vector<4x1x128xi1> to vector<4x64x128xi1>
    %broadcast_in_dim3A_585 = vector.shape_cast %broadcast_in_dim3A_582 : vector<1x64x128xi32> to vector<1x64x128xi32>
    %broadcast_in_dim3A_586 = vector.broadcast %broadcast_in_dim3A_585 : vector<1x64x128xi32> to vector<4x64x128xi32>
    %select_n3A_587 = arith.select %broadcast_in_dim3A_584, %broadcast_in_dim3A_586, %select_n3A_577 : vector<4x64x128xi1>, vector<4x64x128xi32>
    %eq3A_588 = arith.constant 5 : i32
    %eq3A_589 = vector.broadcast %eq3A_588 : i32 to vector<4x128xi32>
    %eq3A_590 = arith.cmpi eq, %shift_right_arithmetic3A_535, %eq3A_589 : vector<4x128xi32>
    %broadcast_in_dim3A_591 = vector.shape_cast %eq3A_590 : vector<4x128xi1> to vector<4x1x128xi1>
    %broadcast_in_dim3A_592 = vector.shape_cast %or3A_91 : vector<64x128xi32> to vector<1x64x128xi32>
    %broadcast_in_dim3A_593 = vector.shape_cast %broadcast_in_dim3A_591 : vector<4x1x128xi1> to vector<4x1x128xi1>
    %broadcast_in_dim3A_594 = vector.broadcast %broadcast_in_dim3A_593 : vector<4x1x128xi1> to vector<4x64x128xi1>
    %broadcast_in_dim3A_595 = vector.shape_cast %broadcast_in_dim3A_592 : vector<1x64x128xi32> to vector<1x64x128xi32>
    %broadcast_in_dim3A_596 = vector.broadcast %broadcast_in_dim3A_595 : vector<1x64x128xi32> to vector<4x64x128xi32>
    %select_n3A_597 = arith.select %broadcast_in_dim3A_594, %broadcast_in_dim3A_596, %select_n3A_587 : vector<4x64x128xi1>, vector<4x64x128xi32>
    %eq3A_598 = arith.constant 6 : i32
    %eq3A_599 = vector.broadcast %eq3A_598 : i32 to vector<4x128xi32>
    %eq3A_600 = arith.cmpi eq, %shift_right_arithmetic3A_535, %eq3A_599 : vector<4x128xi32>
    %broadcast_in_dim3A_601 = vector.shape_cast %eq3A_600 : vector<4x128xi1> to vector<4x1x128xi1>
    %broadcast_in_dim3A_602 = vector.shape_cast %or3A_106 : vector<64x128xi32> to vector<1x64x128xi32>
    %broadcast_in_dim3A_603 = vector.shape_cast %broadcast_in_dim3A_601 : vector<4x1x128xi1> to vector<4x1x128xi1>
    %broadcast_in_dim3A_604 = vector.broadcast %broadcast_in_dim3A_603 : vector<4x1x128xi1> to vector<4x64x128xi1>
    %broadcast_in_dim3A_605 = vector.shape_cast %broadcast_in_dim3A_602 : vector<1x64x128xi32> to vector<1x64x128xi32>
    %broadcast_in_dim3A_606 = vector.broadcast %broadcast_in_dim3A_605 : vector<1x64x128xi32> to vector<4x64x128xi32>
    %select_n3A_607 = arith.select %broadcast_in_dim3A_604, %broadcast_in_dim3A_606, %select_n3A_597 : vector<4x64x128xi1>, vector<4x64x128xi32>
    %eq3A_608 = arith.constant 7 : i32
    %eq3A_609 = vector.broadcast %eq3A_608 : i32 to vector<4x128xi32>
    %eq3A_610 = arith.cmpi eq, %shift_right_arithmetic3A_535, %eq3A_609 : vector<4x128xi32>
    %broadcast_in_dim3A_611 = vector.shape_cast %eq3A_610 : vector<4x128xi1> to vector<4x1x128xi1>
    %broadcast_in_dim3A_612 = vector.shape_cast %or3A_121 : vector<64x128xi32> to vector<1x64x128xi32>
    %broadcast_in_dim3A_613 = vector.shape_cast %broadcast_in_dim3A_611 : vector<4x1x128xi1> to vector<4x1x128xi1>
    %broadcast_in_dim3A_614 = vector.broadcast %broadcast_in_dim3A_613 : vector<4x1x128xi1> to vector<4x64x128xi1>
    %broadcast_in_dim3A_615 = vector.shape_cast %broadcast_in_dim3A_612 : vector<1x64x128xi32> to vector<1x64x128xi32>
    %broadcast_in_dim3A_616 = vector.broadcast %broadcast_in_dim3A_615 : vector<1x64x128xi32> to vector<4x64x128xi32>
    %select_n3A_617 = arith.select %broadcast_in_dim3A_614, %broadcast_in_dim3A_616, %select_n3A_607 : vector<4x64x128xi1>, vector<4x64x128xi32>
    %eq3A_618 = arith.constant 8 : i32
    %eq3A_619 = vector.broadcast %eq3A_618 : i32 to vector<4x128xi32>
    %eq3A_620 = arith.cmpi eq, %shift_right_arithmetic3A_535, %eq3A_619 : vector<4x128xi32>
    %broadcast_in_dim3A_621 = vector.shape_cast %eq3A_620 : vector<4x128xi1> to vector<4x1x128xi1>
    %broadcast_in_dim3A_622 = vector.shape_cast %or3A_136 : vector<64x128xi32> to vector<1x64x128xi32>
    %broadcast_in_dim3A_623 = vector.shape_cast %broadcast_in_dim3A_621 : vector<4x1x128xi1> to vector<4x1x128xi1>
    %broadcast_in_dim3A_624 = vector.broadcast %broadcast_in_dim3A_623 : vector<4x1x128xi1> to vector<4x64x128xi1>
    %broadcast_in_dim3A_625 = vector.shape_cast %broadcast_in_dim3A_622 : vector<1x64x128xi32> to vector<1x64x128xi32>
    %broadcast_in_dim3A_626 = vector.broadcast %broadcast_in_dim3A_625 : vector<1x64x128xi32> to vector<4x64x128xi32>
    %select_n3A_627 = arith.select %broadcast_in_dim3A_624, %broadcast_in_dim3A_626, %select_n3A_617 : vector<4x64x128xi1>, vector<4x64x128xi32>
    %eq3A_628 = arith.constant 9 : i32
    %eq3A_629 = vector.broadcast %eq3A_628 : i32 to vector<4x128xi32>
    %eq3A_630 = arith.cmpi eq, %shift_right_arithmetic3A_535, %eq3A_629 : vector<4x128xi32>
    %broadcast_in_dim3A_631 = vector.shape_cast %eq3A_630 : vector<4x128xi1> to vector<4x1x128xi1>
    %broadcast_in_dim3A_632 = vector.shape_cast %or3A_151 : vector<64x128xi32> to vector<1x64x128xi32>
    %broadcast_in_dim3A_633 = vector.shape_cast %broadcast_in_dim3A_631 : vector<4x1x128xi1> to vector<4x1x128xi1>
    %broadcast_in_dim3A_634 = vector.broadcast %broadcast_in_dim3A_633 : vector<4x1x128xi1> to vector<4x64x128xi1>
    %broadcast_in_dim3A_635 = vector.shape_cast %broadcast_in_dim3A_632 : vector<1x64x128xi32> to vector<1x64x128xi32>
    %broadcast_in_dim3A_636 = vector.broadcast %broadcast_in_dim3A_635 : vector<1x64x128xi32> to vector<4x64x128xi32>
    %select_n3A_637 = arith.select %broadcast_in_dim3A_634, %broadcast_in_dim3A_636, %select_n3A_627 : vector<4x64x128xi1>, vector<4x64x128xi32>
    %broadcast_in_dim3A_638 = vector.shape_cast %shift_left3A_544 : vector<4x128xi32> to vector<4x1x128xi32>
    %broadcast_in_dim3A_639 = vector.shape_cast %broadcast_in_dim3A_638 : vector<4x1x128xi32> to vector<4x1x128xi32>
    %broadcast_in_dim3A_640 = vector.broadcast %broadcast_in_dim3A_639 : vector<4x1x128xi32> to vector<4x64x128xi32>
    %shift_left3A_641 = arith.shli %select_n3A_637, %broadcast_in_dim3A_640 : vector<4x64x128xi32>
    %and3A_642 = arith.constant -65536 : i32
    %and3A_643 = vector.broadcast %and3A_642 : i32 to vector<4x64x128xi32>
    %and3A_644 = arith.andi %shift_left3A_641, %and3A_643 : vector<4x64x128xi32>
    %bitcast_convert_type3A_645 = tpu.bitcast %and3A_644 : vector<4x64x128xi32> -> vector<4x64x128xf32>
    %get3A_646 = arith.constant 12 : index
    %get3A_647 = arith.constant 0 : index
    %get3A_648 = arith.constant 0 : index
    %get3A_649 = vector.load %arg2[%get3A_646, %get3A_647, %get3A_648] : memref<40x64x128xf32, #tpu.memory_space<vmem>>, vector<4x64x128xf32>
    %mul3A_650 = vector.broadcast %tanh3A : f32 to vector<4x64x128xf32>
    %mul3A_651 = arith.mulf %mul3A_650, %bitcast_convert_type3A_645 : vector<4x64x128xf32>
    %add3A_652 = arith.addf %get3A_649, %mul3A_651 : vector<4x64x128xf32>
    %swap3A_653 = arith.constant 12 : index
    %swap3A_654 = arith.constant 0 : index
    %swap3A_655 = arith.constant 0 : index
    %swap3A_656 = vector.load %arg6[%swap3A_653, %swap3A_654, %swap3A_655] : memref<40x64x128xf32, #tpu.memory_space<vmem>>, vector<4x64x128xf32>
    tpu.vector_store %arg6[%swap3A_653, %swap3A_654, %swap3A_655], %add3A_652 {strides = array<i32>} : memref<40x64x128xf32, #tpu.memory_space<vmem>>, vector<4x64x128xf32>,
    %get3A_657 = arith.constant 16 : index
    %get3A_658 = arith.constant 0 : index
    %get3A_659 = vector.load %arg3[%get3A_657, %get3A_658] : memref<40x128xi32, #tpu.memory_space<vmem>>, vector<4x128xi32>
    %shift_right_arithmetic3A_660 = arith.constant 1 : i32
    %shift_right_arithmetic3A_661 = vector.broadcast %shift_right_arithmetic3A_660 : i32 to vector<4x128xi32>
    %shift_right_arithmetic3A_662 = arith.shrsi %get3A_659, %shift_right_arithmetic3A_661 : vector<4x128xi32>
    %and3A_663 = arith.constant 1 : i32
    %and3A_664 = vector.broadcast %and3A_663 : i32 to vector<4x128xi32>
    %and3A_665 = arith.andi %get3A_659, %and3A_664 : vector<4x128xi32>
    %xor3A_666 = arith.constant 1 : i32
    %xor3A_667 = vector.broadcast %xor3A_666 : i32 to vector<4x128xi32>
    %xor3A_668 = arith.xori %and3A_665, %xor3A_667 : vector<4x128xi32>
    %shift_left3A_669 = arith.constant 4 : i32
    %shift_left3A_670 = vector.broadcast %shift_left3A_669 : i32 to vector<4x128xi32>
    %shift_left3A_671 = arith.shli %xor3A_668, %shift_left3A_670 : vector<4x128xi32>
    %broadcast_in_dim3A_672 = vector.shape_cast %or3A : vector<64x128xi32> to vector<1x64x128xi32>
    %broadcast_in_dim3A_673 = vector.shape_cast %broadcast_in_dim3A_672 : vector<1x64x128xi32> to vector<1x64x128xi32>
    %broadcast_in_dim3A_674 = vector.broadcast %broadcast_in_dim3A_673 : vector<1x64x128xi32> to vector<4x64x128xi32>
    %eq3A_675 = arith.constant 1 : i32
    %eq3A_676 = vector.broadcast %eq3A_675 : i32 to vector<4x128xi32>
    %eq3A_677 = arith.cmpi eq, %shift_right_arithmetic3A_662, %eq3A_676 : vector<4x128xi32>
    %broadcast_in_dim3A_678 = vector.shape_cast %eq3A_677 : vector<4x128xi1> to vector<4x1x128xi1>
    %broadcast_in_dim3A_679 = vector.shape_cast %or3A_31 : vector<64x128xi32> to vector<1x64x128xi32>
    %broadcast_in_dim3A_680 = vector.shape_cast %broadcast_in_dim3A_678 : vector<4x1x128xi1> to vector<4x1x128xi1>
    %broadcast_in_dim3A_681 = vector.broadcast %broadcast_in_dim3A_680 : vector<4x1x128xi1> to vector<4x64x128xi1>
    %broadcast_in_dim3A_682 = vector.shape_cast %broadcast_in_dim3A_679 : vector<1x64x128xi32> to vector<1x64x128xi32>
    %broadcast_in_dim3A_683 = vector.broadcast %broadcast_in_dim3A_682 : vector<1x64x128xi32> to vector<4x64x128xi32>
    %select_n3A_684 = arith.select %broadcast_in_dim3A_681, %broadcast_in_dim3A_683, %broadcast_in_dim3A_674 : vector<4x64x128xi1>, vector<4x64x128xi32>
    %eq3A_685 = arith.constant 2 : i32
    %eq3A_686 = vector.broadcast %eq3A_685 : i32 to vector<4x128xi32>
    %eq3A_687 = arith.cmpi eq, %shift_right_arithmetic3A_662, %eq3A_686 : vector<4x128xi32>
    %broadcast_in_dim3A_688 = vector.shape_cast %eq3A_687 : vector<4x128xi1> to vector<4x1x128xi1>
    %broadcast_in_dim3A_689 = vector.shape_cast %or3A_46 : vector<64x128xi32> to vector<1x64x128xi32>
    %broadcast_in_dim3A_690 = vector.shape_cast %broadcast_in_dim3A_688 : vector<4x1x128xi1> to vector<4x1x128xi1>
    %broadcast_in_dim3A_691 = vector.broadcast %broadcast_in_dim3A_690 : vector<4x1x128xi1> to vector<4x64x128xi1>
    %broadcast_in_dim3A_692 = vector.shape_cast %broadcast_in_dim3A_689 : vector<1x64x128xi32> to vector<1x64x128xi32>
    %broadcast_in_dim3A_693 = vector.broadcast %broadcast_in_dim3A_692 : vector<1x64x128xi32> to vector<4x64x128xi32>
    %select_n3A_694 = arith.select %broadcast_in_dim3A_691, %broadcast_in_dim3A_693, %select_n3A_684 : vector<4x64x128xi1>, vector<4x64x128xi32>
    %eq3A_695 = arith.constant 3 : i32
    %eq3A_696 = vector.broadcast %eq3A_695 : i32 to vector<4x128xi32>
    %eq3A_697 = arith.cmpi eq, %shift_right_arithmetic3A_662, %eq3A_696 : vector<4x128xi32>
    %broadcast_in_dim3A_698 = vector.shape_cast %eq3A_697 : vector<4x128xi1> to vector<4x1x128xi1>
    %broadcast_in_dim3A_699 = vector.shape_cast %or3A_61 : vector<64x128xi32> to vector<1x64x128xi32>
    %broadcast_in_dim3A_700 = vector.shape_cast %broadcast_in_dim3A_698 : vector<4x1x128xi1> to vector<4x1x128xi1>
    %broadcast_in_dim3A_701 = vector.broadcast %broadcast_in_dim3A_700 : vector<4x1x128xi1> to vector<4x64x128xi1>
    %broadcast_in_dim3A_702 = vector.shape_cast %broadcast_in_dim3A_699 : vector<1x64x128xi32> to vector<1x64x128xi32>
    %broadcast_in_dim3A_703 = vector.broadcast %broadcast_in_dim3A_702 : vector<1x64x128xi32> to vector<4x64x128xi32>
    %select_n3A_704 = arith.select %broadcast_in_dim3A_701, %broadcast_in_dim3A_703, %select_n3A_694 : vector<4x64x128xi1>, vector<4x64x128xi32>
    %eq3A_705 = arith.constant 4 : i32
    %eq3A_706 = vector.broadcast %eq3A_705 : i32 to vector<4x128xi32>
    %eq3A_707 = arith.cmpi eq, %shift_right_arithmetic3A_662, %eq3A_706 : vector<4x128xi32>
    %broadcast_in_dim3A_708 = vector.shape_cast %eq3A_707 : vector<4x128xi1> to vector<4x1x128xi1>
    %broadcast_in_dim3A_709 = vector.shape_cast %or3A_76 : vector<64x128xi32> to vector<1x64x128xi32>
    %broadcast_in_dim3A_710 = vector.shape_cast %broadcast_in_dim3A_708 : vector<4x1x128xi1> to vector<4x1x128xi1>
    %broadcast_in_dim3A_711 = vector.broadcast %broadcast_in_dim3A_710 : vector<4x1x128xi1> to vector<4x64x128xi1>
    %broadcast_in_dim3A_712 = vector.shape_cast %broadcast_in_dim3A_709 : vector<1x64x128xi32> to vector<1x64x128xi32>
    %broadcast_in_dim3A_713 = vector.broadcast %broadcast_in_dim3A_712 : vector<1x64x128xi32> to vector<4x64x128xi32>
    %select_n3A_714 = arith.select %broadcast_in_dim3A_711, %broadcast_in_dim3A_713, %select_n3A_704 : vector<4x64x128xi1>, vector<4x64x128xi32>
    %eq3A_715 = arith.constant 5 : i32
    %eq3A_716 = vector.broadcast %eq3A_715 : i32 to vector<4x128xi32>
    %eq3A_717 = arith.cmpi eq, %shift_right_arithmetic3A_662, %eq3A_716 : vector<4x128xi32>
    %broadcast_in_dim3A_718 = vector.shape_cast %eq3A_717 : vector<4x128xi1> to vector<4x1x128xi1>
    %broadcast_in_dim3A_719 = vector.shape_cast %or3A_91 : vector<64x128xi32> to vector<1x64x128xi32>
    %broadcast_in_dim3A_720 = vector.shape_cast %broadcast_in_dim3A_718 : vector<4x1x128xi1> to vector<4x1x128xi1>
    %broadcast_in_dim3A_721 = vector.broadcast %broadcast_in_dim3A_720 : vector<4x1x128xi1> to vector<4x64x128xi1>
    %broadcast_in_dim3A_722 = vector.shape_cast %broadcast_in_dim3A_719 : vector<1x64x128xi32> to vector<1x64x128xi32>
    %broadcast_in_dim3A_723 = vector.broadcast %broadcast_in_dim3A_722 : vector<1x64x128xi32> to vector<4x64x128xi32>
    %select_n3A_724 = arith.select %broadcast_in_dim3A_721, %broadcast_in_dim3A_723, %select_n3A_714 : vector<4x64x128xi1>, vector<4x64x128xi32>
    %eq3A_725 = arith.constant 6 : i32
    %eq3A_726 = vector.broadcast %eq3A_725 : i32 to vector<4x128xi32>
    %eq3A_727 = arith.cmpi eq, %shift_right_arithmetic3A_662, %eq3A_726 : vector<4x128xi32>
    %broadcast_in_dim3A_728 = vector.shape_cast %eq3A_727 : vector<4x128xi1> to vector<4x1x128xi1>
    %broadcast_in_dim3A_729 = vector.shape_cast %or3A_106 : vector<64x128xi32> to vector<1x64x128xi32>
    %broadcast_in_dim3A_730 = vector.shape_cast %broadcast_in_dim3A_728 : vector<4x1x128xi1> to vector<4x1x128xi1>
    %broadcast_in_dim3A_731 = vector.broadcast %broadcast_in_dim3A_730 : vector<4x1x128xi1> to vector<4x64x128xi1>
    %broadcast_in_dim3A_732 = vector.shape_cast %broadcast_in_dim3A_729 : vector<1x64x128xi32> to vector<1x64x128xi32>
    %broadcast_in_dim3A_733 = vector.broadcast %broadcast_in_dim3A_732 : vector<1x64x128xi32> to vector<4x64x128xi32>
    %select_n3A_734 = arith.select %broadcast_in_dim3A_731, %broadcast_in_dim3A_733, %select_n3A_724 : vector<4x64x128xi1>, vector<4x64x128xi32>
    %eq3A_735 = arith.constant 7 : i32
    %eq3A_736 = vector.broadcast %eq3A_735 : i32 to vector<4x128xi32>
    %eq3A_737 = arith.cmpi eq, %shift_right_arithmetic3A_662, %eq3A_736 : vector<4x128xi32>
    %broadcast_in_dim3A_738 = vector.shape_cast %eq3A_737 : vector<4x128xi1> to vector<4x1x128xi1>
    %broadcast_in_dim3A_739 = vector.shape_cast %or3A_121 : vector<64x128xi32> to vector<1x64x128xi32>
    %broadcast_in_dim3A_740 = vector.shape_cast %broadcast_in_dim3A_738 : vector<4x1x128xi1> to vector<4x1x128xi1>
    %broadcast_in_dim3A_741 = vector.broadcast %broadcast_in_dim3A_740 : vector<4x1x128xi1> to vector<4x64x128xi1>
    %broadcast_in_dim3A_742 = vector.shape_cast %broadcast_in_dim3A_739 : vector<1x64x128xi32> to vector<1x64x128xi32>
    %broadcast_in_dim3A_743 = vector.broadcast %broadcast_in_dim3A_742 : vector<1x64x128xi32> to vector<4x64x128xi32>
    %select_n3A_744 = arith.select %broadcast_in_dim3A_741, %broadcast_in_dim3A_743, %select_n3A_734 : vector<4x64x128xi1>, vector<4x64x128xi32>
    %eq3A_745 = arith.constant 8 : i32
    %eq3A_746 = vector.broadcast %eq3A_745 : i32 to vector<4x128xi32>
    %eq3A_747 = arith.cmpi eq, %shift_right_arithmetic3A_662, %eq3A_746 : vector<4x128xi32>
    %broadcast_in_dim3A_748 = vector.shape_cast %eq3A_747 : vector<4x128xi1> to vector<4x1x128xi1>
    %broadcast_in_dim3A_749 = vector.shape_cast %or3A_136 : vector<64x128xi32> to vector<1x64x128xi32>
    %broadcast_in_dim3A_750 = vector.shape_cast %broadcast_in_dim3A_748 : vector<4x1x128xi1> to vector<4x1x128xi1>
    %broadcast_in_dim3A_751 = vector.broadcast %broadcast_in_dim3A_750 : vector<4x1x128xi1> to vector<4x64x128xi1>
    %broadcast_in_dim3A_752 = vector.shape_cast %broadcast_in_dim3A_749 : vector<1x64x128xi32> to vector<1x64x128xi32>
    %broadcast_in_dim3A_753 = vector.broadcast %broadcast_in_dim3A_752 : vector<1x64x128xi32> to vector<4x64x128xi32>
    %select_n3A_754 = arith.select %broadcast_in_dim3A_751, %broadcast_in_dim3A_753, %select_n3A_744 : vector<4x64x128xi1>, vector<4x64x128xi32>
    %eq3A_755 = arith.constant 9 : i32
    %eq3A_756 = vector.broadcast %eq3A_755 : i32 to vector<4x128xi32>
    %eq3A_757 = arith.cmpi eq, %shift_right_arithmetic3A_662, %eq3A_756 : vector<4x128xi32>
    %broadcast_in_dim3A_758 = vector.shape_cast %eq3A_757 : vector<4x128xi1> to vector<4x1x128xi1>
    %broadcast_in_dim3A_759 = vector.shape_cast %or3A_151 : vector<64x128xi32> to vector<1x64x128xi32>
    %broadcast_in_dim3A_760 = vector.shape_cast %broadcast_in_dim3A_758 : vector<4x1x128xi1> to vector<4x1x128xi1>
    %broadcast_in_dim3A_761 = vector.broadcast %broadcast_in_dim3A_760 : vector<4x1x128xi1> to vector<4x64x128xi1>
    %broadcast_in_dim3A_762 = vector.shape_cast %broadcast_in_dim3A_759 : vector<1x64x128xi32> to vector<1x64x128xi32>
    %broadcast_in_dim3A_763 = vector.broadcast %broadcast_in_dim3A_762 : vector<1x64x128xi32> to vector<4x64x128xi32>
    %select_n3A_764 = arith.select %broadcast_in_dim3A_761, %broadcast_in_dim3A_763, %select_n3A_754 : vector<4x64x128xi1>, vector<4x64x128xi32>
    %broadcast_in_dim3A_765 = vector.shape_cast %shift_left3A_671 : vector<4x128xi32> to vector<4x1x128xi32>
    %broadcast_in_dim3A_766 = vector.shape_cast %broadcast_in_dim3A_765 : vector<4x1x128xi32> to vector<4x1x128xi32>
    %broadcast_in_dim3A_767 = vector.broadcast %broadcast_in_dim3A_766 : vector<4x1x128xi32> to vector<4x64x128xi32>
    %shift_left3A_768 = arith.shli %select_n3A_764, %broadcast_in_dim3A_767 : vector<4x64x128xi32>
    %and3A_769 = arith.constant -65536 : i32
    %and3A_770 = vector.broadcast %and3A_769 : i32 to vector<4x64x128xi32>
    %and3A_771 = arith.andi %shift_left3A_768, %and3A_770 : vector<4x64x128xi32>
    %bitcast_convert_type3A_772 = tpu.bitcast %and3A_771 : vector<4x64x128xi32> -> vector<4x64x128xf32>
    %get3A_773 = arith.constant 16 : index
    %get3A_774 = arith.constant 0 : index
    %get3A_775 = arith.constant 0 : index
    %get3A_776 = vector.load %arg2[%get3A_773, %get3A_774, %get3A_775] : memref<40x64x128xf32, #tpu.memory_space<vmem>>, vector<4x64x128xf32>
    %mul3A_777 = vector.broadcast %tanh3A : f32 to vector<4x64x128xf32>
    %mul3A_778 = arith.mulf %mul3A_777, %bitcast_convert_type3A_772 : vector<4x64x128xf32>
    %add3A_779 = arith.addf %get3A_776, %mul3A_778 : vector<4x64x128xf32>
    %swap3A_780 = arith.constant 16 : index
    %swap3A_781 = arith.constant 0 : index
    %swap3A_782 = arith.constant 0 : index
    %swap3A_783 = vector.load %arg6[%swap3A_780, %swap3A_781, %swap3A_782] : memref<40x64x128xf32, #tpu.memory_space<vmem>>, vector<4x64x128xf32>
    tpu.vector_store %arg6[%swap3A_780, %swap3A_781, %swap3A_782], %add3A_779 {strides = array<i32>} : memref<40x64x128xf32, #tpu.memory_space<vmem>>, vector<4x64x128xf32>,
    %get3A_784 = arith.constant 20 : index
    %get3A_785 = arith.constant 0 : index
    %get3A_786 = vector.load %arg3[%get3A_784, %get3A_785] : memref<40x128xi32, #tpu.memory_space<vmem>>, vector<4x128xi32>
    %shift_right_arithmetic3A_787 = arith.constant 1 : i32
    %shift_right_arithmetic3A_788 = vector.broadcast %shift_right_arithmetic3A_787 : i32 to vector<4x128xi32>
    %shift_right_arithmetic3A_789 = arith.shrsi %get3A_786, %shift_right_arithmetic3A_788 : vector<4x128xi32>
    %and3A_790 = arith.constant 1 : i32
    %and3A_791 = vector.broadcast %and3A_790 : i32 to vector<4x128xi32>
    %and3A_792 = arith.andi %get3A_786, %and3A_791 : vector<4x128xi32>
    %xor3A_793 = arith.constant 1 : i32
    %xor3A_794 = vector.broadcast %xor3A_793 : i32 to vector<4x128xi32>
    %xor3A_795 = arith.xori %and3A_792, %xor3A_794 : vector<4x128xi32>
    %shift_left3A_796 = arith.constant 4 : i32
    %shift_left3A_797 = vector.broadcast %shift_left3A_796 : i32 to vector<4x128xi32>
    %shift_left3A_798 = arith.shli %xor3A_795, %shift_left3A_797 : vector<4x128xi32>
    %broadcast_in_dim3A_799 = vector.shape_cast %or3A : vector<64x128xi32> to vector<1x64x128xi32>
    %broadcast_in_dim3A_800 = vector.shape_cast %broadcast_in_dim3A_799 : vector<1x64x128xi32> to vector<1x64x128xi32>
    %broadcast_in_dim3A_801 = vector.broadcast %broadcast_in_dim3A_800 : vector<1x64x128xi32> to vector<4x64x128xi32>
    %eq3A_802 = arith.constant 1 : i32
    %eq3A_803 = vector.broadcast %eq3A_802 : i32 to vector<4x128xi32>
    %eq3A_804 = arith.cmpi eq, %shift_right_arithmetic3A_789, %eq3A_803 : vector<4x128xi32>
    %broadcast_in_dim3A_805 = vector.shape_cast %eq3A_804 : vector<4x128xi1> to vector<4x1x128xi1>
    %broadcast_in_dim3A_806 = vector.shape_cast %or3A_31 : vector<64x128xi32> to vector<1x64x128xi32>
    %broadcast_in_dim3A_807 = vector.shape_cast %broadcast_in_dim3A_805 : vector<4x1x128xi1> to vector<4x1x128xi1>
    %broadcast_in_dim3A_808 = vector.broadcast %broadcast_in_dim3A_807 : vector<4x1x128xi1> to vector<4x64x128xi1>
    %broadcast_in_dim3A_809 = vector.shape_cast %broadcast_in_dim3A_806 : vector<1x64x128xi32> to vector<1x64x128xi32>
    %broadcast_in_dim3A_810 = vector.broadcast %broadcast_in_dim3A_809 : vector<1x64x128xi32> to vector<4x64x128xi32>
    %select_n3A_811 = arith.select %broadcast_in_dim3A_808, %broadcast_in_dim3A_810, %broadcast_in_dim3A_801 : vector<4x64x128xi1>, vector<4x64x128xi32>
    %eq3A_812 = arith.constant 2 : i32
    %eq3A_813 = vector.broadcast %eq3A_812 : i32 to vector<4x128xi32>
    %eq3A_814 = arith.cmpi eq, %shift_right_arithmetic3A_789, %eq3A_813 : vector<4x128xi32>
    %broadcast_in_dim3A_815 = vector.shape_cast %eq3A_814 : vector<4x128xi1> to vector<4x1x128xi1>
    %broadcast_in_dim3A_816 = vector.shape_cast %or3A_46 : vector<64x128xi32> to vector<1x64x128xi32>
    %broadcast_in_dim3A_817 = vector.shape_cast %broadcast_in_dim3A_815 : vector<4x1x128xi1> to vector<4x1x128xi1>
    %broadcast_in_dim3A_818 = vector.broadcast %broadcast_in_dim3A_817 : vector<4x1x128xi1> to vector<4x64x128xi1>
    %broadcast_in_dim3A_819 = vector.shape_cast %broadcast_in_dim3A_816 : vector<1x64x128xi32> to vector<1x64x128xi32>
    %broadcast_in_dim3A_820 = vector.broadcast %broadcast_in_dim3A_819 : vector<1x64x128xi32> to vector<4x64x128xi32>
    %select_n3A_821 = arith.select %broadcast_in_dim3A_818, %broadcast_in_dim3A_820, %select_n3A_811 : vector<4x64x128xi1>, vector<4x64x128xi32>
    %eq3A_822 = arith.constant 3 : i32
    %eq3A_823 = vector.broadcast %eq3A_822 : i32 to vector<4x128xi32>
    %eq3A_824 = arith.cmpi eq, %shift_right_arithmetic3A_789, %eq3A_823 : vector<4x128xi32>
    %broadcast_in_dim3A_825 = vector.shape_cast %eq3A_824 : vector<4x128xi1> to vector<4x1x128xi1>
    %broadcast_in_dim3A_826 = vector.shape_cast %or3A_61 : vector<64x128xi32> to vector<1x64x128xi32>
    %broadcast_in_dim3A_827 = vector.shape_cast %broadcast_in_dim3A_825 : vector<4x1x128xi1> to vector<4x1x128xi1>
    %broadcast_in_dim3A_828 = vector.broadcast %broadcast_in_dim3A_827 : vector<4x1x128xi1> to vector<4x64x128xi1>
    %broadcast_in_dim3A_829 = vector.shape_cast %broadcast_in_dim3A_826 : vector<1x64x128xi32> to vector<1x64x128xi32>
    %broadcast_in_dim3A_830 = vector.broadcast %broadcast_in_dim3A_829 : vector<1x64x128xi32> to vector<4x64x128xi32>
    %select_n3A_831 = arith.select %broadcast_in_dim3A_828, %broadcast_in_dim3A_830, %select_n3A_821 : vector<4x64x128xi1>, vector<4x64x128xi32>
    %eq3A_832 = arith.constant 4 : i32
    %eq3A_833 = vector.broadcast %eq3A_832 : i32 to vector<4x128xi32>
    %eq3A_834 = arith.cmpi eq, %shift_right_arithmetic3A_789, %eq3A_833 : vector<4x128xi32>
    %broadcast_in_dim3A_835 = vector.shape_cast %eq3A_834 : vector<4x128xi1> to vector<4x1x128xi1>
    %broadcast_in_dim3A_836 = vector.shape_cast %or3A_76 : vector<64x128xi32> to vector<1x64x128xi32>
    %broadcast_in_dim3A_837 = vector.shape_cast %broadcast_in_dim3A_835 : vector<4x1x128xi1> to vector<4x1x128xi1>
    %broadcast_in_dim3A_838 = vector.broadcast %broadcast_in_dim3A_837 : vector<4x1x128xi1> to vector<4x64x128xi1>
    %broadcast_in_dim3A_839 = vector.shape_cast %broadcast_in_dim3A_836 : vector<1x64x128xi32> to vector<1x64x128xi32>
    %broadcast_in_dim3A_840 = vector.broadcast %broadcast_in_dim3A_839 : vector<1x64x128xi32> to vector<4x64x128xi32>
    %select_n3A_841 = arith.select %broadcast_in_dim3A_838, %broadcast_in_dim3A_840, %select_n3A_831 : vector<4x64x128xi1>, vector<4x64x128xi32>
    %eq3A_842 = arith.constant 5 : i32
    %eq3A_843 = vector.broadcast %eq3A_842 : i32 to vector<4x128xi32>
    %eq3A_844 = arith.cmpi eq, %shift_right_arithmetic3A_789, %eq3A_843 : vector<4x128xi32>
    %broadcast_in_dim3A_845 = vector.shape_cast %eq3A_844 : vector<4x128xi1> to vector<4x1x128xi1>
    %broadcast_in_dim3A_846 = vector.shape_cast %or3A_91 : vector<64x128xi32> to vector<1x64x128xi32>
    %broadcast_in_dim3A_847 = vector.shape_cast %broadcast_in_dim3A_845 : vector<4x1x128xi1> to vector<4x1x128xi1>
    %broadcast_in_dim3A_848 = vector.broadcast %broadcast_in_dim3A_847 : vector<4x1x128xi1> to vector<4x64x128xi1>
    %broadcast_in_dim3A_849 = vector.shape_cast %broadcast_in_dim3A_846 : vector<1x64x128xi32> to vector<1x64x128xi32>
    %broadcast_in_dim3A_850 = vector.broadcast %broadcast_in_dim3A_849 : vector<1x64x128xi32> to vector<4x64x128xi32>
    %select_n3A_851 = arith.select %broadcast_in_dim3A_848, %broadcast_in_dim3A_850, %select_n3A_841 : vector<4x64x128xi1>, vector<4x64x128xi32>
    %eq3A_852 = arith.constant 6 : i32
    %eq3A_853 = vector.broadcast %eq3A_852 : i32 to vector<4x128xi32>
    %eq3A_854 = arith.cmpi eq, %shift_right_arithmetic3A_789, %eq3A_853 : vector<4x128xi32>
    %broadcast_in_dim3A_855 = vector.shape_cast %eq3A_854 : vector<4x128xi1> to vector<4x1x128xi1>
    %broadcast_in_dim3A_856 = vector.shape_cast %or3A_106 : vector<64x128xi32> to vector<1x64x128xi32>
    %broadcast_in_dim3A_857 = vector.shape_cast %broadcast_in_dim3A_855 : vector<4x1x128xi1> to vector<4x1x128xi1>
    %broadcast_in_dim3A_858 = vector.broadcast %broadcast_in_dim3A_857 : vector<4x1x128xi1> to vector<4x64x128xi1>
    %broadcast_in_dim3A_859 = vector.shape_cast %broadcast_in_dim3A_856 : vector<1x64x128xi32> to vector<1x64x128xi32>
    %broadcast_in_dim3A_860 = vector.broadcast %broadcast_in_dim3A_859 : vector<1x64x128xi32> to vector<4x64x128xi32>
    %select_n3A_861 = arith.select %broadcast_in_dim3A_858, %broadcast_in_dim3A_860, %select_n3A_851 : vector<4x64x128xi1>, vector<4x64x128xi32>
    %eq3A_862 = arith.constant 7 : i32
    %eq3A_863 = vector.broadcast %eq3A_862 : i32 to vector<4x128xi32>
    %eq3A_864 = arith.cmpi eq, %shift_right_arithmetic3A_789, %eq3A_863 : vector<4x128xi32>
    %broadcast_in_dim3A_865 = vector.shape_cast %eq3A_864 : vector<4x128xi1> to vector<4x1x128xi1>
    %broadcast_in_dim3A_866 = vector.shape_cast %or3A_121 : vector<64x128xi32> to vector<1x64x128xi32>
    %broadcast_in_dim3A_867 = vector.shape_cast %broadcast_in_dim3A_865 : vector<4x1x128xi1> to vector<4x1x128xi1>
    %broadcast_in_dim3A_868 = vector.broadcast %broadcast_in_dim3A_867 : vector<4x1x128xi1> to vector<4x64x128xi1>
    %broadcast_in_dim3A_869 = vector.shape_cast %broadcast_in_dim3A_866 : vector<1x64x128xi32> to vector<1x64x128xi32>
    %broadcast_in_dim3A_870 = vector.broadcast %broadcast_in_dim3A_869 : vector<1x64x128xi32> to vector<4x64x128xi32>
    %select_n3A_871 = arith.select %broadcast_in_dim3A_868, %broadcast_in_dim3A_870, %select_n3A_861 : vector<4x64x128xi1>, vector<4x64x128xi32>
    %eq3A_872 = arith.constant 8 : i32
    %eq3A_873 = vector.broadcast %eq3A_872 : i32 to vector<4x128xi32>
    %eq3A_874 = arith.cmpi eq, %shift_right_arithmetic3A_789, %eq3A_873 : vector<4x128xi32>
    %broadcast_in_dim3A_875 = vector.shape_cast %eq3A_874 : vector<4x128xi1> to vector<4x1x128xi1>
    %broadcast_in_dim3A_876 = vector.shape_cast %or3A_136 : vector<64x128xi32> to vector<1x64x128xi32>
    %broadcast_in_dim3A_877 = vector.shape_cast %broadcast_in_dim3A_875 : vector<4x1x128xi1> to vector<4x1x128xi1>
    %broadcast_in_dim3A_878 = vector.broadcast %broadcast_in_dim3A_877 : vector<4x1x128xi1> to vector<4x64x128xi1>
    %broadcast_in_dim3A_879 = vector.shape_cast %broadcast_in_dim3A_876 : vector<1x64x128xi32> to vector<1x64x128xi32>
    %broadcast_in_dim3A_880 = vector.broadcast %broadcast_in_dim3A_879 : vector<1x64x128xi32> to vector<4x64x128xi32>
    %select_n3A_881 = arith.select %broadcast_in_dim3A_878, %broadcast_in_dim3A_880, %select_n3A_871 : vector<4x64x128xi1>, vector<4x64x128xi32>
    %eq3A_882 = arith.constant 9 : i32
    %eq3A_883 = vector.broadcast %eq3A_882 : i32 to vector<4x128xi32>
    %eq3A_884 = arith.cmpi eq, %shift_right_arithmetic3A_789, %eq3A_883 : vector<4x128xi32>
    %broadcast_in_dim3A_885 = vector.shape_cast %eq3A_884 : vector<4x128xi1> to vector<4x1x128xi1>
    %broadcast_in_dim3A_886 = vector.shape_cast %or3A_151 : vector<64x128xi32> to vector<1x64x128xi32>
    %broadcast_in_dim3A_887 = vector.shape_cast %broadcast_in_dim3A_885 : vector<4x1x128xi1> to vector<4x1x128xi1>
    %broadcast_in_dim3A_888 = vector.broadcast %broadcast_in_dim3A_887 : vector<4x1x128xi1> to vector<4x64x128xi1>
    %broadcast_in_dim3A_889 = vector.shape_cast %broadcast_in_dim3A_886 : vector<1x64x128xi32> to vector<1x64x128xi32>
    %broadcast_in_dim3A_890 = vector.broadcast %broadcast_in_dim3A_889 : vector<1x64x128xi32> to vector<4x64x128xi32>
    %select_n3A_891 = arith.select %broadcast_in_dim3A_888, %broadcast_in_dim3A_890, %select_n3A_881 : vector<4x64x128xi1>, vector<4x64x128xi32>
    %broadcast_in_dim3A_892 = vector.shape_cast %shift_left3A_798 : vector<4x128xi32> to vector<4x1x128xi32>
    %broadcast_in_dim3A_893 = vector.shape_cast %broadcast_in_dim3A_892 : vector<4x1x128xi32> to vector<4x1x128xi32>
    %broadcast_in_dim3A_894 = vector.broadcast %broadcast_in_dim3A_893 : vector<4x1x128xi32> to vector<4x64x128xi32>
    %shift_left3A_895 = arith.shli %select_n3A_891, %broadcast_in_dim3A_894 : vector<4x64x128xi32>
    %and3A_896 = arith.constant -65536 : i32
    %and3A_897 = vector.broadcast %and3A_896 : i32 to vector<4x64x128xi32>
    %and3A_898 = arith.andi %shift_left3A_895, %and3A_897 : vector<4x64x128xi32>
    %bitcast_convert_type3A_899 = tpu.bitcast %and3A_898 : vector<4x64x128xi32> -> vector<4x64x128xf32>
    %get3A_900 = arith.constant 20 : index
    %get3A_901 = arith.constant 0 : index
    %get3A_902 = arith.constant 0 : index
    %get3A_903 = vector.load %arg2[%get3A_900, %get3A_901, %get3A_902] : memref<40x64x128xf32, #tpu.memory_space<vmem>>, vector<4x64x128xf32>
    %mul3A_904 = vector.broadcast %tanh3A : f32 to vector<4x64x128xf32>
    %mul3A_905 = arith.mulf %mul3A_904, %bitcast_convert_type3A_899 : vector<4x64x128xf32>
    %add3A_906 = arith.addf %get3A_903, %mul3A_905 : vector<4x64x128xf32>
    %swap3A_907 = arith.constant 20 : index
    %swap3A_908 = arith.constant 0 : index
    %swap3A_909 = arith.constant 0 : index
    %swap3A_910 = vector.load %arg6[%swap3A_907, %swap3A_908, %swap3A_909] : memref<40x64x128xf32, #tpu.memory_space<vmem>>, vector<4x64x128xf32>
    tpu.vector_store %arg6[%swap3A_907, %swap3A_908, %swap3A_909], %add3A_906 {strides = array<i32>} : memref<40x64x128xf32, #tpu.memory_space<vmem>>, vector<4x64x128xf32>,
    %get3A_911 = arith.constant 24 : index
    %get3A_912 = arith.constant 0 : index
    %get3A_913 = vector.load %arg3[%get3A_911, %get3A_912] : memref<40x128xi32, #tpu.memory_space<vmem>>, vector<4x128xi32>
    %shift_right_arithmetic3A_914 = arith.constant 1 : i32
    %shift_right_arithmetic3A_915 = vector.broadcast %shift_right_arithmetic3A_914 : i32 to vector<4x128xi32>
    %shift_right_arithmetic3A_916 = arith.shrsi %get3A_913, %shift_right_arithmetic3A_915 : vector<4x128xi32>
    %and3A_917 = arith.constant 1 : i32
    %and3A_918 = vector.broadcast %and3A_917 : i32 to vector<4x128xi32>
    %and3A_919 = arith.andi %get3A_913, %and3A_918 : vector<4x128xi32>
    %xor3A_920 = arith.constant 1 : i32
    %xor3A_921 = vector.broadcast %xor3A_920 : i32 to vector<4x128xi32>
    %xor3A_922 = arith.xori %and3A_919, %xor3A_921 : vector<4x128xi32>
    %shift_left3A_923 = arith.constant 4 : i32
    %shift_left3A_924 = vector.broadcast %shift_left3A_923 : i32 to vector<4x128xi32>
    %shift_left3A_925 = arith.shli %xor3A_922, %shift_left3A_924 : vector<4x128xi32>
    %broadcast_in_dim3A_926 = vector.shape_cast %or3A : vector<64x128xi32> to vector<1x64x128xi32>
    %broadcast_in_dim3A_927 = vector.shape_cast %broadcast_in_dim3A_926 : vector<1x64x128xi32> to vector<1x64x128xi32>
    %broadcast_in_dim3A_928 = vector.broadcast %broadcast_in_dim3A_927 : vector<1x64x128xi32> to vector<4x64x128xi32>
    %eq3A_929 = arith.constant 1 : i32
    %eq3A_930 = vector.broadcast %eq3A_929 : i32 to vector<4x128xi32>
    %eq3A_931 = arith.cmpi eq, %shift_right_arithmetic3A_916, %eq3A_930 : vector<4x128xi32>
    %broadcast_in_dim3A_932 = vector.shape_cast %eq3A_931 : vector<4x128xi1> to vector<4x1x128xi1>
    %broadcast_in_dim3A_933 = vector.shape_cast %or3A_31 : vector<64x128xi32> to vector<1x64x128xi32>
    %broadcast_in_dim3A_934 = vector.shape_cast %broadcast_in_dim3A_932 : vector<4x1x128xi1> to vector<4x1x128xi1>
    %broadcast_in_dim3A_935 = vector.broadcast %broadcast_in_dim3A_934 : vector<4x1x128xi1> to vector<4x64x128xi1>
    %broadcast_in_dim3A_936 = vector.shape_cast %broadcast_in_dim3A_933 : vector<1x64x128xi32> to vector<1x64x128xi32>
    %broadcast_in_dim3A_937 = vector.broadcast %broadcast_in_dim3A_936 : vector<1x64x128xi32> to vector<4x64x128xi32>
    %select_n3A_938 = arith.select %broadcast_in_dim3A_935, %broadcast_in_dim3A_937, %broadcast_in_dim3A_928 : vector<4x64x128xi1>, vector<4x64x128xi32>
    %eq3A_939 = arith.constant 2 : i32
    %eq3A_940 = vector.broadcast %eq3A_939 : i32 to vector<4x128xi32>
    %eq3A_941 = arith.cmpi eq, %shift_right_arithmetic3A_916, %eq3A_940 : vector<4x128xi32>
    %broadcast_in_dim3A_942 = vector.shape_cast %eq3A_941 : vector<4x128xi1> to vector<4x1x128xi1>
    %broadcast_in_dim3A_943 = vector.shape_cast %or3A_46 : vector<64x128xi32> to vector<1x64x128xi32>
    %broadcast_in_dim3A_944 = vector.shape_cast %broadcast_in_dim3A_942 : vector<4x1x128xi1> to vector<4x1x128xi1>
    %broadcast_in_dim3A_945 = vector.broadcast %broadcast_in_dim3A_944 : vector<4x1x128xi1> to vector<4x64x128xi1>
    %broadcast_in_dim3A_946 = vector.shape_cast %broadcast_in_dim3A_943 : vector<1x64x128xi32> to vector<1x64x128xi32>
    %broadcast_in_dim3A_947 = vector.broadcast %broadcast_in_dim3A_946 : vector<1x64x128xi32> to vector<4x64x128xi32>
    %select_n3A_948 = arith.select %broadcast_in_dim3A_945, %broadcast_in_dim3A_947, %select_n3A_938 : vector<4x64x128xi1>, vector<4x64x128xi32>
    %eq3A_949 = arith.constant 3 : i32
    %eq3A_950 = vector.broadcast %eq3A_949 : i32 to vector<4x128xi32>
    %eq3A_951 = arith.cmpi eq, %shift_right_arithmetic3A_916, %eq3A_950 : vector<4x128xi32>
    %broadcast_in_dim3A_952 = vector.shape_cast %eq3A_951 : vector<4x128xi1> to vector<4x1x128xi1>
    %broadcast_in_dim3A_953 = vector.shape_cast %or3A_61 : vector<64x128xi32> to vector<1x64x128xi32>
    %broadcast_in_dim3A_954 = vector.shape_cast %broadcast_in_dim3A_952 : vector<4x1x128xi1> to vector<4x1x128xi1>
    %broadcast_in_dim3A_955 = vector.broadcast %broadcast_in_dim3A_954 : vector<4x1x128xi1> to vector<4x64x128xi1>
    %broadcast_in_dim3A_956 = vector.shape_cast %broadcast_in_dim3A_953 : vector<1x64x128xi32> to vector<1x64x128xi32>
    %broadcast_in_dim3A_957 = vector.broadcast %broadcast_in_dim3A_956 : vector<1x64x128xi32> to vector<4x64x128xi32>
    %select_n3A_958 = arith.select %broadcast_in_dim3A_955, %broadcast_in_dim3A_957, %select_n3A_948 : vector<4x64x128xi1>, vector<4x64x128xi32>
    %eq3A_959 = arith.constant 4 : i32
    %eq3A_960 = vector.broadcast %eq3A_959 : i32 to vector<4x128xi32>
    %eq3A_961 = arith.cmpi eq, %shift_right_arithmetic3A_916, %eq3A_960 : vector<4x128xi32>
    %broadcast_in_dim3A_962 = vector.shape_cast %eq3A_961 : vector<4x128xi1> to vector<4x1x128xi1>
    %broadcast_in_dim3A_963 = vector.shape_cast %or3A_76 : vector<64x128xi32> to vector<1x64x128xi32>
    %broadcast_in_dim3A_964 = vector.shape_cast %broadcast_in_dim3A_962 : vector<4x1x128xi1> to vector<4x1x128xi1>
    %broadcast_in_dim3A_965 = vector.broadcast %broadcast_in_dim3A_964 : vector<4x1x128xi1> to vector<4x64x128xi1>
    %broadcast_in_dim3A_966 = vector.shape_cast %broadcast_in_dim3A_963 : vector<1x64x128xi32> to vector<1x64x128xi32>
    %broadcast_in_dim3A_967 = vector.broadcast %broadcast_in_dim3A_966 : vector<1x64x128xi32> to vector<4x64x128xi32>
    %select_n3A_968 = arith.select %broadcast_in_dim3A_965, %broadcast_in_dim3A_967, %select_n3A_958 : vector<4x64x128xi1>, vector<4x64x128xi32>
    %eq3A_969 = arith.constant 5 : i32
    %eq3A_970 = vector.broadcast %eq3A_969 : i32 to vector<4x128xi32>
    %eq3A_971 = arith.cmpi eq, %shift_right_arithmetic3A_916, %eq3A_970 : vector<4x128xi32>
    %broadcast_in_dim3A_972 = vector.shape_cast %eq3A_971 : vector<4x128xi1> to vector<4x1x128xi1>
    %broadcast_in_dim3A_973 = vector.shape_cast %or3A_91 : vector<64x128xi32> to vector<1x64x128xi32>
    %broadcast_in_dim3A_974 = vector.shape_cast %broadcast_in_dim3A_972 : vector<4x1x128xi1> to vector<4x1x128xi1>
    %broadcast_in_dim3A_975 = vector.broadcast %broadcast_in_dim3A_974 : vector<4x1x128xi1> to vector<4x64x128xi1>
    %broadcast_in_dim3A_976 = vector.shape_cast %broadcast_in_dim3A_973 : vector<1x64x128xi32> to vector<1x64x128xi32>
    %broadcast_in_dim3A_977 = vector.broadcast %broadcast_in_dim3A_976 : vector<1x64x128xi32> to vector<4x64x128xi32>
    %select_n3A_978 = arith.select %broadcast_in_dim3A_975, %broadcast_in_dim3A_977, %select_n3A_968 : vector<4x64x128xi1>, vector<4x64x128xi32>
    %eq3A_979 = arith.constant 6 : i32
    %eq3A_980 = vector.broadcast %eq3A_979 : i32 to vector<4x128xi32>
    %eq3A_981 = arith.cmpi eq, %shift_right_arithmetic3A_916, %eq3A_980 : vector<4x128xi32>
    %broadcast_in_dim3A_982 = vector.shape_cast %eq3A_981 : vector<4x128xi1> to vector<4x1x128xi1>
    %broadcast_in_dim3A_983 = vector.shape_cast %or3A_106 : vector<64x128xi32> to vector<1x64x128xi32>
    %broadcast_in_dim3A_984 = vector.shape_cast %broadcast_in_dim3A_982 : vector<4x1x128xi1> to vector<4x1x128xi1>
    %broadcast_in_dim3A_985 = vector.broadcast %broadcast_in_dim3A_984 : vector<4x1x128xi1> to vector<4x64x128xi1>
    %broadcast_in_dim3A_986 = vector.shape_cast %broadcast_in_dim3A_983 : vector<1x64x128xi32> to vector<1x64x128xi32>
    %broadcast_in_dim3A_987 = vector.broadcast %broadcast_in_dim3A_986 : vector<1x64x128xi32> to vector<4x64x128xi32>
    %select_n3A_988 = arith.select %broadcast_in_dim3A_985, %broadcast_in_dim3A_987, %select_n3A_978 : vector<4x64x128xi1>, vector<4x64x128xi32>
    %eq3A_989 = arith.constant 7 : i32
    %eq3A_990 = vector.broadcast %eq3A_989 : i32 to vector<4x128xi32>
    %eq3A_991 = arith.cmpi eq, %shift_right_arithmetic3A_916, %eq3A_990 : vector<4x128xi32>
    %broadcast_in_dim3A_992 = vector.shape_cast %eq3A_991 : vector<4x128xi1> to vector<4x1x128xi1>
    %broadcast_in_dim3A_993 = vector.shape_cast %or3A_121 : vector<64x128xi32> to vector<1x64x128xi32>
    %broadcast_in_dim3A_994 = vector.shape_cast %broadcast_in_dim3A_992 : vector<4x1x128xi1> to vector<4x1x128xi1>
    %broadcast_in_dim3A_995 = vector.broadcast %broadcast_in_dim3A_994 : vector<4x1x128xi1> to vector<4x64x128xi1>
    %broadcast_in_dim3A_996 = vector.shape_cast %broadcast_in_dim3A_993 : vector<1x64x128xi32> to vector<1x64x128xi32>
    %broadcast_in_dim3A_997 = vector.broadcast %broadcast_in_dim3A_996 : vector<1x64x128xi32> to vector<4x64x128xi32>
    %select_n3A_998 = arith.select %broadcast_in_dim3A_995, %broadcast_in_dim3A_997, %select_n3A_988 : vector<4x64x128xi1>, vector<4x64x128xi32>
    %eq3A_999 = arith.constant 8 : i32
    %eq3A_1000 = vector.broadcast %eq3A_999 : i32 to vector<4x128xi32>
    %eq3A_1001 = arith.cmpi eq, %shift_right_arithmetic3A_916, %eq3A_1000 : vector<4x128xi32>
    %broadcast_in_dim3A_1002 = vector.shape_cast %eq3A_1001 : vector<4x128xi1> to vector<4x1x128xi1>
    %broadcast_in_dim3A_1003 = vector.shape_cast %or3A_136 : vector<64x128xi32> to vector<1x64x128xi32>
    %broadcast_in_dim3A_1004 = vector.shape_cast %broadcast_in_dim3A_1002 : vector<4x1x128xi1> to vector<4x1x128xi1>
    %broadcast_in_dim3A_1005 = vector.broadcast %broadcast_in_dim3A_1004 : vector<4x1x128xi1> to vector<4x64x128xi1>
    %broadcast_in_dim3A_1006 = vector.shape_cast %broadcast_in_dim3A_1003 : vector<1x64x128xi32> to vector<1x64x128xi32>
    %broadcast_in_dim3A_1007 = vector.broadcast %broadcast_in_dim3A_1006 : vector<1x64x128xi32> to vector<4x64x128xi32>
    %select_n3A_1008 = arith.select %broadcast_in_dim3A_1005, %broadcast_in_dim3A_1007, %select_n3A_998 : vector<4x64x128xi1>, vector<4x64x128xi32>
    %eq3A_1009 = arith.constant 9 : i32
    %eq3A_1010 = vector.broadcast %eq3A_1009 : i32 to vector<4x128xi32>
    %eq3A_1011 = arith.cmpi eq, %shift_right_arithmetic3A_916, %eq3A_1010 : vector<4x128xi32>
    %broadcast_in_dim3A_1012 = vector.shape_cast %eq3A_1011 : vector<4x128xi1> to vector<4x1x128xi1>
    %broadcast_in_dim3A_1013 = vector.shape_cast %or3A_151 : vector<64x128xi32> to vector<1x64x128xi32>
    %broadcast_in_dim3A_1014 = vector.shape_cast %broadcast_in_dim3A_1012 : vector<4x1x128xi1> to vector<4x1x128xi1>
    %broadcast_in_dim3A_1015 = vector.broadcast %broadcast_in_dim3A_1014 : vector<4x1x128xi1> to vector<4x64x128xi1>
    %broadcast_in_dim3A_1016 = vector.shape_cast %broadcast_in_dim3A_1013 : vector<1x64x128xi32> to vector<1x64x128xi32>
    %broadcast_in_dim3A_1017 = vector.broadcast %broadcast_in_dim3A_1016 : vector<1x64x128xi32> to vector<4x64x128xi32>
    %select_n3A_1018 = arith.select %broadcast_in_dim3A_1015, %broadcast_in_dim3A_1017, %select_n3A_1008 : vector<4x64x128xi1>, vector<4x64x128xi32>
    %broadcast_in_dim3A_1019 = vector.shape_cast %shift_left3A_925 : vector<4x128xi32> to vector<4x1x128xi32>
    %broadcast_in_dim3A_1020 = vector.shape_cast %broadcast_in_dim3A_1019 : vector<4x1x128xi32> to vector<4x1x128xi32>
    %broadcast_in_dim3A_1021 = vector.broadcast %broadcast_in_dim3A_1020 : vector<4x1x128xi32> to vector<4x64x128xi32>
    %shift_left3A_1022 = arith.shli %select_n3A_1018, %broadcast_in_dim3A_1021 : vector<4x64x128xi32>
    %and3A_1023 = arith.constant -65536 : i32
    %and3A_1024 = vector.broadcast %and3A_1023 : i32 to vector<4x64x128xi32>
    %and3A_1025 = arith.andi %shift_left3A_1022, %and3A_1024 : vector<4x64x128xi32>
    %bitcast_convert_type3A_1026 = tpu.bitcast %and3A_1025 : vector<4x64x128xi32> -> vector<4x64x128xf32>
    %get3A_1027 = arith.constant 24 : index
    %get3A_1028 = arith.constant 0 : index
    %get3A_1029 = arith.constant 0 : index
    %get3A_1030 = vector.load %arg2[%get3A_1027, %get3A_1028, %get3A_1029] : memref<40x64x128xf32, #tpu.memory_space<vmem>>, vector<4x64x128xf32>
    %mul3A_1031 = vector.broadcast %tanh3A : f32 to vector<4x64x128xf32>
    %mul3A_1032 = arith.mulf %mul3A_1031, %bitcast_convert_type3A_1026 : vector<4x64x128xf32>
    %add3A_1033 = arith.addf %get3A_1030, %mul3A_1032 : vector<4x64x128xf32>
    %swap3A_1034 = arith.constant 24 : index
    %swap3A_1035 = arith.constant 0 : index
    %swap3A_1036 = arith.constant 0 : index
    %swap3A_1037 = vector.load %arg6[%swap3A_1034, %swap3A_1035, %swap3A_1036] : memref<40x64x128xf32, #tpu.memory_space<vmem>>, vector<4x64x128xf32>
    tpu.vector_store %arg6[%swap3A_1034, %swap3A_1035, %swap3A_1036], %add3A_1033 {strides = array<i32>} : memref<40x64x128xf32, #tpu.memory_space<vmem>>, vector<4x64x128xf32>,
    %get3A_1038 = arith.constant 28 : index
    %get3A_1039 = arith.constant 0 : index
    %get3A_1040 = vector.load %arg3[%get3A_1038, %get3A_1039] : memref<40x128xi32, #tpu.memory_space<vmem>>, vector<4x128xi32>
    %shift_right_arithmetic3A_1041 = arith.constant 1 : i32
    %shift_right_arithmetic3A_1042 = vector.broadcast %shift_right_arithmetic3A_1041 : i32 to vector<4x128xi32>
    %shift_right_arithmetic3A_1043 = arith.shrsi %get3A_1040, %shift_right_arithmetic3A_1042 : vector<4x128xi32>
    %and3A_1044 = arith.constant 1 : i32
    %and3A_1045 = vector.broadcast %and3A_1044 : i32 to vector<4x128xi32>
    %and3A_1046 = arith.andi %get3A_1040, %and3A_1045 : vector<4x128xi32>
    %xor3A_1047 = arith.constant 1 : i32
    %xor3A_1048 = vector.broadcast %xor3A_1047 : i32 to vector<4x128xi32>
    %xor3A_1049 = arith.xori %and3A_1046, %xor3A_1048 : vector<4x128xi32>
    %shift_left3A_1050 = arith.constant 4 : i32
    %shift_left3A_1051 = vector.broadcast %shift_left3A_1050 : i32 to vector<4x128xi32>
    %shift_left3A_1052 = arith.shli %xor3A_1049, %shift_left3A_1051 : vector<4x128xi32>
    %broadcast_in_dim3A_1053 = vector.shape_cast %or3A : vector<64x128xi32> to vector<1x64x128xi32>
    %broadcast_in_dim3A_1054 = vector.shape_cast %broadcast_in_dim3A_1053 : vector<1x64x128xi32> to vector<1x64x128xi32>
    %broadcast_in_dim3A_1055 = vector.broadcast %broadcast_in_dim3A_1054 : vector<1x64x128xi32> to vector<4x64x128xi32>
    %eq3A_1056 = arith.constant 1 : i32
    %eq3A_1057 = vector.broadcast %eq3A_1056 : i32 to vector<4x128xi32>
    %eq3A_1058 = arith.cmpi eq, %shift_right_arithmetic3A_1043, %eq3A_1057 : vector<4x128xi32>
    %broadcast_in_dim3A_1059 = vector.shape_cast %eq3A_1058 : vector<4x128xi1> to vector<4x1x128xi1>
    %broadcast_in_dim3A_1060 = vector.shape_cast %or3A_31 : vector<64x128xi32> to vector<1x64x128xi32>
    %broadcast_in_dim3A_1061 = vector.shape_cast %broadcast_in_dim3A_1059 : vector<4x1x128xi1> to vector<4x1x128xi1>
    %broadcast_in_dim3A_1062 = vector.broadcast %broadcast_in_dim3A_1061 : vector<4x1x128xi1> to vector<4x64x128xi1>
    %broadcast_in_dim3A_1063 = vector.shape_cast %broadcast_in_dim3A_1060 : vector<1x64x128xi32> to vector<1x64x128xi32>
    %broadcast_in_dim3A_1064 = vector.broadcast %broadcast_in_dim3A_1063 : vector<1x64x128xi32> to vector<4x64x128xi32>
    %select_n3A_1065 = arith.select %broadcast_in_dim3A_1062, %broadcast_in_dim3A_1064, %broadcast_in_dim3A_1055 : vector<4x64x128xi1>, vector<4x64x128xi32>
    %eq3A_1066 = arith.constant 2 : i32
    %eq3A_1067 = vector.broadcast %eq3A_1066 : i32 to vector<4x128xi32>
    %eq3A_1068 = arith.cmpi eq, %shift_right_arithmetic3A_1043, %eq3A_1067 : vector<4x128xi32>
    %broadcast_in_dim3A_1069 = vector.shape_cast %eq3A_1068 : vector<4x128xi1> to vector<4x1x128xi1>
    %broadcast_in_dim3A_1070 = vector.shape_cast %or3A_46 : vector<64x128xi32> to vector<1x64x128xi32>
    %broadcast_in_dim3A_1071 = vector.shape_cast %broadcast_in_dim3A_1069 : vector<4x1x128xi1> to vector<4x1x128xi1>
    %broadcast_in_dim3A_1072 = vector.broadcast %broadcast_in_dim3A_1071 : vector<4x1x128xi1> to vector<4x64x128xi1>
    %broadcast_in_dim3A_1073 = vector.shape_cast %broadcast_in_dim3A_1070 : vector<1x64x128xi32> to vector<1x64x128xi32>
    %broadcast_in_dim3A_1074 = vector.broadcast %broadcast_in_dim3A_1073 : vector<1x64x128xi32> to vector<4x64x128xi32>
    %select_n3A_1075 = arith.select %broadcast_in_dim3A_1072, %broadcast_in_dim3A_1074, %select_n3A_1065 : vector<4x64x128xi1>, vector<4x64x128xi32>
    %eq3A_1076 = arith.constant 3 : i32
    %eq3A_1077 = vector.broadcast %eq3A_1076 : i32 to vector<4x128xi32>
    %eq3A_1078 = arith.cmpi eq, %shift_right_arithmetic3A_1043, %eq3A_1077 : vector<4x128xi32>
    %broadcast_in_dim3A_1079 = vector.shape_cast %eq3A_1078 : vector<4x128xi1> to vector<4x1x128xi1>
    %broadcast_in_dim3A_1080 = vector.shape_cast %or3A_61 : vector<64x128xi32> to vector<1x64x128xi32>
    %broadcast_in_dim3A_1081 = vector.shape_cast %broadcast_in_dim3A_1079 : vector<4x1x128xi1> to vector<4x1x128xi1>
    %broadcast_in_dim3A_1082 = vector.broadcast %broadcast_in_dim3A_1081 : vector<4x1x128xi1> to vector<4x64x128xi1>
    %broadcast_in_dim3A_1083 = vector.shape_cast %broadcast_in_dim3A_1080 : vector<1x64x128xi32> to vector<1x64x128xi32>
    %broadcast_in_dim3A_1084 = vector.broadcast %broadcast_in_dim3A_1083 : vector<1x64x128xi32> to vector<4x64x128xi32>
    %select_n3A_1085 = arith.select %broadcast_in_dim3A_1082, %broadcast_in_dim3A_1084, %select_n3A_1075 : vector<4x64x128xi1>, vector<4x64x128xi32>
    %eq3A_1086 = arith.constant 4 : i32
    %eq3A_1087 = vector.broadcast %eq3A_1086 : i32 to vector<4x128xi32>
    %eq3A_1088 = arith.cmpi eq, %shift_right_arithmetic3A_1043, %eq3A_1087 : vector<4x128xi32>
    %broadcast_in_dim3A_1089 = vector.shape_cast %eq3A_1088 : vector<4x128xi1> to vector<4x1x128xi1>
    %broadcast_in_dim3A_1090 = vector.shape_cast %or3A_76 : vector<64x128xi32> to vector<1x64x128xi32>
    %broadcast_in_dim3A_1091 = vector.shape_cast %broadcast_in_dim3A_1089 : vector<4x1x128xi1> to vector<4x1x128xi1>
    %broadcast_in_dim3A_1092 = vector.broadcast %broadcast_in_dim3A_1091 : vector<4x1x128xi1> to vector<4x64x128xi1>
    %broadcast_in_dim3A_1093 = vector.shape_cast %broadcast_in_dim3A_1090 : vector<1x64x128xi32> to vector<1x64x128xi32>
    %broadcast_in_dim3A_1094 = vector.broadcast %broadcast_in_dim3A_1093 : vector<1x64x128xi32> to vector<4x64x128xi32>
    %select_n3A_1095 = arith.select %broadcast_in_dim3A_1092, %broadcast_in_dim3A_1094, %select_n3A_1085 : vector<4x64x128xi1>, vector<4x64x128xi32>
    %eq3A_1096 = arith.constant 5 : i32
    %eq3A_1097 = vector.broadcast %eq3A_1096 : i32 to vector<4x128xi32>
    %eq3A_1098 = arith.cmpi eq, %shift_right_arithmetic3A_1043, %eq3A_1097 : vector<4x128xi32>
    %broadcast_in_dim3A_1099 = vector.shape_cast %eq3A_1098 : vector<4x128xi1> to vector<4x1x128xi1>
    %broadcast_in_dim3A_1100 = vector.shape_cast %or3A_91 : vector<64x128xi32> to vector<1x64x128xi32>
    %broadcast_in_dim3A_1101 = vector.shape_cast %broadcast_in_dim3A_1099 : vector<4x1x128xi1> to vector<4x1x128xi1>
    %broadcast_in_dim3A_1102 = vector.broadcast %broadcast_in_dim3A_1101 : vector<4x1x128xi1> to vector<4x64x128xi1>
    %broadcast_in_dim3A_1103 = vector.shape_cast %broadcast_in_dim3A_1100 : vector<1x64x128xi32> to vector<1x64x128xi32>
    %broadcast_in_dim3A_1104 = vector.broadcast %broadcast_in_dim3A_1103 : vector<1x64x128xi32> to vector<4x64x128xi32>
    %select_n3A_1105 = arith.select %broadcast_in_dim3A_1102, %broadcast_in_dim3A_1104, %select_n3A_1095 : vector<4x64x128xi1>, vector<4x64x128xi32>
    %eq3A_1106 = arith.constant 6 : i32
    %eq3A_1107 = vector.broadcast %eq3A_1106 : i32 to vector<4x128xi32>
    %eq3A_1108 = arith.cmpi eq, %shift_right_arithmetic3A_1043, %eq3A_1107 : vector<4x128xi32>
    %broadcast_in_dim3A_1109 = vector.shape_cast %eq3A_1108 : vector<4x128xi1> to vector<4x1x128xi1>
    %broadcast_in_dim3A_1110 = vector.shape_cast %or3A_106 : vector<64x128xi32> to vector<1x64x128xi32>
    %broadcast_in_dim3A_1111 = vector.shape_cast %broadcast_in_dim3A_1109 : vector<4x1x128xi1> to vector<4x1x128xi1>
    %broadcast_in_dim3A_1112 = vector.broadcast %broadcast_in_dim3A_1111 : vector<4x1x128xi1> to vector<4x64x128xi1>
    %broadcast_in_dim3A_1113 = vector.shape_cast %broadcast_in_dim3A_1110 : vector<1x64x128xi32> to vector<1x64x128xi32>
    %broadcast_in_dim3A_1114 = vector.broadcast %broadcast_in_dim3A_1113 : vector<1x64x128xi32> to vector<4x64x128xi32>
    %select_n3A_1115 = arith.select %broadcast_in_dim3A_1112, %broadcast_in_dim3A_1114, %select_n3A_1105 : vector<4x64x128xi1>, vector<4x64x128xi32>
    %eq3A_1116 = arith.constant 7 : i32
    %eq3A_1117 = vector.broadcast %eq3A_1116 : i32 to vector<4x128xi32>
    %eq3A_1118 = arith.cmpi eq, %shift_right_arithmetic3A_1043, %eq3A_1117 : vector<4x128xi32>
    %broadcast_in_dim3A_1119 = vector.shape_cast %eq3A_1118 : vector<4x128xi1> to vector<4x1x128xi1>
    %broadcast_in_dim3A_1120 = vector.shape_cast %or3A_121 : vector<64x128xi32> to vector<1x64x128xi32>
    %broadcast_in_dim3A_1121 = vector.shape_cast %broadcast_in_dim3A_1119 : vector<4x1x128xi1> to vector<4x1x128xi1>
    %broadcast_in_dim3A_1122 = vector.broadcast %broadcast_in_dim3A_1121 : vector<4x1x128xi1> to vector<4x64x128xi1>
    %broadcast_in_dim3A_1123 = vector.shape_cast %broadcast_in_dim3A_1120 : vector<1x64x128xi32> to vector<1x64x128xi32>
    %broadcast_in_dim3A_1124 = vector.broadcast %broadcast_in_dim3A_1123 : vector<1x64x128xi32> to vector<4x64x128xi32>
    %select_n3A_1125 = arith.select %broadcast_in_dim3A_1122, %broadcast_in_dim3A_1124, %select_n3A_1115 : vector<4x64x128xi1>, vector<4x64x128xi32>
    %eq3A_1126 = arith.constant 8 : i32
    %eq3A_1127 = vector.broadcast %eq3A_1126 : i32 to vector<4x128xi32>
    %eq3A_1128 = arith.cmpi eq, %shift_right_arithmetic3A_1043, %eq3A_1127 : vector<4x128xi32>
    %broadcast_in_dim3A_1129 = vector.shape_cast %eq3A_1128 : vector<4x128xi1> to vector<4x1x128xi1>
    %broadcast_in_dim3A_1130 = vector.shape_cast %or3A_136 : vector<64x128xi32> to vector<1x64x128xi32>
    %broadcast_in_dim3A_1131 = vector.shape_cast %broadcast_in_dim3A_1129 : vector<4x1x128xi1> to vector<4x1x128xi1>
    %broadcast_in_dim3A_1132 = vector.broadcast %broadcast_in_dim3A_1131 : vector<4x1x128xi1> to vector<4x64x128xi1>
    %broadcast_in_dim3A_1133 = vector.shape_cast %broadcast_in_dim3A_1130 : vector<1x64x128xi32> to vector<1x64x128xi32>
    %broadcast_in_dim3A_1134 = vector.broadcast %broadcast_in_dim3A_1133 : vector<1x64x128xi32> to vector<4x64x128xi32>
    %select_n3A_1135 = arith.select %broadcast_in_dim3A_1132, %broadcast_in_dim3A_1134, %select_n3A_1125 : vector<4x64x128xi1>, vector<4x64x128xi32>
    %eq3A_1136 = arith.constant 9 : i32
    %eq3A_1137 = vector.broadcast %eq3A_1136 : i32 to vector<4x128xi32>
    %eq3A_1138 = arith.cmpi eq, %shift_right_arithmetic3A_1043, %eq3A_1137 : vector<4x128xi32>
    %broadcast_in_dim3A_1139 = vector.shape_cast %eq3A_1138 : vector<4x128xi1> to vector<4x1x128xi1>
    %broadcast_in_dim3A_1140 = vector.shape_cast %or3A_151 : vector<64x128xi32> to vector<1x64x128xi32>
    %broadcast_in_dim3A_1141 = vector.shape_cast %broadcast_in_dim3A_1139 : vector<4x1x128xi1> to vector<4x1x128xi1>
    %broadcast_in_dim3A_1142 = vector.broadcast %broadcast_in_dim3A_1141 : vector<4x1x128xi1> to vector<4x64x128xi1>
    %broadcast_in_dim3A_1143 = vector.shape_cast %broadcast_in_dim3A_1140 : vector<1x64x128xi32> to vector<1x64x128xi32>
    %broadcast_in_dim3A_1144 = vector.broadcast %broadcast_in_dim3A_1143 : vector<1x64x128xi32> to vector<4x64x128xi32>
    %select_n3A_1145 = arith.select %broadcast_in_dim3A_1142, %broadcast_in_dim3A_1144, %select_n3A_1135 : vector<4x64x128xi1>, vector<4x64x128xi32>
    %broadcast_in_dim3A_1146 = vector.shape_cast %shift_left3A_1052 : vector<4x128xi32> to vector<4x1x128xi32>
    %broadcast_in_dim3A_1147 = vector.shape_cast %broadcast_in_dim3A_1146 : vector<4x1x128xi32> to vector<4x1x128xi32>
    %broadcast_in_dim3A_1148 = vector.broadcast %broadcast_in_dim3A_1147 : vector<4x1x128xi32> to vector<4x64x128xi32>
    %shift_left3A_1149 = arith.shli %select_n3A_1145, %broadcast_in_dim3A_1148 : vector<4x64x128xi32>
    %and3A_1150 = arith.constant -65536 : i32
    %and3A_1151 = vector.broadcast %and3A_1150 : i32 to vector<4x64x128xi32>
    %and3A_1152 = arith.andi %shift_left3A_1149, %and3A_1151 : vector<4x64x128xi32>
    %bitcast_convert_type3A_1153 = tpu.bitcast %and3A_1152 : vector<4x64x128xi32> -> vector<4x64x128xf32>
    %get3A_1154 = arith.constant 28 : index
    %get3A_1155 = arith.constant 0 : index
    %get3A_1156 = arith.constant 0 : index
    %get3A_1157 = vector.load %arg2[%get3A_1154, %get3A_1155, %get3A_1156] : memref<40x64x128xf32, #tpu.memory_space<vmem>>, vector<4x64x128xf32>
    %mul3A_1158 = vector.broadcast %tanh3A : f32 to vector<4x64x128xf32>
    %mul3A_1159 = arith.mulf %mul3A_1158, %bitcast_convert_type3A_1153 : vector<4x64x128xf32>
    %add3A_1160 = arith.addf %get3A_1157, %mul3A_1159 : vector<4x64x128xf32>
    %swap3A_1161 = arith.constant 28 : index
    %swap3A_1162 = arith.constant 0 : index
    %swap3A_1163 = arith.constant 0 : index
    %swap3A_1164 = vector.load %arg6[%swap3A_1161, %swap3A_1162, %swap3A_1163] : memref<40x64x128xf32, #tpu.memory_space<vmem>>, vector<4x64x128xf32>
    tpu.vector_store %arg6[%swap3A_1161, %swap3A_1162, %swap3A_1163], %add3A_1160 {strides = array<i32>} : memref<40x64x128xf32, #tpu.memory_space<vmem>>, vector<4x64x128xf32>,
    %get3A_1165 = arith.constant 32 : index
    %get3A_1166 = arith.constant 0 : index
    %get3A_1167 = vector.load %arg3[%get3A_1165, %get3A_1166] : memref<40x128xi32, #tpu.memory_space<vmem>>, vector<4x128xi32>
    %shift_right_arithmetic3A_1168 = arith.constant 1 : i32
    %shift_right_arithmetic3A_1169 = vector.broadcast %shift_right_arithmetic3A_1168 : i32 to vector<4x128xi32>
    %shift_right_arithmetic3A_1170 = arith.shrsi %get3A_1167, %shift_right_arithmetic3A_1169 : vector<4x128xi32>
    %and3A_1171 = arith.constant 1 : i32
    %and3A_1172 = vector.broadcast %and3A_1171 : i32 to vector<4x128xi32>
    %and3A_1173 = arith.andi %get3A_1167, %and3A_1172 : vector<4x128xi32>
    %xor3A_1174 = arith.constant 1 : i32
    %xor3A_1175 = vector.broadcast %xor3A_1174 : i32 to vector<4x128xi32>
    %xor3A_1176 = arith.xori %and3A_1173, %xor3A_1175 : vector<4x128xi32>
    %shift_left3A_1177 = arith.constant 4 : i32
    %shift_left3A_1178 = vector.broadcast %shift_left3A_1177 : i32 to vector<4x128xi32>
    %shift_left3A_1179 = arith.shli %xor3A_1176, %shift_left3A_1178 : vector<4x128xi32>
    %broadcast_in_dim3A_1180 = vector.shape_cast %or3A : vector<64x128xi32> to vector<1x64x128xi32>
    %broadcast_in_dim3A_1181 = vector.shape_cast %broadcast_in_dim3A_1180 : vector<1x64x128xi32> to vector<1x64x128xi32>
    %broadcast_in_dim3A_1182 = vector.broadcast %broadcast_in_dim3A_1181 : vector<1x64x128xi32> to vector<4x64x128xi32>
    %eq3A_1183 = arith.constant 1 : i32
    %eq3A_1184 = vector.broadcast %eq3A_1183 : i32 to vector<4x128xi32>
    %eq3A_1185 = arith.cmpi eq, %shift_right_arithmetic3A_1170, %eq3A_1184 : vector<4x128xi32>
    %broadcast_in_dim3A_1186 = vector.shape_cast %eq3A_1185 : vector<4x128xi1> to vector<4x1x128xi1>
    %broadcast_in_dim3A_1187 = vector.shape_cast %or3A_31 : vector<64x128xi32> to vector<1x64x128xi32>
    %broadcast_in_dim3A_1188 = vector.shape_cast %broadcast_in_dim3A_1186 : vector<4x1x128xi1> to vector<4x1x128xi1>
    %broadcast_in_dim3A_1189 = vector.broadcast %broadcast_in_dim3A_1188 : vector<4x1x128xi1> to vector<4x64x128xi1>
    %broadcast_in_dim3A_1190 = vector.shape_cast %broadcast_in_dim3A_1187 : vector<1x64x128xi32> to vector<1x64x128xi32>
    %broadcast_in_dim3A_1191 = vector.broadcast %broadcast_in_dim3A_1190 : vector<1x64x128xi32> to vector<4x64x128xi32>
    %select_n3A_1192 = arith.select %broadcast_in_dim3A_1189, %broadcast_in_dim3A_1191, %broadcast_in_dim3A_1182 : vector<4x64x128xi1>, vector<4x64x128xi32>
    %eq3A_1193 = arith.constant 2 : i32
    %eq3A_1194 = vector.broadcast %eq3A_1193 : i32 to vector<4x128xi32>
    %eq3A_1195 = arith.cmpi eq, %shift_right_arithmetic3A_1170, %eq3A_1194 : vector<4x128xi32>
    %broadcast_in_dim3A_1196 = vector.shape_cast %eq3A_1195 : vector<4x128xi1> to vector<4x1x128xi1>
    %broadcast_in_dim3A_1197 = vector.shape_cast %or3A_46 : vector<64x128xi32> to vector<1x64x128xi32>
    %broadcast_in_dim3A_1198 = vector.shape_cast %broadcast_in_dim3A_1196 : vector<4x1x128xi1> to vector<4x1x128xi1>
    %broadcast_in_dim3A_1199 = vector.broadcast %broadcast_in_dim3A_1198 : vector<4x1x128xi1> to vector<4x64x128xi1>
    %broadcast_in_dim3A_1200 = vector.shape_cast %broadcast_in_dim3A_1197 : vector<1x64x128xi32> to vector<1x64x128xi32>
    %broadcast_in_dim3A_1201 = vector.broadcast %broadcast_in_dim3A_1200 : vector<1x64x128xi32> to vector<4x64x128xi32>
    %select_n3A_1202 = arith.select %broadcast_in_dim3A_1199, %broadcast_in_dim3A_1201, %select_n3A_1192 : vector<4x64x128xi1>, vector<4x64x128xi32>
    %eq3A_1203 = arith.constant 3 : i32
    %eq3A_1204 = vector.broadcast %eq3A_1203 : i32 to vector<4x128xi32>
    %eq3A_1205 = arith.cmpi eq, %shift_right_arithmetic3A_1170, %eq3A_1204 : vector<4x128xi32>
    %broadcast_in_dim3A_1206 = vector.shape_cast %eq3A_1205 : vector<4x128xi1> to vector<4x1x128xi1>
    %broadcast_in_dim3A_1207 = vector.shape_cast %or3A_61 : vector<64x128xi32> to vector<1x64x128xi32>
    %broadcast_in_dim3A_1208 = vector.shape_cast %broadcast_in_dim3A_1206 : vector<4x1x128xi1> to vector<4x1x128xi1>
    %broadcast_in_dim3A_1209 = vector.broadcast %broadcast_in_dim3A_1208 : vector<4x1x128xi1> to vector<4x64x128xi1>
    %broadcast_in_dim3A_1210 = vector.shape_cast %broadcast_in_dim3A_1207 : vector<1x64x128xi32> to vector<1x64x128xi32>
    %broadcast_in_dim3A_1211 = vector.broadcast %broadcast_in_dim3A_1210 : vector<1x64x128xi32> to vector<4x64x128xi32>
    %select_n3A_1212 = arith.select %broadcast_in_dim3A_1209, %broadcast_in_dim3A_1211, %select_n3A_1202 : vector<4x64x128xi1>, vector<4x64x128xi32>
    %eq3A_1213 = arith.constant 4 : i32
    %eq3A_1214 = vector.broadcast %eq3A_1213 : i32 to vector<4x128xi32>
    %eq3A_1215 = arith.cmpi eq, %shift_right_arithmetic3A_1170, %eq3A_1214 : vector<4x128xi32>
    %broadcast_in_dim3A_1216 = vector.shape_cast %eq3A_1215 : vector<4x128xi1> to vector<4x1x128xi1>
    %broadcast_in_dim3A_1217 = vector.shape_cast %or3A_76 : vector<64x128xi32> to vector<1x64x128xi32>
    %broadcast_in_dim3A_1218 = vector.shape_cast %broadcast_in_dim3A_1216 : vector<4x1x128xi1> to vector<4x1x128xi1>
    %broadcast_in_dim3A_1219 = vector.broadcast %broadcast_in_dim3A_1218 : vector<4x1x128xi1> to vector<4x64x128xi1>
    %broadcast_in_dim3A_1220 = vector.shape_cast %broadcast_in_dim3A_1217 : vector<1x64x128xi32> to vector<1x64x128xi32>
    %broadcast_in_dim3A_1221 = vector.broadcast %broadcast_in_dim3A_1220 : vector<1x64x128xi32> to vector<4x64x128xi32>
    %select_n3A_1222 = arith.select %broadcast_in_dim3A_1219, %broadcast_in_dim3A_1221, %select_n3A_1212 : vector<4x64x128xi1>, vector<4x64x128xi32>
    %eq3A_1223 = arith.constant 5 : i32
    %eq3A_1224 = vector.broadcast %eq3A_1223 : i32 to vector<4x128xi32>
    %eq3A_1225 = arith.cmpi eq, %shift_right_arithmetic3A_1170, %eq3A_1224 : vector<4x128xi32>
    %broadcast_in_dim3A_1226 = vector.shape_cast %eq3A_1225 : vector<4x128xi1> to vector<4x1x128xi1>
    %broadcast_in_dim3A_1227 = vector.shape_cast %or3A_91 : vector<64x128xi32> to vector<1x64x128xi32>
    %broadcast_in_dim3A_1228 = vector.shape_cast %broadcast_in_dim3A_1226 : vector<4x1x128xi1> to vector<4x1x128xi1>
    %broadcast_in_dim3A_1229 = vector.broadcast %broadcast_in_dim3A_1228 : vector<4x1x128xi1> to vector<4x64x128xi1>
    %broadcast_in_dim3A_1230 = vector.shape_cast %broadcast_in_dim3A_1227 : vector<1x64x128xi32> to vector<1x64x128xi32>
    %broadcast_in_dim3A_1231 = vector.broadcast %broadcast_in_dim3A_1230 : vector<1x64x128xi32> to vector<4x64x128xi32>
    %select_n3A_1232 = arith.select %broadcast_in_dim3A_1229, %broadcast_in_dim3A_1231, %select_n3A_1222 : vector<4x64x128xi1>, vector<4x64x128xi32>
    %eq3A_1233 = arith.constant 6 : i32
    %eq3A_1234 = vector.broadcast %eq3A_1233 : i32 to vector<4x128xi32>
    %eq3A_1235 = arith.cmpi eq, %shift_right_arithmetic3A_1170, %eq3A_1234 : vector<4x128xi32>
    %broadcast_in_dim3A_1236 = vector.shape_cast %eq3A_1235 : vector<4x128xi1> to vector<4x1x128xi1>
    %broadcast_in_dim3A_1237 = vector.shape_cast %or3A_106 : vector<64x128xi32> to vector<1x64x128xi32>
    %broadcast_in_dim3A_1238 = vector.shape_cast %broadcast_in_dim3A_1236 : vector<4x1x128xi1> to vector<4x1x128xi1>
    %broadcast_in_dim3A_1239 = vector.broadcast %broadcast_in_dim3A_1238 : vector<4x1x128xi1> to vector<4x64x128xi1>
    %broadcast_in_dim3A_1240 = vector.shape_cast %broadcast_in_dim3A_1237 : vector<1x64x128xi32> to vector<1x64x128xi32>
    %broadcast_in_dim3A_1241 = vector.broadcast %broadcast_in_dim3A_1240 : vector<1x64x128xi32> to vector<4x64x128xi32>
    %select_n3A_1242 = arith.select %broadcast_in_dim3A_1239, %broadcast_in_dim3A_1241, %select_n3A_1232 : vector<4x64x128xi1>, vector<4x64x128xi32>
    %eq3A_1243 = arith.constant 7 : i32
    %eq3A_1244 = vector.broadcast %eq3A_1243 : i32 to vector<4x128xi32>
    %eq3A_1245 = arith.cmpi eq, %shift_right_arithmetic3A_1170, %eq3A_1244 : vector<4x128xi32>
    %broadcast_in_dim3A_1246 = vector.shape_cast %eq3A_1245 : vector<4x128xi1> to vector<4x1x128xi1>
    %broadcast_in_dim3A_1247 = vector.shape_cast %or3A_121 : vector<64x128xi32> to vector<1x64x128xi32>
    %broadcast_in_dim3A_1248 = vector.shape_cast %broadcast_in_dim3A_1246 : vector<4x1x128xi1> to vector<4x1x128xi1>
    %broadcast_in_dim3A_1249 = vector.broadcast %broadcast_in_dim3A_1248 : vector<4x1x128xi1> to vector<4x64x128xi1>
    %broadcast_in_dim3A_1250 = vector.shape_cast %broadcast_in_dim3A_1247 : vector<1x64x128xi32> to vector<1x64x128xi32>
    %broadcast_in_dim3A_1251 = vector.broadcast %broadcast_in_dim3A_1250 : vector<1x64x128xi32> to vector<4x64x128xi32>
    %select_n3A_1252 = arith.select %broadcast_in_dim3A_1249, %broadcast_in_dim3A_1251, %select_n3A_1242 : vector<4x64x128xi1>, vector<4x64x128xi32>
    %eq3A_1253 = arith.constant 8 : i32
    %eq3A_1254 = vector.broadcast %eq3A_1253 : i32 to vector<4x128xi32>
    %eq3A_1255 = arith.cmpi eq, %shift_right_arithmetic3A_1170, %eq3A_1254 : vector<4x128xi32>
    %broadcast_in_dim3A_1256 = vector.shape_cast %eq3A_1255 : vector<4x128xi1> to vector<4x1x128xi1>
    %broadcast_in_dim3A_1257 = vector.shape_cast %or3A_136 : vector<64x128xi32> to vector<1x64x128xi32>
    %broadcast_in_dim3A_1258 = vector.shape_cast %broadcast_in_dim3A_1256 : vector<4x1x128xi1> to vector<4x1x128xi1>
    %broadcast_in_dim3A_1259 = vector.broadcast %broadcast_in_dim3A_1258 : vector<4x1x128xi1> to vector<4x64x128xi1>
    %broadcast_in_dim3A_1260 = vector.shape_cast %broadcast_in_dim3A_1257 : vector<1x64x128xi32> to vector<1x64x128xi32>
    %broadcast_in_dim3A_1261 = vector.broadcast %broadcast_in_dim3A_1260 : vector<1x64x128xi32> to vector<4x64x128xi32>
    %select_n3A_1262 = arith.select %broadcast_in_dim3A_1259, %broadcast_in_dim3A_1261, %select_n3A_1252 : vector<4x64x128xi1>, vector<4x64x128xi32>
    %eq3A_1263 = arith.constant 9 : i32
    %eq3A_1264 = vector.broadcast %eq3A_1263 : i32 to vector<4x128xi32>
    %eq3A_1265 = arith.cmpi eq, %shift_right_arithmetic3A_1170, %eq3A_1264 : vector<4x128xi32>
    %broadcast_in_dim3A_1266 = vector.shape_cast %eq3A_1265 : vector<4x128xi1> to vector<4x1x128xi1>
    %broadcast_in_dim3A_1267 = vector.shape_cast %or3A_151 : vector<64x128xi32> to vector<1x64x128xi32>
    %broadcast_in_dim3A_1268 = vector.shape_cast %broadcast_in_dim3A_1266 : vector<4x1x128xi1> to vector<4x1x128xi1>
    %broadcast_in_dim3A_1269 = vector.broadcast %broadcast_in_dim3A_1268 : vector<4x1x128xi1> to vector<4x64x128xi1>
    %broadcast_in_dim3A_1270 = vector.shape_cast %broadcast_in_dim3A_1267 : vector<1x64x128xi32> to vector<1x64x128xi32>
    %broadcast_in_dim3A_1271 = vector.broadcast %broadcast_in_dim3A_1270 : vector<1x64x128xi32> to vector<4x64x128xi32>
    %select_n3A_1272 = arith.select %broadcast_in_dim3A_1269, %broadcast_in_dim3A_1271, %select_n3A_1262 : vector<4x64x128xi1>, vector<4x64x128xi32>
    %broadcast_in_dim3A_1273 = vector.shape_cast %shift_left3A_1179 : vector<4x128xi32> to vector<4x1x128xi32>
    %broadcast_in_dim3A_1274 = vector.shape_cast %broadcast_in_dim3A_1273 : vector<4x1x128xi32> to vector<4x1x128xi32>
    %broadcast_in_dim3A_1275 = vector.broadcast %broadcast_in_dim3A_1274 : vector<4x1x128xi32> to vector<4x64x128xi32>
    %shift_left3A_1276 = arith.shli %select_n3A_1272, %broadcast_in_dim3A_1275 : vector<4x64x128xi32>
    %and3A_1277 = arith.constant -65536 : i32
    %and3A_1278 = vector.broadcast %and3A_1277 : i32 to vector<4x64x128xi32>
    %and3A_1279 = arith.andi %shift_left3A_1276, %and3A_1278 : vector<4x64x128xi32>
    %bitcast_convert_type3A_1280 = tpu.bitcast %and3A_1279 : vector<4x64x128xi32> -> vector<4x64x128xf32>
    %get3A_1281 = arith.constant 32 : index
    %get3A_1282 = arith.constant 0 : index
    %get3A_1283 = arith.constant 0 : index
    %get3A_1284 = vector.load %arg2[%get3A_1281, %get3A_1282, %get3A_1283] : memref<40x64x128xf32, #tpu.memory_space<vmem>>, vector<4x64x128xf32>
    %mul3A_1285 = vector.broadcast %tanh3A : f32 to vector<4x64x128xf32>
    %mul3A_1286 = arith.mulf %mul3A_1285, %bitcast_convert_type3A_1280 : vector<4x64x128xf32>
    %add3A_1287 = arith.addf %get3A_1284, %mul3A_1286 : vector<4x64x128xf32>
    %swap3A_1288 = arith.constant 32 : index
    %swap3A_1289 = arith.constant 0 : index
    %swap3A_1290 = arith.constant 0 : index
    %swap3A_1291 = vector.load %arg6[%swap3A_1288, %swap3A_1289, %swap3A_1290] : memref<40x64x128xf32, #tpu.memory_space<vmem>>, vector<4x64x128xf32>
    tpu.vector_store %arg6[%swap3A_1288, %swap3A_1289, %swap3A_1290], %add3A_1287 {strides = array<i32>} : memref<40x64x128xf32, #tpu.memory_space<vmem>>, vector<4x64x128xf32>,
    %get3A_1292 = arith.constant 36 : index
    %get3A_1293 = arith.constant 0 : index
    %get3A_1294 = vector.load %arg3[%get3A_1292, %get3A_1293] : memref<40x128xi32, #tpu.memory_space<vmem>>, vector<4x128xi32>
    %shift_right_arithmetic3A_1295 = arith.constant 1 : i32
    %shift_right_arithmetic3A_1296 = vector.broadcast %shift_right_arithmetic3A_1295 : i32 to vector<4x128xi32>
    %shift_right_arithmetic3A_1297 = arith.shrsi %get3A_1294, %shift_right_arithmetic3A_1296 : vector<4x128xi32>
    %and3A_1298 = arith.constant 1 : i32
    %and3A_1299 = vector.broadcast %and3A_1298 : i32 to vector<4x128xi32>
    %and3A_1300 = arith.andi %get3A_1294, %and3A_1299 : vector<4x128xi32>
    %xor3A_1301 = arith.constant 1 : i32
    %xor3A_1302 = vector.broadcast %xor3A_1301 : i32 to vector<4x128xi32>
    %xor3A_1303 = arith.xori %and3A_1300, %xor3A_1302 : vector<4x128xi32>
    %shift_left3A_1304 = arith.constant 4 : i32
    %shift_left3A_1305 = vector.broadcast %shift_left3A_1304 : i32 to vector<4x128xi32>
    %shift_left3A_1306 = arith.shli %xor3A_1303, %shift_left3A_1305 : vector<4x128xi32>
    %broadcast_in_dim3A_1307 = vector.shape_cast %or3A : vector<64x128xi32> to vector<1x64x128xi32>
    %broadcast_in_dim3A_1308 = vector.shape_cast %broadcast_in_dim3A_1307 : vector<1x64x128xi32> to vector<1x64x128xi32>
    %broadcast_in_dim3A_1309 = vector.broadcast %broadcast_in_dim3A_1308 : vector<1x64x128xi32> to vector<4x64x128xi32>
    %eq3A_1310 = arith.constant 1 : i32
    %eq3A_1311 = vector.broadcast %eq3A_1310 : i32 to vector<4x128xi32>
    %eq3A_1312 = arith.cmpi eq, %shift_right_arithmetic3A_1297, %eq3A_1311 : vector<4x128xi32>
    %broadcast_in_dim3A_1313 = vector.shape_cast %eq3A_1312 : vector<4x128xi1> to vector<4x1x128xi1>
    %broadcast_in_dim3A_1314 = vector.shape_cast %or3A_31 : vector<64x128xi32> to vector<1x64x128xi32>
    %broadcast_in_dim3A_1315 = vector.shape_cast %broadcast_in_dim3A_1313 : vector<4x1x128xi1> to vector<4x1x128xi1>
    %broadcast_in_dim3A_1316 = vector.broadcast %broadcast_in_dim3A_1315 : vector<4x1x128xi1> to vector<4x64x128xi1>
    %broadcast_in_dim3A_1317 = vector.shape_cast %broadcast_in_dim3A_1314 : vector<1x64x128xi32> to vector<1x64x128xi32>
    %broadcast_in_dim3A_1318 = vector.broadcast %broadcast_in_dim3A_1317 : vector<1x64x128xi32> to vector<4x64x128xi32>
    %select_n3A_1319 = arith.select %broadcast_in_dim3A_1316, %broadcast_in_dim3A_1318, %broadcast_in_dim3A_1309 : vector<4x64x128xi1>, vector<4x64x128xi32>
    %eq3A_1320 = arith.constant 2 : i32
    %eq3A_1321 = vector.broadcast %eq3A_1320 : i32 to vector<4x128xi32>
    %eq3A_1322 = arith.cmpi eq, %shift_right_arithmetic3A_1297, %eq3A_1321 : vector<4x128xi32>
    %broadcast_in_dim3A_1323 = vector.shape_cast %eq3A_1322 : vector<4x128xi1> to vector<4x1x128xi1>
    %broadcast_in_dim3A_1324 = vector.shape_cast %or3A_46 : vector<64x128xi32> to vector<1x64x128xi32>
    %broadcast_in_dim3A_1325 = vector.shape_cast %broadcast_in_dim3A_1323 : vector<4x1x128xi1> to vector<4x1x128xi1>
    %broadcast_in_dim3A_1326 = vector.broadcast %broadcast_in_dim3A_1325 : vector<4x1x128xi1> to vector<4x64x128xi1>
    %broadcast_in_dim3A_1327 = vector.shape_cast %broadcast_in_dim3A_1324 : vector<1x64x128xi32> to vector<1x64x128xi32>
    %broadcast_in_dim3A_1328 = vector.broadcast %broadcast_in_dim3A_1327 : vector<1x64x128xi32> to vector<4x64x128xi32>
    %select_n3A_1329 = arith.select %broadcast_in_dim3A_1326, %broadcast_in_dim3A_1328, %select_n3A_1319 : vector<4x64x128xi1>, vector<4x64x128xi32>
    %eq3A_1330 = arith.constant 3 : i32
    %eq3A_1331 = vector.broadcast %eq3A_1330 : i32 to vector<4x128xi32>
    %eq3A_1332 = arith.cmpi eq, %shift_right_arithmetic3A_1297, %eq3A_1331 : vector<4x128xi32>
    %broadcast_in_dim3A_1333 = vector.shape_cast %eq3A_1332 : vector<4x128xi1> to vector<4x1x128xi1>
    %broadcast_in_dim3A_1334 = vector.shape_cast %or3A_61 : vector<64x128xi32> to vector<1x64x128xi32>
    %broadcast_in_dim3A_1335 = vector.shape_cast %broadcast_in_dim3A_1333 : vector<4x1x128xi1> to vector<4x1x128xi1>
    %broadcast_in_dim3A_1336 = vector.broadcast %broadcast_in_dim3A_1335 : vector<4x1x128xi1> to vector<4x64x128xi1>
    %broadcast_in_dim3A_1337 = vector.shape_cast %broadcast_in_dim3A_1334 : vector<1x64x128xi32> to vector<1x64x128xi32>
    %broadcast_in_dim3A_1338 = vector.broadcast %broadcast_in_dim3A_1337 : vector<1x64x128xi32> to vector<4x64x128xi32>
    %select_n3A_1339 = arith.select %broadcast_in_dim3A_1336, %broadcast_in_dim3A_1338, %select_n3A_1329 : vector<4x64x128xi1>, vector<4x64x128xi32>
    %eq3A_1340 = arith.constant 4 : i32
    %eq3A_1341 = vector.broadcast %eq3A_1340 : i32 to vector<4x128xi32>
    %eq3A_1342 = arith.cmpi eq, %shift_right_arithmetic3A_1297, %eq3A_1341 : vector<4x128xi32>
    %broadcast_in_dim3A_1343 = vector.shape_cast %eq3A_1342 : vector<4x128xi1> to vector<4x1x128xi1>
    %broadcast_in_dim3A_1344 = vector.shape_cast %or3A_76 : vector<64x128xi32> to vector<1x64x128xi32>
    %broadcast_in_dim3A_1345 = vector.shape_cast %broadcast_in_dim3A_1343 : vector<4x1x128xi1> to vector<4x1x128xi1>
    %broadcast_in_dim3A_1346 = vector.broadcast %broadcast_in_dim3A_1345 : vector<4x1x128xi1> to vector<4x64x128xi1>
    %broadcast_in_dim3A_1347 = vector.shape_cast %broadcast_in_dim3A_1344 : vector<1x64x128xi32> to vector<1x64x128xi32>
    %broadcast_in_dim3A_1348 = vector.broadcast %broadcast_in_dim3A_1347 : vector<1x64x128xi32> to vector<4x64x128xi32>
    %select_n3A_1349 = arith.select %broadcast_in_dim3A_1346, %broadcast_in_dim3A_1348, %select_n3A_1339 : vector<4x64x128xi1>, vector<4x64x128xi32>
    %eq3A_1350 = arith.constant 5 : i32
    %eq3A_1351 = vector.broadcast %eq3A_1350 : i32 to vector<4x128xi32>
    %eq3A_1352 = arith.cmpi eq, %shift_right_arithmetic3A_1297, %eq3A_1351 : vector<4x128xi32>
    %broadcast_in_dim3A_1353 = vector.shape_cast %eq3A_1352 : vector<4x128xi1> to vector<4x1x128xi1>
    %broadcast_in_dim3A_1354 = vector.shape_cast %or3A_91 : vector<64x128xi32> to vector<1x64x128xi32>
    %broadcast_in_dim3A_1355 = vector.shape_cast %broadcast_in_dim3A_1353 : vector<4x1x128xi1> to vector<4x1x128xi1>
    %broadcast_in_dim3A_1356 = vector.broadcast %broadcast_in_dim3A_1355 : vector<4x1x128xi1> to vector<4x64x128xi1>
    %broadcast_in_dim3A_1357 = vector.shape_cast %broadcast_in_dim3A_1354 : vector<1x64x128xi32> to vector<1x64x128xi32>
    %broadcast_in_dim3A_1358 = vector.broadcast %broadcast_in_dim3A_1357 : vector<1x64x128xi32> to vector<4x64x128xi32>
    %select_n3A_1359 = arith.select %broadcast_in_dim3A_1356, %broadcast_in_dim3A_1358, %select_n3A_1349 : vector<4x64x128xi1>, vector<4x64x128xi32>
    %eq3A_1360 = arith.constant 6 : i32
    %eq3A_1361 = vector.broadcast %eq3A_1360 : i32 to vector<4x128xi32>
    %eq3A_1362 = arith.cmpi eq, %shift_right_arithmetic3A_1297, %eq3A_1361 : vector<4x128xi32>
    %broadcast_in_dim3A_1363 = vector.shape_cast %eq3A_1362 : vector<4x128xi1> to vector<4x1x128xi1>
    %broadcast_in_dim3A_1364 = vector.shape_cast %or3A_106 : vector<64x128xi32> to vector<1x64x128xi32>
    %broadcast_in_dim3A_1365 = vector.shape_cast %broadcast_in_dim3A_1363 : vector<4x1x128xi1> to vector<4x1x128xi1>
    %broadcast_in_dim3A_1366 = vector.broadcast %broadcast_in_dim3A_1365 : vector<4x1x128xi1> to vector<4x64x128xi1>
    %broadcast_in_dim3A_1367 = vector.shape_cast %broadcast_in_dim3A_1364 : vector<1x64x128xi32> to vector<1x64x128xi32>
    %broadcast_in_dim3A_1368 = vector.broadcast %broadcast_in_dim3A_1367 : vector<1x64x128xi32> to vector<4x64x128xi32>
    %select_n3A_1369 = arith.select %broadcast_in_dim3A_1366, %broadcast_in_dim3A_1368, %select_n3A_1359 : vector<4x64x128xi1>, vector<4x64x128xi32>
    %eq3A_1370 = arith.constant 7 : i32
    %eq3A_1371 = vector.broadcast %eq3A_1370 : i32 to vector<4x128xi32>
    %eq3A_1372 = arith.cmpi eq, %shift_right_arithmetic3A_1297, %eq3A_1371 : vector<4x128xi32>
    %broadcast_in_dim3A_1373 = vector.shape_cast %eq3A_1372 : vector<4x128xi1> to vector<4x1x128xi1>
    %broadcast_in_dim3A_1374 = vector.shape_cast %or3A_121 : vector<64x128xi32> to vector<1x64x128xi32>
    %broadcast_in_dim3A_1375 = vector.shape_cast %broadcast_in_dim3A_1373 : vector<4x1x128xi1> to vector<4x1x128xi1>
    %broadcast_in_dim3A_1376 = vector.broadcast %broadcast_in_dim3A_1375 : vector<4x1x128xi1> to vector<4x64x128xi1>
    %broadcast_in_dim3A_1377 = vector.shape_cast %broadcast_in_dim3A_1374 : vector<1x64x128xi32> to vector<1x64x128xi32>
    %broadcast_in_dim3A_1378 = vector.broadcast %broadcast_in_dim3A_1377 : vector<1x64x128xi32> to vector<4x64x128xi32>
    %select_n3A_1379 = arith.select %broadcast_in_dim3A_1376, %broadcast_in_dim3A_1378, %select_n3A_1369 : vector<4x64x128xi1>, vector<4x64x128xi32>
    %eq3A_1380 = arith.constant 8 : i32
    %eq3A_1381 = vector.broadcast %eq3A_1380 : i32 to vector<4x128xi32>
    %eq3A_1382 = arith.cmpi eq, %shift_right_arithmetic3A_1297, %eq3A_1381 : vector<4x128xi32>
    %broadcast_in_dim3A_1383 = vector.shape_cast %eq3A_1382 : vector<4x128xi1> to vector<4x1x128xi1>
    %broadcast_in_dim3A_1384 = vector.shape_cast %or3A_136 : vector<64x128xi32> to vector<1x64x128xi32>
    %broadcast_in_dim3A_1385 = vector.shape_cast %broadcast_in_dim3A_1383 : vector<4x1x128xi1> to vector<4x1x128xi1>
    %broadcast_in_dim3A_1386 = vector.broadcast %broadcast_in_dim3A_1385 : vector<4x1x128xi1> to vector<4x64x128xi1>
    %broadcast_in_dim3A_1387 = vector.shape_cast %broadcast_in_dim3A_1384 : vector<1x64x128xi32> to vector<1x64x128xi32>
    %broadcast_in_dim3A_1388 = vector.broadcast %broadcast_in_dim3A_1387 : vector<1x64x128xi32> to vector<4x64x128xi32>
    %select_n3A_1389 = arith.select %broadcast_in_dim3A_1386, %broadcast_in_dim3A_1388, %select_n3A_1379 : vector<4x64x128xi1>, vector<4x64x128xi32>
    %eq3A_1390 = arith.constant 9 : i32
    %eq3A_1391 = vector.broadcast %eq3A_1390 : i32 to vector<4x128xi32>
    %eq3A_1392 = arith.cmpi eq, %shift_right_arithmetic3A_1297, %eq3A_1391 : vector<4x128xi32>
    %broadcast_in_dim3A_1393 = vector.shape_cast %eq3A_1392 : vector<4x128xi1> to vector<4x1x128xi1>
    %broadcast_in_dim3A_1394 = vector.shape_cast %or3A_151 : vector<64x128xi32> to vector<1x64x128xi32>
    %broadcast_in_dim3A_1395 = vector.shape_cast %broadcast_in_dim3A_1393 : vector<4x1x128xi1> to vector<4x1x128xi1>
    %broadcast_in_dim3A_1396 = vector.broadcast %broadcast_in_dim3A_1395 : vector<4x1x128xi1> to vector<4x64x128xi1>
    %broadcast_in_dim3A_1397 = vector.shape_cast %broadcast_in_dim3A_1394 : vector<1x64x128xi32> to vector<1x64x128xi32>
    %broadcast_in_dim3A_1398 = vector.broadcast %broadcast_in_dim3A_1397 : vector<1x64x128xi32> to vector<4x64x128xi32>
    %select_n3A_1399 = arith.select %broadcast_in_dim3A_1396, %broadcast_in_dim3A_1398, %select_n3A_1389 : vector<4x64x128xi1>, vector<4x64x128xi32>
    %broadcast_in_dim3A_1400 = vector.shape_cast %shift_left3A_1306 : vector<4x128xi32> to vector<4x1x128xi32>
    %broadcast_in_dim3A_1401 = vector.shape_cast %broadcast_in_dim3A_1400 : vector<4x1x128xi32> to vector<4x1x128xi32>
    %broadcast_in_dim3A_1402 = vector.broadcast %broadcast_in_dim3A_1401 : vector<4x1x128xi32> to vector<4x64x128xi32>
    %shift_left3A_1403 = arith.shli %select_n3A_1399, %broadcast_in_dim3A_1402 : vector<4x64x128xi32>
    %and3A_1404 = arith.constant -65536 : i32
    %and3A_1405 = vector.broadcast %and3A_1404 : i32 to vector<4x64x128xi32>
    %and3A_1406 = arith.andi %shift_left3A_1403, %and3A_1405 : vector<4x64x128xi32>
    %bitcast_convert_type3A_1407 = tpu.bitcast %and3A_1406 : vector<4x64x128xi32> -> vector<4x64x128xf32>
    %get3A_1408 = arith.constant 36 : index
    %get3A_1409 = arith.constant 0 : index
    %get3A_1410 = arith.constant 0 : index
    %get3A_1411 = vector.load %arg2[%get3A_1408, %get3A_1409, %get3A_1410] : memref<40x64x128xf32, #tpu.memory_space<vmem>>, vector<4x64x128xf32>
    %mul3A_1412 = vector.broadcast %tanh3A : f32 to vector<4x64x128xf32>
    %mul3A_1413 = arith.mulf %mul3A_1412, %bitcast_convert_type3A_1407 : vector<4x64x128xf32>
    %add3A_1414 = arith.addf %get3A_1411, %mul3A_1413 : vector<4x64x128xf32>
    %swap3A_1415 = arith.constant 36 : index
    %swap3A_1416 = arith.constant 0 : index
    %swap3A_1417 = arith.constant 0 : index
    %swap3A_1418 = vector.load %arg6[%swap3A_1415, %swap3A_1416, %swap3A_1417] : memref<40x64x128xf32, #tpu.memory_space<vmem>>, vector<4x64x128xf32>
    tpu.vector_store %arg6[%swap3A_1415, %swap3A_1416, %swap3A_1417], %add3A_1414 {strides = array<i32>} : memref<40x64x128xf32, #tpu.memory_space<vmem>>, vector<4x64x128xf32>,
    return
  }
  func.func @transform_0(%arg0: i32, %arg1: i32) -> (i32, i32, i32) {
    %c0_i32 = arith.constant 0 : i32
    %c0_i32_0 = arith.constant 0 : i32
    return %arg1, %c0_i32, %arg0 : i32, i32, i32
  }
  func.func @transform_1(%arg0: i32, %arg1: i32) -> (i32, i32) {
    %c0_i32 = arith.constant 0 : i32
    return %arg1, %arg0 : i32, i32
  }
  func.func @transform_2(%arg0: i32, %arg1: i32) -> (i32, i32, i32) {
    %c0_i32 = arith.constant 0 : i32
    %c0_i32_0 = arith.constant 0 : i32
    %c0_i32_1 = arith.constant 0 : i32
    return %c0_i32, %arg0, %c0_i32_0 : i32, i32, i32
  }
  func.func @transform_3(%arg0: i32, %arg1: i32) -> (i32, i32) {
    %c0_i32 = arith.constant 0 : i32
    %c0_i32_0 = arith.constant 0 : i32
    %c0_i32_1 = arith.constant 0 : i32
    return %c0_i32, %c0_i32_0 : i32, i32
  }
  func.func @transform_4(%arg0: i32, %arg1: i32) -> (i32, i32, i32) {
    %c0_i32 = arith.constant 0 : i32
    %c0_i32_0 = arith.constant 0 : i32
    return %arg1, %c0_i32, %arg0 : i32, i32, i32
  }
}

</mosaic_0001>

<sc_bundles>
// kernel: kernel.5.cloned.1.call-start
scs
__scs_entry_jumppad:
0x0: {  	(pc) =	sbr.rel $0x88, $3  }
0x1: {  	(tag) =	ssettag $0x0;
	lr =	simm.s32 $0x1  }
0x2: {  	[smem:$0x3F9B] =	sst lr;
	_ =	strace $0xD0000000  }
0x3: {  	_ = 	snop  }
0x4: {  	_ = 	snop  }
0x5: {  	_ = 	snop  }
0x6: {  	_ = 	snop  }
0x7: {  	_ = 	snop  }
__scs_overlays_trampoline_lowered:
0x8: {  	[smem:$0x3FAA] =	sst s0  }
0x9: {  	[smem:$0x3FAB] =	sst s1  }
0xa: {  	[smem:$0x3FAC] =	sst s2  }
0xb: {  	[smem:$0x3FAD] =	sst s3  }
0xc: {  	[smem:$0x3FAE] =	sst s4  }
0xd: {  	[smem:$0x3FAF] =	sst s5  }
0xe: {  	[smem:$0x3FB0] =	sst s6  }
0xf: {  	[smem:$0x3FB1] =	sst s7  }
0x10: {  	[smem:$0x3FB2] =	sst s8  }
0x11: {  	[smem:$0x3FB3] =	sst s9;
	s0 =	simm.s32 @!p0 $0x0  }
0x12: {  	s1 =	sld [smem:$0x3F99];
	s0 =	simm.s32 @p0 $0x1  }
0x13: {  	[smem:$0x3FB4] =	sst s0;
	s0 =	simm.s32 @!p1 $0x0  }
0x14: {  	s2 =	sld [smem:$0x3F98];
	s0 =	simm.s32 @p1 $0x1  }
0x15: {  	[smem:$0x3FB5] =	sst s0;
	s0 =	simm.s32 @!p2 $0x0  }
0x16: {  	s3 =	sld [smem:$0x3FDB];
	s0 =	simm.s32 @p2 $0x1  }
0x17: {  	s4 =	simm.s32 $0x1BF5;
	[smem:$0x3FB7] =	sst s0  }
0x18: {  	s0 =	sld [smem:$0x3F9A];
	_ =	swait.ge [sflag:s4], $0x0  }
0x19: {  	s7 =	sld [smem:$0x3F9B]  }
0x1a: {  	s8 =	sadd.s32 $0xFFFFE003, lr  }
0x1b: {  	s9 =	sadd.s32 $0xFFFFFEF7, lr;
	s5 =	simm.s32 $0xFFFFFFFF;
	p2 =	slt.u32 s8, $0xFFFFF086  }
0x1c: {  	p1 =	slt.u32 s9, $0xF7A;
	s5 =	simm.s32 @!p2 $0x0  }
0x1d: {  	s5 =	simm.s32 @p1 $0x1;
	p0 =	seq.s32 s7, s2  }
0x1e: {  	s7 =	smul.u32 @!p0 $0xF7A, s2;
	p2 =	seq.s32 @!p0 s5, $0x0  }
0x1f: {  	s9 =	smul.u32 $0xF7A, s1;
	s8 =	simm.s32 @!p0 $0x1BF5;
	p2 =	por !p2, p0  }
0x20: {  	[sflag:s8] =	ssyncset.s32 @!p0 $0xFFFFF086;
	s6 =	sadd.s32 @!p0 s3, s7;
	s7 =	simm.s32 @!p0 $0x108  }
0x21: {  	s3 =	sadd.s32 s3, s9;
	s6 =	sadd.s32 @!p0 $0x88, s6;
	s7 =	simm.s32 @p2 $0x1082  }
0x22: {  	[simem:s7], [sflag:s8] =	dma.local @!p0 [hbm:s6], $0xF7A  }
0x23: {  	s9 =	sor.u32 $0xD0000000, s2;
	s6 =	simm.s32 $0x108;
	_ =	swait.ge @!p0 [sflag:s8], $0x0  }
0x24: {  	s3 =	sadd.s32 $0x88, s3;
	s6 =	simm.s32 @!p1 $0x1082;
	[sflag:s4] =	ssyncset.s32 $0xFFFFF086  }
0x25: {  	[simem:s6], [sflag:s4] =	dma.local [hbm:s3], $0xF7A  }
0x26: {  	[smem:$0x3F9B] =	sst s1;
	(tag) =	ssettag s2;
	_ =	strace s9  }
0x27: {  	s1 =	sld [smem:$0x3FAB]  }
0x28: {  	s2 =	sld [smem:$0x3FAC]  }
0x29: {  	s4 =	sld [smem:$0x3FAE]  }
0x2a: {  	p0 =	seq.s32 s5, $0x0;
	s5 =	sld [smem:$0x3FAF]  }
0x2b: {  	s6 =	sld [smem:$0x3FB0]  }
0x2c: {  	s7 =	sld [smem:$0x3FB1]  }
0x2d: {  	s3 =	simm.s32 $0x108;
	s8 =	sld [smem:$0x3FB2]  }
0x2e: {  	s3 =	simm.s32 @!p0 $0x1082;
	s9 =	sld [smem:$0x3FB3]  }
0x2f: {  	lr =	sadd.s32 s0, s3;
	s0 =	sld [smem:$0x3FAA]  }
0x30: {  	s3 =	sld [smem:$0x3FAD]  }
0x31: {  	[smem:$0x3FB6] =	sst s10  }
0x32: {  	s10 =	sld [smem:$0x3FB4];
	_ =	sdelay $0x3  }
0x33: {  	p0 =	seq.s32 s10, $0x1;
	s10 =	sld [smem:$0x3FB6];
	_ =	sdelay $0x3  }
0x34: {  	[smem:$0x3FB6] =	sst s10  }
0x35: {  	s10 =	sld [smem:$0x3FB5];
	_ =	sdelay $0x3  }
0x36: {  	p1 =	seq.s32 s10, $0x1;
	s10 =	sld [smem:$0x3FB6];
	_ =	sdelay $0x3  }
0x37: {  	[smem:$0x3FB6] =	sst s10  }
0x38: {  	s10 =	sld [smem:$0x3FB7]  }
0x39: {  	_ = 	snop;
	(pc) =	sbr.ind lr, $3  }
0x3a: {  	_ = 	snop  }
0x3b: {  	_ = 	snop  }
0x3c: {  	p2 =	seq.s32 s10, $0x1;
	s10 =	sld [smem:$0x3FB6]  }
0x3d: {  	_ =	shalt  }
0x3e: {  	_ =	shalt  }
0x3f: {  	_ =	shalt  }
0x40: {  	_ =	shalt  }
0x41: {  	_ =	shalt  }
0x42: {  	_ =	shalt  }
0x43: {  	_ =	shalt  }
0x44: {  	_ =	shalt  }
0x45: {  	_ =	shalt  }
0x46: {  	_ =	shalt  }
0x47: {  	_ =	shalt  }
0x48: {  	_ =	shalt  }
0x49: {  	_ =	shalt  }
0x4a: {  	_ =	shalt  }
0x4b: {  	_ =	shalt  }
0x4c: {  	_ =	shalt  }
0x4d: {  	_ =	shalt  }
0x4e: {  	_ =	shalt  }
0x4f: {  	_ =	shalt  }
0x50: {  	_ =	shalt  }
0x51: {  	_ =	shalt  }
0x52: {  	_ =	shalt  }
0x53: {  	_ =	shalt  }
0x54: {  	_ =	shalt  }
0x55: {  	_ =	shalt  }
0x56: {  	_ =	shalt  }
0x57: {  	_ =	shalt  }
0x58: {  	_ =	shalt  }
0x59: {  	_ =	shalt  }
0x5a: {  	_ =	shalt  }
0x5b: {  	_ =	shalt  }
0x5c: {  	_ =	shalt  }
0x5d: {  	_ =	shalt  }
0x5e: {  	_ =	shalt  }
0x5f: {  	_ =	shalt  }
0x60: {  	_ =	shalt  }
0x61: {  	_ =	shalt  }
0x62: {  	_ =	shalt  }
0x63: {  	_ =	shalt  }
0x64: {  	_ =	shalt  }
0x65: {  	_ =	shalt  }
0x66: {  	_ =	shalt  }
0x67: {  	_ =	shalt  }
0x68: {  	_ =	shalt  }
0x69: {  	_ =	shalt  }
0x6a: {  	_ =	shalt  }
0x6b: {  	_ =	shalt  }
0x6c: {  	_ =	shalt  }
0x6d: {  	_ =	shalt  }
0x6e: {  	_ =	shalt  }
0x6f: {  	_ =	shalt  }
0x70: {  	_ =	shalt  }
0x71: {  	_ =	shalt  }
0x72: {  	_ =	shalt  }
0x73: {  	_ =	shalt  }
0x74: {  	_ =	shalt  }
0x75: {  	_ =	shalt  }
0x76: {  	_ =	shalt  }
0x77: {  	_ =	shalt  }
0x78: {  	_ =	shalt  }
0x79: {  	_ =	shalt  }
0x7a: {  	_ =	shalt  }
0x7b: {  	_ =	shalt  }
0x7c: {  	_ =	shalt  }
0x7d: {  	_ =	shalt  }
0x7e: {  	_ =	shalt  }
0x7f: {  	_ =	shalt  }
0x80: {  	_ =	shalt  }
0x81: {  	_ =	shalt  }
0x82: {  	_ =	shalt  }
0x83: {  	_ =	shalt  }
0x84: {  	_ =	shalt  }
0x85: {  	_ =	shalt  }
0x86: {  	_ =	shalt  }
0x87: {  	_ =	shalt  }
.Lfunc_end0:
.L_simem_size_0:
called_computation_lowered:
.L_overlay_start_0:
0x88: {  	s2 =	sld [smem:$0x3FD9]  }
0x89: {  	s3 =	sld [smem:$0x3FFE];
	_ =	sdelay $0x1  }
0x8a: {  	s1 =	srdreg.scid  }
0x8b: {  	s0 =	sand.u32 $0x1, s1  }
0x8c: {  	s17 =	sshll.u32 s0, $0xA;
	s2 =	sadd.s32 s3, s2  }
0x8d: {  	s2 =	sadd.s32 s2, s17  }
0x8e: {  	[smem:$0x3FC2] =	sst s2  }
0x8f: {  	_ = 	snop  }
0x90: {  	s2 =	sld [smem:$0x3FD0];
	(tm) =	ssettm $0x1  }
0x91: {  	s18 =	sld [smem:$0x3FFB];
	_ =	sdelay $0x3  }
0x92: {  	_ =	strace s18  }
0x93: {  	s3 =	sld [smem:$0x3FFC];
	_ =	sdelay $0x3  }
0x94: {  	_ =	strace s3  }
0x95: {  	s3 =	sld [smem:$0x3FFD];
	_ =	sdelay $0x3  }
0x96: {  	_ =	strace s3  }
0x97: {  	_ =	strace $0x8FFFFFFF  }
0x98: {  	s19 =	sld [smem:$0x3FDB];
	_ =	sdelay $0x1  }
0x99: {  	s4 =	simm.s32 $_scs_section_size  }
0x9a: {  	s5 =	simm.s32 $_size__tile_overlayer_lowered;
	s6 =	simm.s32 $_tile_overlayer_lowered  }
0x9b: {  	s22 =	simm.s32 $0x1BFF;
	s21 =	sshll.u32 s6, $0x1;
	s3 =	sadd.s32 s4, s19  }
0x9c: {  	s7 =	simm.s32 $0x0;
	s20 =	sshll.u32 s5, $0x1;
	s5 =	sadd.s32 s21, s3  }
0x9d: {  	[timem:s7], [sflag:s22] =	dma.local [hbm:s5], s20  }
0x9e: {  	_ =	swait.ge [sflag:s22], s20  }
0x9f: {  	s4 =	ssub.s32 $0x0, s20;
	[sflag:s22] =	ssyncset.done $0x0  }
0xa0: {  	[sflag:s22] =	ssyncadd.s32 s4;
	_ =	sdelay $0x1  }
0xa1: {  	s23 =	simm.s32 $0x1B8B  }
0xa2: {  	_ =	swait.ge [sflag:s23], $0x1  }
0xa3: {  	[sflag:s23] =	ssyncset.done $0x0  }
0xa4: {  	s25 =	simm.s32 $0x1B8E;
	s24 =	sld [smem:$0x3FFE];
	[sflag:s23] =	ssyncadd.s32 $0xFFFFFFFF  }
0xa5: {  	s26 =	simm.s32 $execute0_lowered;
	[smem:$0x3FD2] =	sst s25  }
0xa6: {  	s5 =	sshll.u32 s26, $0x1;
	_ =	strace $0x80000046;
	[dreg:$0x1] =	wrdreg $0xFFFFFFFF  }
0xa7: {  	s28 =	simm.s32 $_size_execute0_lowered;
	s3 =	sadd.s32 s3, s5;
	[dreg:$0x0] =	wrdreg $0x0  }
0xa8: {  	s5 =	sshll.u32 s28, $0x1;
	[dreg:$0x2] =	wrdreg s3  }
0xa9: {  	[dreg:$0x3] =	wrdreg s5  }
0xaa: {  	[dreg:$0x4] =	wrdreg $0xC0  }
0xab: {  	_ =	task [dreg:s7], $0x5FFFF  }
0xac: {  	[dreg:$0x1] =	wrdreg $0xFFFFFFFF  }
0xad: {  	[dreg:$0x0] =	wrdreg $0x60  }
0xae: {  	[dreg:$0x2] =	wrdreg s2  }
0xaf: {  	[dreg:$0x3] =	wrdreg s24  }
0xb0: {  	[dreg:$0x4] =	wrdreg $0x9  }
0xb1: {  	_ =	task.clear_ibuf [dreg:s7], $0x5FFFF;
	_ =	strace $0x90000046  }
0xb2: {  	s29 =	simm.s32 $0x9;
	_ =	strace $0x80000048  }
0xb3: {  	_ =	swait.ge [sflag:s29], $0x1  }
0xb4: {  	[sflag:s29] =	ssyncadd.s32 $0xFFFFFFFF  }
0xb5: {  	_ =	strace $0x90000048  }
0xb6: {  	_ =	sfence  }
0xb7: {  	s30 =	sld [smem:$0x0];
	_ =	sdelay $0x2  }
0xb8: {  	s31 =	sshll.u32 s1, $0xD;
	s1 =	sshrl.u32 s1, $0x2  }
0xb9: {  	s3 =	sand.u32 $0x4000, s31;
	s1 =	sadd.s32 s1, s30  }
0xba: {  	s0 =	sor.u32 s3, s0;
	s1 =	sshll.u32 s1, $0x11  }
0xbb: {  	s0 =	sor.u32 s1, s0  }
0xbc: {  	s0 =	sadd.s32 $0x8F2B, s0  }
0xbd: {  	[sflag:s0] =	ssyncadd.remote.s32 $0x1  }
0xbe: {  	_ =	sfence.sel $0xFFFF  }
0xbf: {  	[dreg:$0x0] =	wrdreg $0xFFFFFFFF;
	(pc) =	sbr.abs _section_cstart, $3  }
0xc0: {  	[dreg:$0x1] =	wrdreg $0xFFFFFFFF  }
0xc1: {  	_ =	task.clear_ibuf [dreg:s7], $0x2FFFF;
	_ =	strace $0x9FFFFFFF  }
0xc2: {  	(tm) =	ssettm $0x7FFFFFFF  }
0xc3: {  	_ =	shalt  }
tec
execute0_lowered:
.L_overlay_start_1:
0x0: {  	(tag) =	ssettag $0x1  }
0x1: {  	s0 =	srdreg.scid  }
0x2: {  	s2 =	stileid.u32;
	s1 =	rddreg [dreg:$0x0]  }
0x3: {  	s4 =	rddreg [dreg:$0x1];
	s22 =	simm.s32 $0x0;
	s8 =	simm.s32 $0x2A00  }
0x4: {  	s29 =	simm.s32 $0x100;
	s9 =	simm.s32 $0x4A00;
	s30 =	simm.s32 $0x180  }
0x5: {  	s10 =	simm.s32 $0x6A00;
	s31 =	simm.s32 $0x200;
	s11 =	simm.s32 $0x8A00  }
0x6: {  	s7 =	simm.s32 $0x40;
	s28 =	simm.s32 $0x480;
	s17 =	simm.s32 $0x500  }
0x7: {  	s18 =	simm.s32 $0x580;
	p0 =	por $0x0, $0x0;
	s12 =	simm.s32 $0x780  }
0x8: {  	s13 =	simm.s32 $0x800;
	s0 =	sand.u32 $0x1, s0;
	s2 =	sshll.u32 s2, $0x1  }
0x9: {  	s14 =	simm.s32 $0x880;
	s15 =	simm.s32 $0x900;
	s2 =	sor.u32 s0, s2  }
0xa: {  	s16 =	simm.s32 $0x980;
	[smem:$0x7FF] =	sst s22;
	s5 =	smul.u32 $0x140, s2  }
0xb: {  	s3 =	sadd.s32 $0x800, s4;
	s0 =	ssub.s32 $0x2, s0;
	s6 =	smul.u32 $0x50000, s2  }
0xc: {  	s4 =	sadd.s32 $0x7C0800, s4;
	s2 =	smul.u32 $0xA000, s2;
	s24 =	sshrl.u32 s0, $0x1  }
0xd: {  	_ =	strace $0x80000047;
	s0 =	ssub.s32 s0, s24;
	s24 =	simm.s32 $0x300  }
0xe: {  	s1 =	sadd.s32 s1, s5;
	s19 =	sshrl.u32 s6, $0x3;
	s20 =	sadd.s32 s4, s2  }
0xf: {  	s0 =	smax.u32 s0, $0x1;
	s2 =	simm.s32 $0x2;
	s5 =	simm.s32 $0xA00  }
0x10: {  	s6 =	simm.s32 $0x1;
	[dreg:$0x3] =	wrdreg s1;
	s21 =	sadd.s32 s4, s19  }
0x11: {  	[dreg:$0x4] =	wrdreg s20;
	p1 =	sne.s32 s0, $0x1;
	s1 =	sadd.s32 $0xFFFFFFFF, s0  }
.Ltmp0:
0x12: {  	s23 =	sadd.s32 $0x2800, s21;
	s0 =	rddreg [dreg:$0x3];
	(pc) =	sbr.rel @!p1 .LBB2_3-.Ltmp0, $4  }
0x13: {  	s4 =	simm.s32 $0x80;
	s25 =	sadd.s32 $0x5000, s21;
	[dreg:$0x5] =	wrdreg s23  }
0x14: {  	s19 =	simm.s32 $0x600;
	s26 =	sadd.s32 $0x7800, s21;
	[dreg:$0x6] =	wrdreg s25  }
0x15: {  	s20 =	simm.s32 $0x680;
	s21 =	simm.s32 $0x700;
	[dreg:$0x7] =	wrdreg s26  }
0x16: {  	s23 =	simm.s32 $0x280;
	s25 =	simm.s32 $0x380;
	s26 =	simm.s32 $0x400  }
0x17: {  	[tilespmem:s22], [sflag:$0x2] =	stream.linear.gather [hbm4b:s0+s22], $0xA00, $0x38;
	[tilespmem:$0xAA00] =	vst v63  }
0x18: {  	_ =	swait.ge [sflag:s2], $0xA00  }
0x19: {  	[sflag:s2] =	ssyncset.done $0x0  }
0x1a: {  	[sflag:s2] =	ssyncadd.s32 $0xFFFFF600  }
0x1b: {  	[tilespmem:s5], [sflag:$0x1] =	stream.indirect.gather [hbm4b:s3+s4], $0x40, s22, s4, $0xb8;
	[tilespmem:$0xAA00] =	vst v63  }
0x1c: {  	_ = 	snop  }
0x1d: {  	[tilespmem:s8], [sflag:$0x1] =	stream.indirect.gather [hbm4b:s3+s4], $0x40, s4, s4, $0xb8;
	[tilespmem:$0xAA00] =	vst v63  }
0x1e: {  	_ = 	snop  }
0x1f: {  	[tilespmem:s9], [sflag:$0x1] =	stream.indirect.gather [hbm4b:s3+s4], $0x40, s29, s4, $0xb8;
	[tilespmem:$0xAA00] =	vst v63  }
0x20: {  	_ = 	snop  }
0x21: {  	[tilespmem:s10], [sflag:$0x1] =	stream.indirect.gather [hbm4b:s3+s4], $0x40, s30, s4, $0xb8;
	[tilespmem:$0xAA00] =	vst v63  }
0x22: {  	_ = 	snop  }
0x23: {  	[tilespmem:s11], [sflag:$0x1] =	stream.indirect.gather [hbm4b:s3+s4], $0x40, s31, s4, $0xb8;
	[tilespmem:$0xAA00] =	vst v63  }
0x24: {  	_ =	swait.ge [sflag:s6], $0x2000  }
0x25: {  	[sflag:s6] =	ssyncset.done $0x0  }
0x26: {  	[sflag:s6] =	ssyncadd.s32 $0xFFFFE000  }
0x27: {  	_ =	swait.ge [sflag:s6], $0x2000  }
0x28: {  	[sflag:s6] =	ssyncset.done $0x0  }
0x29: {  	[sflag:s6] =	ssyncadd.s32 $0xFFFFE000  }
0x2a: {  	_ =	swait.ge [sflag:s6], $0x2000  }
0x2b: {  	[sflag:s6] =	ssyncset.done $0x0  }
0x2c: {  	[sflag:s6] =	ssyncadd.s32 $0xFFFFE000  }
0x2d: {  	_ =	swait.ge [sflag:s6], $0x2000  }
0x2e: {  	[sflag:s6] =	ssyncset.done $0x0  }
0x2f: {  	[sflag:s6] =	ssyncadd.s32 $0xFFFFE000  }
0x30: {  	_ =	swait.ge [sflag:s6], $0x2000  }
0x31: {  	[sflag:s6] =	ssyncset.done $0x0  }
0x32: {  	s0 =	rddreg [dreg:$0x4];
	[sflag:s6] =	ssyncadd.s32 $0xFFFFE000  }
0x33: {  	[hbm4b:s0+s7] =	stream.strided.scatter [tilespmem:s5], [sflag:$0x2], $0xA000, s4, s7, $0x38;
	[tilespmem:$0xAA00] =	vst v63  }
0x34: {  	_ =	swait.ge [sflag:s2], $0xA000  }
0x35: {  	[sflag:s2] =	ssyncset.done $0x0  }
0x36: {  	[sflag:s2] =	ssyncadd.s32 $0xFFFF6000  }
0x37: {  	[tilespmem:s5], [sflag:$0x1] =	stream.indirect.gather [hbm4b:s3+s4], $0x40, s23, s4, $0xb8;
	[tilespmem:$0xAA00] =	vst v63  }
0x38: {  	_ = 	snop  }
0x39: {  	[tilespmem:s8], [sflag:$0x1] =	stream.indirect.gather [hbm4b:s3+s4], $0x40, s24, s4, $0xb8;
	[tilespmem:$0xAA00] =	vst v63  }
0x3a: {  	_ = 	snop  }
0x3b: {  	[tilespmem:s9], [sflag:$0x1] =	stream.indirect.gather [hbm4b:s3+s4], $0x40, s25, s4, $0xb8;
	[tilespmem:$0xAA00] =	vst v63  }
0x3c: {  	_ = 	snop  }
0x3d: {  	[tilespmem:s10], [sflag:$0x1] =	stream.indirect.gather [hbm4b:s3+s4], $0x40, s26, s4, $0xb8;
	[tilespmem:$0xAA00] =	vst v63  }
0x3e: {  	_ = 	snop  }
0x3f: {  	[tilespmem:s11], [sflag:$0x1] =	stream.indirect.gather [hbm4b:s3+s4], $0x40, s28, s4, $0xb8;
	[tilespmem:$0xAA00] =	vst v63  }
0x40: {  	_ =	swait.ge [sflag:s6], $0x2000  }
0x41: {  	[sflag:s6] =	ssyncset.done $0x0  }
0x42: {  	[sflag:s6] =	ssyncadd.s32 $0xFFFFE000  }
0x43: {  	_ =	swait.ge [sflag:s6], $0x2000  }
0x44: {  	[sflag:s6] =	ssyncset.done $0x0  }
0x45: {  	[sflag:s6] =	ssyncadd.s32 $0xFFFFE000  }
0x46: {  	_ =	swait.ge [sflag:s6], $0x2000  }
0x47: {  	[sflag:s6] =	ssyncset.done $0x0  }
0x48: {  	[sflag:s6] =	ssyncadd.s32 $0xFFFFE000  }
0x49: {  	_ =	swait.ge [sflag:s6], $0x2000  }
0x4a: {  	[sflag:s6] =	ssyncset.done $0x0  }
0x4b: {  	[sflag:s6] =	ssyncadd.s32 $0xFFFFE000  }
0x4c: {  	_ =	swait.ge [sflag:s6], $0x2000  }
0x4d: {  	[sflag:s6] =	ssyncset.done $0x0  }
0x4e: {  	s0 =	rddreg [dreg:$0x5];
	[sflag:s6] =	ssyncadd.s32 $0xFFFFE000  }
0x4f: {  	[hbm4b:s0+s7] =	stream.strided.scatter [tilespmem:s5], [sflag:$0x2], $0xA000, s4, s7, $0x38;
	[tilespmem:$0xAA00] =	vst v63  }
0x50: {  	_ =	swait.ge [sflag:s2], $0xA000  }
0x51: {  	[sflag:s2] =	ssyncset.done $0x0  }
0x52: {  	[sflag:s2] =	ssyncadd.s32 $0xFFFF6000  }
0x53: {  	[tilespmem:s5], [sflag:$0x1] =	stream.indirect.gather [hbm4b:s3+s4], $0x40, s17, s4, $0xb8;
	[tilespmem:$0xAA00] =	vst v63  }
0x54: {  	_ = 	snop  }
0x55: {  	[tilespmem:s8], [sflag:$0x1] =	stream.indirect.gather [hbm4b:s3+s4], $0x40, s18, s4, $0xb8;
	[tilespmem:$0xAA00] =	vst v63  }
0x56: {  	_ = 	snop  }
0x57: {  	[tilespmem:s9], [sflag:$0x1] =	stream.indirect.gather [hbm4b:s3+s4], $0x40, s19, s4, $0xb8;
	[tilespmem:$0xAA00] =	vst v63  }
0x58: {  	_ = 	snop  }
0x59: {  	[tilespmem:s10], [sflag:$0x1] =	stream.indirect.gather [hbm4b:s3+s4], $0x40, s20, s4, $0xb8;
	[tilespmem:$0xAA00] =	vst v63  }
0x5a: {  	_ = 	snop  }
0x5b: {  	[tilespmem:s11], [sflag:$0x1] =	stream.indirect.gather [hbm4b:s3+s4], $0x40, s21, s4, $0xb8;
	[tilespmem:$0xAA00] =	vst v63  }
0x5c: {  	_ =	swait.ge [sflag:s6], $0x2000  }
0x5d: {  	[sflag:s6] =	ssyncset.done $0x0  }
0x5e: {  	[sflag:s6] =	ssyncadd.s32 $0xFFFFE000  }
0x5f: {  	_ =	swait.ge [sflag:s6], $0x2000  }
0x60: {  	[sflag:s6] =	ssyncset.done $0x0  }
0x61: {  	[sflag:s6] =	ssyncadd.s32 $0xFFFFE000  }
0x62: {  	_ =	swait.ge [sflag:s6], $0x2000  }
0x63: {  	[sflag:s6] =	ssyncset.done $0x0  }
0x64: {  	[sflag:s6] =	ssyncadd.s32 $0xFFFFE000  }
0x65: {  	_ =	swait.ge [sflag:s6], $0x2000  }
0x66: {  	[sflag:s6] =	ssyncset.done $0x0  }
0x67: {  	[sflag:s6] =	ssyncadd.s32 $0xFFFFE000  }
0x68: {  	_ =	swait.ge [sflag:s6], $0x2000  }
0x69: {  	[sflag:s6] =	ssyncset.done $0x0  }
0x6a: {  	s0 =	rddreg [dreg:$0x6];
	[sflag:s6] =	ssyncadd.s32 $0xFFFFE000  }
0x6b: {  	[hbm4b:s0+s7] =	stream.strided.scatter [tilespmem:s5], [sflag:$0x2], $0xA000, s4, s7, $0x38;
	[tilespmem:$0xAA00] =	vst v63  }
0x6c: {  	_ =	swait.ge [sflag:s2], $0xA000  }
0x6d: {  	[sflag:s2] =	ssyncset.done $0x0  }
0x6e: {  	[sflag:s2] =	ssyncadd.s32 $0xFFFF6000  }
0x6f: {  	[tilespmem:s5], [sflag:$0x1] =	stream.indirect.gather [hbm4b:s3+s4], $0x40, s12, s4, $0xb8;
	[tilespmem:$0xAA00] =	vst v63  }
0x70: {  	_ = 	snop  }
0x71: {  	[tilespmem:s8], [sflag:$0x1] =	stream.indirect.gather [hbm4b:s3+s4], $0x40, s13, s4, $0xb8;
	[tilespmem:$0xAA00] =	vst v63  }
0x72: {  	_ = 	snop  }
0x73: {  	[tilespmem:s9], [sflag:$0x1] =	stream.indirect.gather [hbm4b:s3+s4], $0x40, s14, s4, $0xb8;
	[tilespmem:$0xAA00] =	vst v63  }
0x74: {  	_ = 	snop  }
0x75: {  	[tilespmem:s10], [sflag:$0x1] =	stream.indirect.gather [hbm4b:s3+s4], $0x40, s15, s4, $0xb8;
	[tilespmem:$0xAA00] =	vst v63  }
0x76: {  	_ = 	snop  }
0x77: {  	[tilespmem:s11], [sflag:$0x1] =	stream.indirect.gather [hbm4b:s3+s4], $0x40, s16, s4, $0xb8;
	[tilespmem:$0xAA00] =	vst v63  }
0x78: {  	_ =	swait.ge [sflag:s6], $0x2000  }
0x79: {  	[sflag:s6] =	ssyncset.done $0x0  }
0x7a: {  	[sflag:s6] =	ssyncadd.s32 $0xFFFFE000  }
0x7b: {  	_ =	swait.ge [sflag:s6], $0x2000  }
0x7c: {  	[sflag:s6] =	ssyncset.done $0x0  }
0x7d: {  	[sflag:s6] =	ssyncadd.s32 $0xFFFFE000  }
0x7e: {  	_ =	swait.ge [sflag:s6], $0x2000  }
0x7f: {  	[sflag:s6] =	ssyncset.done $0x0  }
0x80: {  	[sflag:s6] =	ssyncadd.s32 $0xFFFFE000  }
0x81: {  	_ =	swait.ge [sflag:s6], $0x2000  }
0x82: {  	[sflag:s6] =	ssyncset.done $0x0  }
0x83: {  	[sflag:s6] =	ssyncadd.s32 $0xFFFFE000  }
0x84: {  	p1 =	sne.s32 s1, $0x1;
	_ =	swait.ge [sflag:s6], $0x2000  }
.Ltmp1:
0x85: {  	[sflag:s6] =	ssyncset.done $0x0;
	(pc) =	sbr.rel @!p1 .LBB2_3-.Ltmp1, $4  }
0x86: {  	s0 =	rddreg [dreg:$0x7];
	[sflag:s6] =	ssyncadd.s32 $0xFFFFE000  }
0x87: {  	[hbm4b:s0+s7] =	stream.strided.scatter [tilespmem:s5], [sflag:$0x2], $0xA000, s4, s7, $0x38;
	[tilespmem:$0xAA00] =	vst v63  }
0x88: {  	s1 =	sadd.s32 $0xFFFFFFFF, s1;
	_ =	swait.ge [sflag:s2], $0xA000  }
0x89: {  	p0 =	por $0x1, $0x1;
	s0 =	rddreg [dreg:$0x3];
	[sflag:s2] =	ssyncset.done $0x0  }
.LBB2_2:
0x8a: {  	[sflag:s2] =	ssyncadd.s32 $0xFFFF6000  }
0x8b: {  	[tilespmem:s22], [sflag:$0x2] =	stream.linear.gather [hbm4b:s0+s22], $0xA00, $0x38;
	[tilespmem:$0xAA00] =	vst v63  }
0x8c: {  	_ =	swait.ge [sflag:s2], $0xA00  }
0x8d: {  	[sflag:s2] =	ssyncset.done $0x0  }
0x8e: {  	[sflag:s2] =	ssyncadd.s32 $0xFFFFF600  }
0x8f: {  	[tilespmem:s5], [sflag:$0x1] =	stream.indirect.gather [hbm4b:s3+s4], $0x40, s22, s4, $0xb8;
	[tilespmem:$0xAA00] =	vst v63  }
0x90: {  	_ = 	snop  }
0x91: {  	[tilespmem:s8], [sflag:$0x1] =	stream.indirect.gather [hbm4b:s3+s4], $0x40, s4, s4, $0xb8;
	[tilespmem:$0xAA00] =	vst v63  }
0x92: {  	_ = 	snop  }
0x93: {  	[tilespmem:s9], [sflag:$0x1] =	stream.indirect.gather [hbm4b:s3+s4], $0x40, s29, s4, $0xb8;
	[tilespmem:$0xAA00] =	vst v63  }
0x94: {  	_ = 	snop  }
0x95: {  	[tilespmem:s10], [sflag:$0x1] =	stream.indirect.gather [hbm4b:s3+s4], $0x40, s30, s4, $0xb8;
	[tilespmem:$0xAA00] =	vst v63  }
0x96: {  	_ = 	snop  }
0x97: {  	[tilespmem:s11], [sflag:$0x1] =	stream.indirect.gather [hbm4b:s3+s4], $0x40, s31, s4, $0xb8;
	[tilespmem:$0xAA00] =	vst v63  }
0x98: {  	_ =	swait.ge [sflag:s6], $0x2000  }
0x99: {  	[sflag:s6] =	ssyncset.done $0x0  }
0x9a: {  	[sflag:s6] =	ssyncadd.s32 $0xFFFFE000  }
0x9b: {  	_ =	swait.ge [sflag:s6], $0x2000  }
0x9c: {  	[sflag:s6] =	ssyncset.done $0x0  }
0x9d: {  	[sflag:s6] =	ssyncadd.s32 $0xFFFFE000  }
0x9e: {  	_ =	swait.ge [sflag:s6], $0x2000  }
0x9f: {  	[sflag:s6] =	ssyncset.done $0x0  }
0xa0: {  	[sflag:s6] =	ssyncadd.s32 $0xFFFFE000  }
0xa1: {  	_ =	swait.ge [sflag:s6], $0x2000  }
0xa2: {  	[sflag:s6] =	ssyncset.done $0x0  }
0xa3: {  	[sflag:s6] =	ssyncadd.s32 $0xFFFFE000  }
0xa4: {  	_ =	swait.ge [sflag:s6], $0x2000  }
0xa5: {  	[sflag:s6] =	ssyncset.done $0x0  }
0xa6: {  	s0 =	rddreg [dreg:$0x4];
	[sflag:s6] =	ssyncadd.s32 $0xFFFFE000  }
0xa7: {  	[hbm4b:s0+s7] =	stream.strided.scatter [tilespmem:s5], [sflag:$0x2], $0xA000, s4, s7, $0x38;
	[tilespmem:$0xAA00] =	vst v63  }
0xa8: {  	_ =	swait.ge [sflag:s2], $0xA000  }
0xa9: {  	[sflag:s2] =	ssyncset.done $0x0  }
0xaa: {  	[sflag:s2] =	ssyncadd.s32 $0xFFFF6000  }
0xab: {  	[tilespmem:s5], [sflag:$0x1] =	stream.indirect.gather [hbm4b:s3+s4], $0x40, s23, s4, $0xb8;
	[tilespmem:$0xAA00] =	vst v63  }
0xac: {  	_ = 	snop  }
0xad: {  	[tilespmem:s8], [sflag:$0x1] =	stream.indirect.gather [hbm4b:s3+s4], $0x40, s24, s4, $0xb8;
	[tilespmem:$0xAA00] =	vst v63  }
0xae: {  	_ = 	snop  }
0xaf: {  	[tilespmem:s9], [sflag:$0x1] =	stream.indirect.gather [hbm4b:s3+s4], $0x40, s25, s4, $0xb8;
	[tilespmem:$0xAA00] =	vst v63  }
0xb0: {  	_ = 	snop  }
0xb1: {  	[tilespmem:s10], [sflag:$0x1] =	stream.indirect.gather [hbm4b:s3+s4], $0x40, s26, s4, $0xb8;
	[tilespmem:$0xAA00] =	vst v63  }
0xb2: {  	_ = 	snop  }
0xb3: {  	[tilespmem:s11], [sflag:$0x1] =	stream.indirect.gather [hbm4b:s3+s4], $0x40, s28, s4, $0xb8;
	[tilespmem:$0xAA00] =	vst v63  }
0xb4: {  	_ =	swait.ge [sflag:s6], $0x2000  }
0xb5: {  	[sflag:s6] =	ssyncset.done $0x0  }
0xb6: {  	[sflag:s6] =	ssyncadd.s32 $0xFFFFE000  }
0xb7: {  	_ =	swait.ge [sflag:s6], $0x2000  }
0xb8: {  	[sflag:s6] =	ssyncset.done $0x0  }
0xb9: {  	[sflag:s6] =	ssyncadd.s32 $0xFFFFE000  }
0xba: {  	_ =	swait.ge [sflag:s6], $0x2000  }
0xbb: {  	[sflag:s6] =	ssyncset.done $0x0  }
0xbc: {  	[sflag:s6] =	ssyncadd.s32 $0xFFFFE000  }
0xbd: {  	_ =	swait.ge [sflag:s6], $0x2000  }
0xbe: {  	[sflag:s6] =	ssyncset.done $0x0  }
0xbf: {  	[sflag:s6] =	ssyncadd.s32 $0xFFFFE000  }
0xc0: {  	_ =	swait.ge [sflag:s6], $0x2000  }
0xc1: {  	[sflag:s6] =	ssyncset.done $0x0  }
0xc2: {  	s0 =	rddreg [dreg:$0x5];
	[sflag:s6] =	ssyncadd.s32 $0xFFFFE000  }
0xc3: {  	[hbm4b:s0+s7] =	stream.strided.scatter [tilespmem:s5], [sflag:$0x2], $0xA000, s4, s7, $0x38;
	[tilespmem:$0xAA00] =	vst v63  }
0xc4: {  	_ =	swait.ge [sflag:s2], $0xA000  }
0xc5: {  	[sflag:s2] =	ssyncset.done $0x0  }
0xc6: {  	[sflag:s2] =	ssyncadd.s32 $0xFFFF6000  }
0xc7: {  	[tilespmem:s5], [sflag:$0x1] =	stream.indirect.gather [hbm4b:s3+s4], $0x40, s17, s4, $0xb8;
	[tilespmem:$0xAA00] =	vst v63  }
0xc8: {  	_ = 	snop  }
0xc9: {  	[tilespmem:s8], [sflag:$0x1] =	stream.indirect.gather [hbm4b:s3+s4], $0x40, s18, s4, $0xb8;
	[tilespmem:$0xAA00] =	vst v63  }
0xca: {  	_ = 	snop  }
0xcb: {  	[tilespmem:s9], [sflag:$0x1] =	stream.indirect.gather [hbm4b:s3+s4], $0x40, s19, s4, $0xb8;
	[tilespmem:$0xAA00] =	vst v63  }
0xcc: {  	_ = 	snop  }
0xcd: {  	[tilespmem:s10], [sflag:$0x1] =	stream.indirect.gather [hbm4b:s3+s4], $0x40, s20, s4, $0xb8;
	[tilespmem:$0xAA00] =	vst v63  }
0xce: {  	_ = 	snop  }
0xcf: {  	[tilespmem:s11], [sflag:$0x1] =	stream.indirect.gather [hbm4b:s3+s4], $0x40, s21, s4, $0xb8;
	[tilespmem:$0xAA00] =	vst v63  }
0xd0: {  	_ =	swait.ge [sflag:s6], $0x2000  }
0xd1: {  	[sflag:s6] =	ssyncset.done $0x0  }
0xd2: {  	[sflag:s6] =	ssyncadd.s32 $0xFFFFE000  }
0xd3: {  	_ =	swait.ge [sflag:s6], $0x2000  }
0xd4: {  	[sflag:s6] =	ssyncset.done $0x0  }
0xd5: {  	[sflag:s6] =	ssyncadd.s32 $0xFFFFE000  }
0xd6: {  	_ =	swait.ge [sflag:s6], $0x2000  }
0xd7: {  	[sflag:s6] =	ssyncset.done $0x0  }
0xd8: {  	[sflag:s6] =	ssyncadd.s32 $0xFFFFE000  }
0xd9: {  	_ =	swait.ge [sflag:s6], $0x2000  }
0xda: {  	[sflag:s6] =	ssyncset.done $0x0  }
0xdb: {  	[sflag:s6] =	ssyncadd.s32 $0xFFFFE000  }
0xdc: {  	_ =	swait.ge [sflag:s6], $0x2000  }
0xdd: {  	[sflag:s6] =	ssyncset.done $0x0  }
0xde: {  	s0 =	rddreg [dreg:$0x6];
	[sflag:s6] =	ssyncadd.s32 $0xFFFFE000  }
0xdf: {  	[hbm4b:s0+s7] =	stream.strided.scatter [tilespmem:s5], [sflag:$0x2], $0xA000, s4, s7, $0x38;
	[tilespmem:$0xAA00] =	vst v63  }
0xe0: {  	_ =	swait.ge [sflag:s2], $0xA000  }
0xe1: {  	[sflag:s2] =	ssyncset.done $0x0  }
0xe2: {  	[sflag:s2] =	ssyncadd.s32 $0xFFFF6000  }
0xe3: {  	[tilespmem:s5], [sflag:$0x1] =	stream.indirect.gather [hbm4b:s3+s4], $0x40, s12, s4, $0xb8;
	[tilespmem:$0xAA00] =	vst v63  }
0xe4: {  	_ = 	snop  }
0xe5: {  	[tilespmem:s8], [sflag:$0x1] =	stream.indirect.gather [hbm4b:s3+s4], $0x40, s13, s4, $0xb8;
	[tilespmem:$0xAA00] =	vst v63  }
0xe6: {  	_ = 	snop  }
0xe7: {  	[tilespmem:s9], [sflag:$0x1] =	stream.indirect.gather [hbm4b:s3+s4], $0x40, s14, s4, $0xb8;
	[tilespmem:$0xAA00] =	vst v63  }
0xe8: {  	_ = 	snop  }
0xe9: {  	[tilespmem:s10], [sflag:$0x1] =	stream.indirect.gather [hbm4b:s3+s4], $0x40, s15, s4, $0xb8;
	[tilespmem:$0xAA00] =	vst v63  }
0xea: {  	_ = 	snop  }
0xeb: {  	[tilespmem:s11], [sflag:$0x1] =	stream.indirect.gather [hbm4b:s3+s4], $0x40, s16, s4, $0xb8;
	[tilespmem:$0xAA00] =	vst v63  }
0xec: {  	_ =	swait.ge [sflag:s6], $0x2000  }
0xed: {  	[sflag:s6] =	ssyncset.done $0x0  }
0xee: {  	[sflag:s6] =	ssyncadd.s32 $0xFFFFE000  }
0xef: {  	_ =	swait.ge [sflag:s6], $0x2000  }
0xf0: {  	[sflag:s6] =	ssyncset.done $0x0  }
0xf1: {  	[sflag:s6] =	ssyncadd.s32 $0xFFFFE000  }
0xf2: {  	_ =	swait.ge [sflag:s6], $0x2000  }
0xf3: {  	[sflag:s6] =	ssyncset.done $0x0  }
0xf4: {  	[sflag:s6] =	ssyncadd.s32 $0xFFFFE000  }
0xf5: {  	_ =	swait.ge [sflag:s6], $0x2000  }
0xf6: {  	[sflag:s6] =	ssyncset.done $0x0  }
0xf7: {  	[sflag:s6] =	ssyncadd.s32 $0xFFFFE000  }
0xf8: {  	p1 =	sne.s32 s1, $0x1;
	_ =	swait.ge [sflag:s6], $0x2000  }
.Ltmp2:
0xf9: {  	[sflag:s6] =	ssyncset.done $0x0;
	(pc) =	sbr.rel @p1 .LBB2_2-.Ltmp2, $4  }
0xfa: {  	s0 =	rddreg [dreg:$0x7];
	[sflag:s6] =	ssyncadd.s32 $0xFFFFE000  }
0xfb: {  	[hbm4b:s0+s7] =	stream.strided.scatter [tilespmem:s5], [sflag:$0x2], $0xA000, s4, s7, $0x38;
	[tilespmem:$0xAA00] =	vst v63  }
0xfc: {  	_ =	swait.ge [sflag:s2], $0xA000  }
0xfd: {  	s1 =	sadd.s32 $0xFFFFFFFF, s1;
	s0 =	rddreg [dreg:$0x3];
	[sflag:s2] =	ssyncset.done $0x0  }
.LBB2_3:
0xfe: {  	[sflag:s2] =	ssyncadd.s32 @p0 $0xFFFF6000  }
0xff: {  	[tilespmem:s22], [sflag:$0x2] =	stream.linear.gather [hbm4b:s0+s22], $0xA00, $0x38;
	[tilespmem:$0xAA00] =	vst v63  }
0x100: {  	_ =	swait.ge [sflag:s2], $0xA00  }
0x101: {  	[sflag:s2] =	ssyncset.done $0x0  }
0x102: {  	[sflag:s2] =	ssyncadd.s32 $0xFFFFF600  }
0x103: {  	[tilespmem:s5], [sflag:$0x1] =	stream.indirect.gather [hbm4b:s3+s4], $0x40, s22, s4, $0xb8;
	[tilespmem:$0xAA00] =	vst v63  }
0x104: {  	_ = 	snop  }
0x105: {  	[tilespmem:s8], [sflag:$0x1] =	stream.indirect.gather [hbm4b:s3+s4], $0x40, s4, s4, $0xb8;
	[tilespmem:$0xAA00] =	vst v63  }
0x106: {  	_ = 	snop  }
0x107: {  	[tilespmem:s9], [sflag:$0x1] =	stream.indirect.gather [hbm4b:s3+s4], $0x40, s29, s4, $0xb8;
	[tilespmem:$0xAA00] =	vst v63  }
0x108: {  	_ = 	snop  }
0x109: {  	[tilespmem:s10], [sflag:$0x1] =	stream.indirect.gather [hbm4b:s3+s4], $0x40, s30, s4, $0xb8;
	[tilespmem:$0xAA00] =	vst v63  }
0x10a: {  	_ = 	snop  }
0x10b: {  	[tilespmem:s11], [sflag:$0x1] =	stream.indirect.gather [hbm4b:s3+s4], $0x40, s31, s4, $0xb8;
	[tilespmem:$0xAA00] =	vst v63  }
0x10c: {  	_ =	swait.ge [sflag:s6], $0x2000  }
0x10d: {  	[sflag:s6] =	ssyncset.done $0x0  }
0x10e: {  	[sflag:s6] =	ssyncadd.s32 $0xFFFFE000  }
0x10f: {  	_ =	swait.ge [sflag:s6], $0x2000  }
0x110: {  	[sflag:s6] =	ssyncset.done $0x0  }
0x111: {  	[sflag:s6] =	ssyncadd.s32 $0xFFFFE000  }
0x112: {  	_ =	swait.ge [sflag:s6], $0x2000  }
0x113: {  	[sflag:s6] =	ssyncset.done $0x0  }
0x114: {  	[sflag:s6] =	ssyncadd.s32 $0xFFFFE000  }
0x115: {  	_ =	swait.ge [sflag:s6], $0x2000  }
0x116: {  	[sflag:s6] =	ssyncset.done $0x0  }
0x117: {  	[sflag:s6] =	ssyncadd.s32 $0xFFFFE000  }
0x118: {  	_ =	swait.ge [sflag:s6], $0x2000  }
0x119: {  	[sflag:s6] =	ssyncset.done $0x0  }
0x11a: {  	s22 =	rddreg [dreg:$0x4];
	[sflag:s6] =	ssyncadd.s32 $0xFFFFE000  }
0x11b: {  	[hbm4b:s22+s7] =	stream.strided.scatter [tilespmem:s5], [sflag:$0x2], $0xA000, s4, s7, $0x38;
	[tilespmem:$0xAA00] =	vst v63  }
0x11c: {  	_ =	swait.ge [sflag:s2], $0xA000  }
0x11d: {  	[sflag:s2] =	ssyncset.done $0x0  }
0x11e: {  	[sflag:s2] =	ssyncadd.s32 $0xFFFF6000  }
0x11f: {  	[tilespmem:s5], [sflag:$0x1] =	stream.indirect.gather [hbm4b:s3+s4], $0x40, s23, s4, $0xb8;
	[tilespmem:$0xAA00] =	vst v63  }
0x120: {  	_ = 	snop  }
0x121: {  	[tilespmem:s8], [sflag:$0x1] =	stream.indirect.gather [hbm4b:s3+s4], $0x40, s24, s4, $0xb8;
	[tilespmem:$0xAA00] =	vst v63  }
0x122: {  	_ = 	snop  }
0x123: {  	[tilespmem:s9], [sflag:$0x1] =	stream.indirect.gather [hbm4b:s3+s4], $0x40, s25, s4, $0xb8;
	[tilespmem:$0xAA00] =	vst v63  }
0x124: {  	_ = 	snop  }
0x125: {  	[tilespmem:s10], [sflag:$0x1] =	stream.indirect.gather [hbm4b:s3+s4], $0x40, s26, s4, $0xb8;
	[tilespmem:$0xAA00] =	vst v63  }
0x126: {  	_ = 	snop  }
0x127: {  	[tilespmem:s11], [sflag:$0x1] =	stream.indirect.gather [hbm4b:s3+s4], $0x40, s28, s4, $0xb8;
	[tilespmem:$0xAA00] =	vst v63  }
0x128: {  	_ =	swait.ge [sflag:s6], $0x2000  }
0x129: {  	[sflag:s6] =	ssyncset.done $0x0  }
0x12a: {  	[sflag:s6] =	ssyncadd.s32 $0xFFFFE000  }
0x12b: {  	_ =	swait.ge [sflag:s6], $0x2000  }
0x12c: {  	[sflag:s6] =	ssyncset.done $0x0  }
0x12d: {  	[sflag:s6] =	ssyncadd.s32 $0xFFFFE000  }
0x12e: {  	_ =	swait.ge [sflag:s6], $0x2000  }
0x12f: {  	[sflag:s6] =	ssyncset.done $0x0  }
0x130: {  	[sflag:s6] =	ssyncadd.s32 $0xFFFFE000  }
0x131: {  	_ =	swait.ge [sflag:s6], $0x2000  }
0x132: {  	[sflag:s6] =	ssyncset.done $0x0  }
0x133: {  	[sflag:s6] =	ssyncadd.s32 $0xFFFFE000  }
0x134: {  	_ =	swait.ge [sflag:s6], $0x2000  }
0x135: {  	[sflag:s6] =	ssyncset.done $0x0  }
0x136: {  	s28 =	rddreg [dreg:$0x5];
	[sflag:s6] =	ssyncadd.s32 $0xFFFFE000  }
0x137: {  	[hbm4b:s28+s7] =	stream.strided.scatter [tilespmem:s5], [sflag:$0x2], $0xA000, s4, s7, $0x38;
	[tilespmem:$0xAA00] =	vst v63  }
0x138: {  	_ =	swait.ge [sflag:s2], $0xA000  }
0x139: {  	[sflag:s2] =	ssyncset.done $0x0  }
0x13a: {  	[sflag:s2] =	ssyncadd.s32 $0xFFFF6000  }
0x13b: {  	[tilespmem:s5], [sflag:$0x1] =	stream.indirect.gather [hbm4b:s3+s4], $0x40, s17, s4, $0xb8;
	[tilespmem:$0xAA00] =	vst v63  }
0x13c: {  	_ = 	snop  }
0x13d: {  	[tilespmem:s8], [sflag:$0x1] =	stream.indirect.gather [hbm4b:s3+s4], $0x40, s18, s4, $0xb8;
	[tilespmem:$0xAA00] =	vst v63  }
0x13e: {  	_ = 	snop  }
0x13f: {  	[tilespmem:s9], [sflag:$0x1] =	stream.indirect.gather [hbm4b:s3+s4], $0x40, s19, s4, $0xb8;
	[tilespmem:$0xAA00] =	vst v63  }
0x140: {  	_ = 	snop  }
0x141: {  	[tilespmem:s10], [sflag:$0x1] =	stream.indirect.gather [hbm4b:s3+s4], $0x40, s20, s4, $0xb8;
	[tilespmem:$0xAA00] =	vst v63  }
0x142: {  	_ = 	snop  }
0x143: {  	[tilespmem:s11], [sflag:$0x1] =	stream.indirect.gather [hbm4b:s3+s4], $0x40, s21, s4, $0xb8;
	[tilespmem:$0xAA00] =	vst v63  }
0x144: {  	_ =	swait.ge [sflag:s6], $0x2000  }
0x145: {  	[sflag:s6] =	ssyncset.done $0x0  }
0x146: {  	[sflag:s6] =	ssyncadd.s32 $0xFFFFE000  }
0x147: {  	_ =	swait.ge [sflag:s6], $0x2000  }
0x148: {  	[sflag:s6] =	ssyncset.done $0x0  }
0x149: {  	[sflag:s6] =	ssyncadd.s32 $0xFFFFE000  }
0x14a: {  	_ =	swait.ge [sflag:s6], $0x2000  }
0x14b: {  	[sflag:s6] =	ssyncset.done $0x0  }
0x14c: {  	[sflag:s6] =	ssyncadd.s32 $0xFFFFE000  }
0x14d: {  	_ =	swait.ge [sflag:s6], $0x2000  }
0x14e: {  	[sflag:s6] =	ssyncset.done $0x0  }
0x14f: {  	[sflag:s6] =	ssyncadd.s32 $0xFFFFE000  }
0x150: {  	_ =	swait.ge [sflag:s6], $0x2000  }
0x151: {  	[sflag:s6] =	ssyncset.done $0x0  }
0x152: {  	s29 =	rddreg [dreg:$0x6];
	[sflag:s6] =	ssyncadd.s32 $0xFFFFE000  }
0x153: {  	[hbm4b:s29+s7] =	stream.strided.scatter [tilespmem:s5], [sflag:$0x2], $0xA000, s4, s7, $0x38;
	[tilespmem:$0xAA00] =	vst v63  }
0x154: {  	_ =	swait.ge [sflag:s2], $0xA000  }
0x155: {  	[sflag:s2] =	ssyncset.done $0x0  }
0x156: {  	[sflag:s2] =	ssyncadd.s32 $0xFFFF6000  }
0x157: {  	[tilespmem:s5], [sflag:$0x1] =	stream.indirect.gather [hbm4b:s3+s4], $0x40, s12, s4, $0xb8;
	[tilespmem:$0xAA00] =	vst v63  }
0x158: {  	_ = 	snop  }
0x159: {  	[tilespmem:s8], [sflag:$0x1] =	stream.indirect.gather [hbm4b:s3+s4], $0x40, s13, s4, $0xb8;
	[tilespmem:$0xAA00] =	vst v63  }
0x15a: {  	_ = 	snop  }
0x15b: {  	[tilespmem:s9], [sflag:$0x1] =	stream.indirect.gather [hbm4b:s3+s4], $0x40, s14, s4, $0xb8;
	[tilespmem:$0xAA00] =	vst v63  }
0x15c: {  	_ = 	snop  }
0x15d: {  	[tilespmem:s10], [sflag:$0x1] =	stream.indirect.gather [hbm4b:s3+s4], $0x40, s15, s4, $0xb8;
	[tilespmem:$0xAA00] =	vst v63  }
0x15e: {  	_ = 	snop  }
0x15f: {  	[tilespmem:s11], [sflag:$0x1] =	stream.indirect.gather [hbm4b:s3+s4], $0x40, s16, s4, $0xb8;
	[tilespmem:$0xAA00] =	vst v63  }
0x160: {  	_ =	swait.ge [sflag:s6], $0x2000  }
0x161: {  	[sflag:s6] =	ssyncset.done $0x0  }
0x162: {  	[sflag:s6] =	ssyncadd.s32 $0xFFFFE000  }
0x163: {  	_ =	swait.ge [sflag:s6], $0x2000  }
0x164: {  	[sflag:s6] =	ssyncset.done $0x0  }
0x165: {  	[sflag:s6] =	ssyncadd.s32 $0xFFFFE000  }
0x166: {  	_ =	swait.ge [sflag:s6], $0x2000  }
0x167: {  	[sflag:s6] =	ssyncset.done $0x0  }
0x168: {  	[sflag:s6] =	ssyncadd.s32 $0xFFFFE000  }
0x169: {  	_ =	swait.ge [sflag:s6], $0x2000  }
0x16a: {  	[sflag:s6] =	ssyncset.done $0x0  }
0x16b: {  	[sflag:s6] =	ssyncadd.s32 $0xFFFFE000  }
0x16c: {  	_ =	swait.ge [sflag:s6], $0x2000  }
0x16d: {  	[sflag:s6] =	ssyncset.done $0x0  }
0x16e: {  	s30 =	rddreg [dreg:$0x7];
	[sflag:s6] =	ssyncadd.s32 $0xFFFFE000  }
0x16f: {  	[hbm4b:s30+s7] =	stream.strided.scatter [tilespmem:s5], [sflag:$0x2], $0xA000, s4, s7, $0x38;
	[tilespmem:$0xAA00] =	vst v63  }
0x170: {  	_ =	swait.ge [sflag:s2], $0xA000  }
0x171: {  	[sflag:s2] =	ssyncset.done $0x0  }
0x172: {  	[sflag:s2] =	ssyncadd.s32 $0xFFFF6000  }
0x173: {  	_ =	sfence.sel $0x180000  }
0x174: {  	[bflag:$0x0] =	sbarrier.arrive $0xFFFF  }
0x175: {  	_ =	strace $0x90000047  }
0x176: {  	s31 =	stileid.u32;
	[bflag:$0x2] =	sbarrier.arrive $0xFFFF  }
0x177: {  	p0 =	sne.s32 s31, $0x0;
	s0 =	rddreg [dreg:$0x2]  }
0x178: {  	s0 =	sadd.s32 @!p0 $0x100000, s0  }
0x179: {  	[sflag:s0] =	ssyncadd.tile.s32 @!p0 $0x1;
	_ =	shalt  }
.Lfunc_end2:
_tile_overlayer_lowered:
.L_overlay_start_2:
0x17a: {  	(tag) =	ssettag $0x2  }
0x17b: {  	s0 =	rddreg [dreg:$0x0];
	s2 =	stileid.u32  }
0x17c: {  	s1 =	rddreg [dreg:$0x1];
	p0 =	sne.s32 s2, $0x0  }
0x17d: {  	s3 =	rddreg [dreg:$0x2];
	[bflag:$0x3] =	sbarrier.arrive $0xFFFF;
	s2 =	simm.s32 @!p0 $0x1C02  }
0x17e: {  	[timem:s3], [sflag:s2] =	dma.local @!p0 [hbm:s0], s1  }
0x17f: {  	s0 =	simm.s32 @!p0 $0x2  }
0x180: {  	_ =	swait.ge @!p0 [sflag:s0], s1  }
0x181: {  	s1 =	ssub.s32 @!p0 $0x0, s1;
	[sflag:s0] =	ssyncset.done @!p0 $0x0  }
0x182: {  	[sflag:s0] =	ssyncadd.s32 @!p0 s1  }
0x183: {  	[bflag:$0x3] =	sbarrier.arrive $0xFFFF  }
0x184: {  	_ =	shalt  }

</sc_bundles>
